<compile_context>
chip_gen: v7x
topology: tpu7x:2x2x1
jax: 0.10.2.dev20260603
libtpu: 0.0.44.dev20260713+nightly
codegen_flags: <defaults>
</compile_context>

<pallas_src>
import functools

import jax
import jax.numpy as jnp
from jax import lax
from jax.experimental import pallas as pl
from jax.experimental.pallas import tpu as pltpu
from jax.experimental.pallas import tpu_sc as plsc

NB_SITES = 20
TABLE = 2 ** NB_SITES
MASK = TABLE - 1

_info = plsc.get_sparse_core_info()
NC, NS, L = _info.num_cores, _info.num_subcores, _info.num_lanes
NW = NC * NS

CHUNK = 128
GPC = CHUNK // L
NSTREAM = 6


def _build(batch):
    epw = batch // NW
    nch = epw // CHUNK
    mesh = plsc.VectorSubcoreMesh(core_axis_name="c", subcore_axis_name="s")

    @functools.partial(
        pl.kernel,
        mesh=mesh,
        out_type=jax.ShapeDtypeStruct((2, batch), jnp.float32),
        scratch_types=[
            pltpu.VMEM((NB_SITES, epw), jnp.int32),
            pltpu.VMEM((NSTREAM, nch, CHUNK), jnp.int32),
            pltpu.VMEM((NSTREAM, nch, CHUNK), jnp.float32),
            pltpu.VMEM((2, epw), jnp.float32),
        ] + [pltpu.SemaphoreType.DMA] * 4,
    )
    def sc_kernel(s_hbm, tab_hbm, out_hbm, s_v, idx_v, val_v, out_v,
                  sem0, sem1, sem2, sem3):
        sems = [sem0, sem1, sem2, sem3]
        wid = lax.axis_index("s") * NC + lax.axis_index("c")
        base = wid * epw
        pltpu.sync_copy(s_hbm.at[:, pl.ds(base, epw)], s_v)

        copies = [[] for _ in range(nch)]
        for c in range(nch):
            def grp_body(g, _, c=c):
                pos = c * CHUNK + g * L
                acc = jnp.zeros((L,), jnp.int32)
                for j in range(NB_SITES):
                    bits = s_v[j, pl.ds(pos, L)]
                    acc = (acc << 1) + bits
                off = g * L
                idx_v[0, c, pl.ds(off, L)] = acc
                idx_v[1, c, pl.ds(off, L)] = acc + TABLE
                idx_v[2, c, pl.ds(off, L)] = ((acc + 3) & MASK) + TABLE
                idx_v[3, c, pl.ds(off, L)] = acc >> 1
                idx_v[4, c, pl.ds(off, L)] = ((acc * 5) & MASK) + TABLE
                idx_v[5, c, pl.ds(off, L)] = (acc - 1) & MASK
                return 0

            lax.fori_loop(0, GPC, grp_body, 0)
            sem_c = sems[c % 4]
            for k in range(NSTREAM):
                copies[c].append(
                    pltpu.async_copy(tab_hbm.at[idx_v.at[k, c]], val_v.at[k, c],
                                     sem_c))

        for c in range(nch):
            for cp in copies[c]:
                cp.wait()

            def out_body(g, _, c=c):
                off = g * L
                a_r = val_v[0, c, pl.ds(off, L)]
                a_i = val_v[1, c, pl.ds(off, L)]
                b_i = val_v[2, c, pl.ds(off, L)]
                c_r = val_v[3, c, pl.ds(off, L)]
                d_i = val_v[4, c, pl.ds(off, L)]
                e_r = val_v[5, c, pl.ds(off, L)]
                p = c * CHUNK + g * L
                out_v[0, pl.ds(p, L)] = a_r * 2.0 * b_i / c_r
                out_v[1, pl.ds(p, L)] = a_i / 3.0 / d_i * e_r
                return 0

            lax.fori_loop(0, GPC, out_body, 0)

        pltpu.sync_copy(out_v, out_hbm.at[:, pl.ds(base, epw)])

    return sc_kernel


def kernel(s, log_psi):
    batch = s.shape[0]
    s_t = s.astype(jnp.int32).T
    tab = jnp.concatenate([log_psi.real, log_psi.imag])
    out = _build(batch)(s_t, tab)
    return lax.complex(out[0], out[1])

# --- scband reference (transcript-rebuilt; emitter-appended) ---
"""Pipeline reference for scband-full-parametrization-20572893348404 (READ-ONLY COPY).

The authoritative reference and input builder live on the scoring server;
editing this copy changes nothing except your own understanding.
"""

import jax, jax.numpy as jnp
import numpy as np

NB_SITES = 20
TABLE = 2 ** NB_SITES
BATCH = 16384


def setup_inputs(seed: int = 0) -> dict:
    key = jax.random.key(seed)
    k1, k2, k3 = jax.random.split(key, 3)
    # spin configurations, values in {0, 1}
    s = jax.random.randint(k1, (BATCH, NB_SITES), 0, 2, dtype=jnp.int32)
    # learned parameter log_psi: complex64 table of size 2**nb_sites.
    # Original init is jnp.log(psi0) with psi0 undefined in the snippet; we
    # materialize an equivalent complex table directly, with real/imag parts
    # bounded away from zero since both appear as denominators.
    re = jax.random.normal(k2, (TABLE,), dtype=jnp.float32) * 0.1 + 1.0
    im = jax.random.normal(k3, (TABLE,), dtype=jnp.float32) * 0.1 + 1.0
    log_psi = (re + 1j * im).astype(jnp.complex64)
    return {"s": s, "log_psi": log_psi}


def reference(s, log_psi):
    n = NB_SITES
    M = 2 ** n
    # normalize=False, so the logsumexp branch is skipped
    powers_of_two = jnp.flip(jnp.array([2 ** i for i in range(n)], dtype=jnp.int32))
    inds = (s.astype(jnp.int32) * powers_of_two).sum(-1)
    lp = log_psi
    out = (lp[inds].real * 2 * lp[(inds + 3) % M].imag / lp[(inds // 2) % M].real
           + 1j * lp[inds].imag / 3 / lp[(inds * 5) % M].imag * lp[(inds - 1) % M].real)
    return out

if __name__ == "__main__":
    import jax
    _d = setup_inputs()
    print(jax.jit(kernel)(*tuple(_d.values())))

</pallas_src>

<mosaic_0001>
#map = affine_map<(d0, d1) -> (0, 0)>
#map1 = affine_map<(d0, d1) -> (0)>
module attributes {stable_mosaic.version = 14 : i64} {
  func.func @sc_kernel(%arg0: i32, %arg1: i32, %arg2: memref<20x16384xi32, #tpu.memory_space<hbm>>, %arg3: memref<2097152xf32, #tpu.memory_space<hbm>>, %arg4: memref<2x16384xf32, #tpu.memory_space<hbm>>, %arg5: memref<20x512xi32, #tpu.memory_space<vmem>>, %arg6: memref<6x4x128xi32, #tpu.memory_space<vmem>>, %arg7: memref<6x4x128xf32, #tpu.memory_space<vmem>>, %arg8: memref<2x512xf32, #tpu.memory_space<vmem>>, %arg9: memref<!tpu.dma_semaphore, #tpu.memory_space<semaphore_mem>>, %arg10: memref<!tpu.dma_semaphore, #tpu.memory_space<semaphore_mem>>, %arg11: memref<!tpu.dma_semaphore, #tpu.memory_space<semaphore_mem>>, %arg12: memref<!tpu.dma_semaphore, #tpu.memory_space<semaphore_mem>>) attributes {dimension_semantics = [#tpu.dimension_semantics<core_parallel>, #tpu.dimension_semantics<subcore_parallel>], iteration_bounds = array<i64: 2, 16>, scalar_prefetch = 0 : i64, scratch_operands = 8 : i64, tpu.core_type = #tpu.core_type<sc_vector_subcore>, window_params = [{transform_indices = #map}, {transform_indices = #map1}, {transform_indices = #map}]} {
    %mul3A = arith.constant 2 : i32
    %mul3A_0 = arith.muli %arg1, %mul3A : i32
    %add3A = arith.addi %mul3A_0, %arg0 : i32
    %mul3A_1 = arith.constant 512 : i32
    %mul3A_2 = arith.muli %add3A, %mul3A_1 : i32
    "tpu.region"() ({
      %run_scoped3A = tpu.sem_alloc : memref<!tpu.dma_semaphore, #tpu.memory_space<semaphore_mem>>
      %dma_start3A_632 = arith.constant 0 : i32
      %dma_start3A_633 = tpu.memref_slice %arg2[%dma_start3A_632, %mul3A_2] : memref<20x16384xi32, #tpu.memory_space<hbm>> -> memref<20x512xi32, #tpu.memory_space<hbm>>
      %dma_start3A_634 = arith.constant 0 : i32
      %dma_start3A_635 = tpu.memref_slice %arg2[%dma_start3A_634, %mul3A_2] : memref<20x16384xi32, #tpu.memory_space<hbm>> -> memref<20x512xi32, #tpu.memory_space<hbm>>
      tpu.enqueue_dma source(%dma_start3A_635 : memref<20x512xi32, #tpu.memory_space<hbm>>) target(%arg5 : memref<20x512xi32, #tpu.memory_space<vmem>>) target_semaphore(%run_scoped3A : memref<!tpu.dma_semaphore, #tpu.memory_space<semaphore_mem>>)
      %dma_wait3A_636 = arith.constant 0 : i32
      %dma_wait3A_637 = tpu.memref_slice %arg2[%dma_wait3A_636, %mul3A_2] : memref<20x16384xi32, #tpu.memory_space<hbm>> -> memref<20x512xi32, #tpu.memory_space<hbm>>
      %dma_wait3A_638 = arith.constant 0 : i32
      %dma_wait3A_639 = tpu.memref_slice %arg2[%dma_wait3A_638, %mul3A_2] : memref<20x16384xi32, #tpu.memory_space<hbm>> -> memref<20x512xi32, #tpu.memory_space<hbm>>
      tpu.wait_dma2 semaphore(%run_scoped3A : memref<!tpu.dma_semaphore, #tpu.memory_space<semaphore_mem>>) src(%dma_wait3A_639 : memref<20x512xi32, #tpu.memory_space<hbm>>) dst(%arg5 : memref<20x512xi32, #tpu.memory_space<vmem>>)
      tpu.yield
    }) : () -> ()
    %scan3A = arith.constant 0 : i32
    %scan3A_3 = arith.constant 0 : i32
    %scan3A_4 = arith.constant 8 : i32
    %scan3A_5 = arith.addi %scan3A_3, %scan3A_4 : i32
    %scan3A_6 = arith.constant 1 : i32
    %scan3A_7 = scf.for %scan3A_632 = %scan3A_3 to %scan3A_5 step %scan3A_6 iter_args(%scan3A_633 = %scan3A) -> (i32)  : i32 {
      %mul3A_634 = arith.constant 16 : i32
      %mul3A_635 = arith.muli %scan3A_632, %mul3A_634 : i32
      %add3A_636 = arith.constant 0 : i32
      %add3A_637 = arith.addi %add3A_636, %mul3A_635 : i32
      %broadcast_in_dim3A = arith.constant 0 : i32
      %broadcast_in_dim3A_638 = vector.broadcast %broadcast_in_dim3A : i32 to vector<16xi32>
      %get3A = arith.constant 0 : i32
      %get3A_639 = arith.index_cast %get3A : i32 to index
      %get3A_640 = arith.index_cast %add3A_637 : i32 to index
      %get3A_641 = tpu.vector_load %arg5[%get3A_639, %get3A_640] {strides = array<i32>} : memref<20x512xi32, #tpu.memory_space<vmem>>, vector<1x16xi32>,
      %get3A_642 = vector.shape_cast %get3A_641 : vector<1x16xi32> to vector<16xi32>
      %shift_left3A = arith.constant 1 : i32
      %shift_left3A_643 = vector.broadcast %shift_left3A : i32 to vector<16xi32>
      %shift_left3A_644 = arith.shli %broadcast_in_dim3A_638, %shift_left3A_643 : vector<16xi32>
      %add3A_645 = arith.addi %shift_left3A_644, %get3A_642 : vector<16xi32>
      %get3A_646 = arith.constant 1 : i32
      %get3A_647 = arith.index_cast %get3A_646 : i32 to index
      %get3A_648 = arith.index_cast %add3A_637 : i32 to index
      %get3A_649 = tpu.vector_load %arg5[%get3A_647, %get3A_648] {strides = array<i32>} : memref<20x512xi32, #tpu.memory_space<vmem>>, vector<1x16xi32>,
      %get3A_650 = vector.shape_cast %get3A_649 : vector<1x16xi32> to vector<16xi32>
      %shift_left3A_651 = arith.constant 1 : i32
      %shift_left3A_652 = vector.broadcast %shift_left3A_651 : i32 to vector<16xi32>
      %shift_left3A_653 = arith.shli %add3A_645, %shift_left3A_652 : vector<16xi32>
      %add3A_654 = arith.addi %shift_left3A_653, %get3A_650 : vector<16xi32>
      %get3A_655 = arith.constant 2 : i32
      %get3A_656 = arith.index_cast %get3A_655 : i32 to index
      %get3A_657 = arith.index_cast %add3A_637 : i32 to index
      %get3A_658 = tpu.vector_load %arg5[%get3A_656, %get3A_657] {strides = array<i32>} : memref<20x512xi32, #tpu.memory_space<vmem>>, vector<1x16xi32>,
      %get3A_659 = vector.shape_cast %get3A_658 : vector<1x16xi32> to vector<16xi32>
      %shift_left3A_660 = arith.constant 1 : i32
      %shift_left3A_661 = vector.broadcast %shift_left3A_660 : i32 to vector<16xi32>
      %shift_left3A_662 = arith.shli %add3A_654, %shift_left3A_661 : vector<16xi32>
      %add3A_663 = arith.addi %shift_left3A_662, %get3A_659 : vector<16xi32>
      %get3A_664 = arith.constant 3 : i32
      %get3A_665 = arith.index_cast %get3A_664 : i32 to index
      %get3A_666 = arith.index_cast %add3A_637 : i32 to index
      %get3A_667 = tpu.vector_load %arg5[%get3A_665, %get3A_666] {strides = array<i32>} : memref<20x512xi32, #tpu.memory_space<vmem>>, vector<1x16xi32>,
      %get3A_668 = vector.shape_cast %get3A_667 : vector<1x16xi32> to vector<16xi32>
      %shift_left3A_669 = arith.constant 1 : i32
      %shift_left3A_670 = vector.broadcast %shift_left3A_669 : i32 to vector<16xi32>
      %shift_left3A_671 = arith.shli %add3A_663, %shift_left3A_670 : vector<16xi32>
      %add3A_672 = arith.addi %shift_left3A_671, %get3A_668 : vector<16xi32>
      %get3A_673 = arith.constant 4 : i32
      %get3A_674 = arith.index_cast %get3A_673 : i32 to index
      %get3A_675 = arith.index_cast %add3A_637 : i32 to index
      %get3A_676 = tpu.vector_load %arg5[%get3A_674, %get3A_675] {strides = array<i32>} : memref<20x512xi32, #tpu.memory_space<vmem>>, vector<1x16xi32>,
      %get3A_677 = vector.shape_cast %get3A_676 : vector<1x16xi32> to vector<16xi32>
      %shift_left3A_678 = arith.constant 1 : i32
      %shift_left3A_679 = vector.broadcast %shift_left3A_678 : i32 to vector<16xi32>
      %shift_left3A_680 = arith.shli %add3A_672, %shift_left3A_679 : vector<16xi32>
      %add3A_681 = arith.addi %shift_left3A_680, %get3A_677 : vector<16xi32>
      %get3A_682 = arith.constant 5 : i32
      %get3A_683 = arith.index_cast %get3A_682 : i32 to index
      %get3A_684 = arith.index_cast %add3A_637 : i32 to index
      %get3A_685 = tpu.vector_load %arg5[%get3A_683, %get3A_684] {strides = array<i32>} : memref<20x512xi32, #tpu.memory_space<vmem>>, vector<1x16xi32>,
      %get3A_686 = vector.shape_cast %get3A_685 : vector<1x16xi32> to vector<16xi32>
      %shift_left3A_687 = arith.constant 1 : i32
      %shift_left3A_688 = vector.broadcast %shift_left3A_687 : i32 to vector<16xi32>
      %shift_left3A_689 = arith.shli %add3A_681, %shift_left3A_688 : vector<16xi32>
      %add3A_690 = arith.addi %shift_left3A_689, %get3A_686 : vector<16xi32>
      %get3A_691 = arith.constant 6 : i32
      %get3A_692 = arith.index_cast %get3A_691 : i32 to index
      %get3A_693 = arith.index_cast %add3A_637 : i32 to index
      %get3A_694 = tpu.vector_load %arg5[%get3A_692, %get3A_693] {strides = array<i32>} : memref<20x512xi32, #tpu.memory_space<vmem>>, vector<1x16xi32>,
      %get3A_695 = vector.shape_cast %get3A_694 : vector<1x16xi32> to vector<16xi32>
      %shift_left3A_696 = arith.constant 1 : i32
      %shift_left3A_697 = vector.broadcast %shift_left3A_696 : i32 to vector<16xi32>
      %shift_left3A_698 = arith.shli %add3A_690, %shift_left3A_697 : vector<16xi32>
      %add3A_699 = arith.addi %shift_left3A_698, %get3A_695 : vector<16xi32>
      %get3A_700 = arith.constant 7 : i32
      %get3A_701 = arith.index_cast %get3A_700 : i32 to index
      %get3A_702 = arith.index_cast %add3A_637 : i32 to index
      %get3A_703 = tpu.vector_load %arg5[%get3A_701, %get3A_702] {strides = array<i32>} : memref<20x512xi32, #tpu.memory_space<vmem>>, vector<1x16xi32>,
      %get3A_704 = vector.shape_cast %get3A_703 : vector<1x16xi32> to vector<16xi32>
      %shift_left3A_705 = arith.constant 1 : i32
      %shift_left3A_706 = vector.broadcast %shift_left3A_705 : i32 to vector<16xi32>
      %shift_left3A_707 = arith.shli %add3A_699, %shift_left3A_706 : vector<16xi32>
      %add3A_708 = arith.addi %shift_left3A_707, %get3A_704 : vector<16xi32>
      %get3A_709 = arith.constant 8 : i32
      %get3A_710 = arith.index_cast %get3A_709 : i32 to index
      %get3A_711 = arith.index_cast %add3A_637 : i32 to index
      %get3A_712 = tpu.vector_load %arg5[%get3A_710, %get3A_711] {strides = array<i32>} : memref<20x512xi32, #tpu.memory_space<vmem>>, vector<1x16xi32>,
      %get3A_713 = vector.shape_cast %get3A_712 : vector<1x16xi32> to vector<16xi32>
      %shift_left3A_714 = arith.constant 1 : i32
      %shift_left3A_715 = vector.broadcast %shift_left3A_714 : i32 to vector<16xi32>
      %shift_left3A_716 = arith.shli %add3A_708, %shift_left3A_715 : vector<16xi32>
      %add3A_717 = arith.addi %shift_left3A_716, %get3A_713 : vector<16xi32>
      %get3A_718 = arith.constant 9 : i32
      %get3A_719 = arith.index_cast %get3A_718 : i32 to index
      %get3A_720 = arith.index_cast %add3A_637 : i32 to index
      %get3A_721 = tpu.vector_load %arg5[%get3A_719, %get3A_720] {strides = array<i32>} : memref<20x512xi32, #tpu.memory_space<vmem>>, vector<1x16xi32>,
      %get3A_722 = vector.shape_cast %get3A_721 : vector<1x16xi32> to vector<16xi32>
      %shift_left3A_723 = arith.constant 1 : i32
      %shift_left3A_724 = vector.broadcast %shift_left3A_723 : i32 to vector<16xi32>
      %shift_left3A_725 = arith.shli %add3A_717, %shift_left3A_724 : vector<16xi32>
      %add3A_726 = arith.addi %shift_left3A_725, %get3A_722 : vector<16xi32>
      %get3A_727 = arith.constant 10 : i32
      %get3A_728 = arith.index_cast %get3A_727 : i32 to index
      %get3A_729 = arith.index_cast %add3A_637 : i32 to index
      %get3A_730 = tpu.vector_load %arg5[%get3A_728, %get3A_729] {strides = array<i32>} : memref<20x512xi32, #tpu.memory_space<vmem>>, vector<1x16xi32>,
      %get3A_731 = vector.shape_cast %get3A_730 : vector<1x16xi32> to vector<16xi32>
      %shift_left3A_732 = arith.constant 1 : i32
      %shift_left3A_733 = vector.broadcast %shift_left3A_732 : i32 to vector<16xi32>
      %shift_left3A_734 = arith.shli %add3A_726, %shift_left3A_733 : vector<16xi32>
      %add3A_735 = arith.addi %shift_left3A_734, %get3A_731 : vector<16xi32>
      %get3A_736 = arith.constant 11 : i32
      %get3A_737 = arith.index_cast %get3A_736 : i32 to index
      %get3A_738 = arith.index_cast %add3A_637 : i32 to index
      %get3A_739 = tpu.vector_load %arg5[%get3A_737, %get3A_738] {strides = array<i32>} : memref<20x512xi32, #tpu.memory_space<vmem>>, vector<1x16xi32>,
      %get3A_740 = vector.shape_cast %get3A_739 : vector<1x16xi32> to vector<16xi32>
      %shift_left3A_741 = arith.constant 1 : i32
      %shift_left3A_742 = vector.broadcast %shift_left3A_741 : i32 to vector<16xi32>
      %shift_left3A_743 = arith.shli %add3A_735, %shift_left3A_742 : vector<16xi32>
      %add3A_744 = arith.addi %shift_left3A_743, %get3A_740 : vector<16xi32>
      %get3A_745 = arith.constant 12 : i32
      %get3A_746 = arith.index_cast %get3A_745 : i32 to index
      %get3A_747 = arith.index_cast %add3A_637 : i32 to index
      %get3A_748 = tpu.vector_load %arg5[%get3A_746, %get3A_747] {strides = array<i32>} : memref<20x512xi32, #tpu.memory_space<vmem>>, vector<1x16xi32>,
      %get3A_749 = vector.shape_cast %get3A_748 : vector<1x16xi32> to vector<16xi32>
      %shift_left3A_750 = arith.constant 1 : i32
      %shift_left3A_751 = vector.broadcast %shift_left3A_750 : i32 to vector<16xi32>
      %shift_left3A_752 = arith.shli %add3A_744, %shift_left3A_751 : vector<16xi32>
      %add3A_753 = arith.addi %shift_left3A_752, %get3A_749 : vector<16xi32>
      %get3A_754 = arith.constant 13 : i32
      %get3A_755 = arith.index_cast %get3A_754 : i32 to index
      %get3A_756 = arith.index_cast %add3A_637 : i32 to index
      %get3A_757 = tpu.vector_load %arg5[%get3A_755, %get3A_756] {strides = array<i32>} : memref<20x512xi32, #tpu.memory_space<vmem>>, vector<1x16xi32>,
      %get3A_758 = vector.shape_cast %get3A_757 : vector<1x16xi32> to vector<16xi32>
      %shift_left3A_759 = arith.constant 1 : i32
      %shift_left3A_760 = vector.broadcast %shift_left3A_759 : i32 to vector<16xi32>
      %shift_left3A_761 = arith.shli %add3A_753, %shift_left3A_760 : vector<16xi32>
      %add3A_762 = arith.addi %shift_left3A_761, %get3A_758 : vector<16xi32>
      %get3A_763 = arith.constant 14 : i32
      %get3A_764 = arith.index_cast %get3A_763 : i32 to index
      %get3A_765 = arith.index_cast %add3A_637 : i32 to index
      %get3A_766 = tpu.vector_load %arg5[%get3A_764, %get3A_765] {strides = array<i32>} : memref<20x512xi32, #tpu.memory_space<vmem>>, vector<1x16xi32>,
      %get3A_767 = vector.shape_cast %get3A_766 : vector<1x16xi32> to vector<16xi32>
      %shift_left3A_768 = arith.constant 1 : i32
      %shift_left3A_769 = vector.broadcast %shift_left3A_768 : i32 to vector<16xi32>
      %shift_left3A_770 = arith.shli %add3A_762, %shift_left3A_769 : vector<16xi32>
      %add3A_771 = arith.addi %shift_left3A_770, %get3A_767 : vector<16xi32>
      %get3A_772 = arith.constant 15 : i32
      %get3A_773 = arith.index_cast %get3A_772 : i32 to index
      %get3A_774 = arith.index_cast %add3A_637 : i32 to index
      %get3A_775 = tpu.vector_load %arg5[%get3A_773, %get3A_774] {strides = array<i32>} : memref<20x512xi32, #tpu.memory_space<vmem>>, vector<1x16xi32>,
      %get3A_776 = vector.shape_cast %get3A_775 : vector<1x16xi32> to vector<16xi32>
      %shift_left3A_777 = arith.constant 1 : i32
      %shift_left3A_778 = vector.broadcast %shift_left3A_777 : i32 to vector<16xi32>
      %shift_left3A_779 = arith.shli %add3A_771, %shift_left3A_778 : vector<16xi32>
      %add3A_780 = arith.addi %shift_left3A_779, %get3A_776 : vector<16xi32>
      %get3A_781 = arith.constant 16 : i32
      %get3A_782 = arith.index_cast %get3A_781 : i32 to index
      %get3A_783 = arith.index_cast %add3A_637 : i32 to index
      %get3A_784 = tpu.vector_load %arg5[%get3A_782, %get3A_783] {strides = array<i32>} : memref<20x512xi32, #tpu.memory_space<vmem>>, vector<1x16xi32>,
      %get3A_785 = vector.shape_cast %get3A_784 : vector<1x16xi32> to vector<16xi32>
      %shift_left3A_786 = arith.constant 1 : i32
      %shift_left3A_787 = vector.broadcast %shift_left3A_786 : i32 to vector<16xi32>
      %shift_left3A_788 = arith.shli %add3A_780, %shift_left3A_787 : vector<16xi32>
      %add3A_789 = arith.addi %shift_left3A_788, %get3A_785 : vector<16xi32>
      %get3A_790 = arith.constant 17 : i32
      %get3A_791 = arith.index_cast %get3A_790 : i32 to index
      %get3A_792 = arith.index_cast %add3A_637 : i32 to index
      %get3A_793 = tpu.vector_load %arg5[%get3A_791, %get3A_792] {strides = array<i32>} : memref<20x512xi32, #tpu.memory_space<vmem>>, vector<1x16xi32>,
      %get3A_794 = vector.shape_cast %get3A_793 : vector<1x16xi32> to vector<16xi32>
      %shift_left3A_795 = arith.constant 1 : i32
      %shift_left3A_796 = vector.broadcast %shift_left3A_795 : i32 to vector<16xi32>
      %shift_left3A_797 = arith.shli %add3A_789, %shift_left3A_796 : vector<16xi32>
      %add3A_798 = arith.addi %shift_left3A_797, %get3A_794 : vector<16xi32>
      %get3A_799 = arith.constant 18 : i32
      %get3A_800 = arith.index_cast %get3A_799 : i32 to index
      %get3A_801 = arith.index_cast %add3A_637 : i32 to index
      %get3A_802 = tpu.vector_load %arg5[%get3A_800, %get3A_801] {strides = array<i32>} : memref<20x512xi32, #tpu.memory_space<vmem>>, vector<1x16xi32>,
      %get3A_803 = vector.shape_cast %get3A_802 : vector<1x16xi32> to vector<16xi32>
      %shift_left3A_804 = arith.constant 1 : i32
      %shift_left3A_805 = vector.broadcast %shift_left3A_804 : i32 to vector<16xi32>
      %shift_left3A_806 = arith.shli %add3A_798, %shift_left3A_805 : vector<16xi32>
      %add3A_807 = arith.addi %shift_left3A_806, %get3A_803 : vector<16xi32>
      %get3A_808 = arith.constant 19 : i32
      %get3A_809 = arith.index_cast %get3A_808 : i32 to index
      %get3A_810 = arith.index_cast %add3A_637 : i32 to index
      %get3A_811 = tpu.vector_load %arg5[%get3A_809, %get3A_810] {strides = array<i32>} : memref<20x512xi32, #tpu.memory_space<vmem>>, vector<1x16xi32>,
      %get3A_812 = vector.shape_cast %get3A_811 : vector<1x16xi32> to vector<16xi32>
      %shift_left3A_813 = arith.constant 1 : i32
      %shift_left3A_814 = vector.broadcast %shift_left3A_813 : i32 to vector<16xi32>
      %shift_left3A_815 = arith.shli %add3A_807, %shift_left3A_814 : vector<16xi32>
      %add3A_816 = arith.addi %shift_left3A_815, %get3A_812 : vector<16xi32>
      %mul3A_817 = arith.constant 16 : i32
      %mul3A_818 = arith.muli %scan3A_632, %mul3A_817 : i32
      %swap3A = arith.constant 0 : i32
      %swap3A_819 = arith.constant 0 : i32
      %swap3A_820 = arith.index_cast %swap3A : i32 to index
      %swap3A_821 = arith.index_cast %swap3A_819 : i32 to index
      %swap3A_822 = arith.index_cast %mul3A_818 : i32 to index
      %swap3A_823 = tpu.vector_load %arg6[%swap3A_820, %swap3A_821, %swap3A_822] {strides = array<i32>} : memref<6x4x128xi32, #tpu.memory_space<vmem>>, vector<1x1x16xi32>,
      %swap3A_824 = vector.shape_cast %swap3A_823 : vector<1x1x16xi32> to vector<16xi32>
      %swap3A_825 = vector.shape_cast %add3A_816 : vector<16xi32> to vector<1x1x16xi32>
      tpu.vector_store %arg6[%swap3A_820, %swap3A_821, %swap3A_822], %swap3A_825 {strides = array<i32>} : memref<6x4x128xi32, #tpu.memory_space<vmem>>, vector<1x1x16xi32>,
      %add3A_826 = arith.constant 1048576 : i32
      %add3A_827 = vector.broadcast %add3A_826 : i32 to vector<16xi32>
      %add3A_828 = arith.addi %add3A_816, %add3A_827 : vector<16xi32>
      %swap3A_829 = arith.constant 1 : i32
      %swap3A_830 = arith.constant 0 : i32
      %swap3A_831 = arith.index_cast %swap3A_829 : i32 to index
      %swap3A_832 = arith.index_cast %swap3A_830 : i32 to index
      %swap3A_833 = arith.index_cast %mul3A_818 : i32 to index
      %swap3A_834 = tpu.vector_load %arg6[%swap3A_831, %swap3A_832, %swap3A_833] {strides = array<i32>} : memref<6x4x128xi32, #tpu.memory_space<vmem>>, vector<1x1x16xi32>,
      %swap3A_835 = vector.shape_cast %swap3A_834 : vector<1x1x16xi32> to vector<16xi32>
      %swap3A_836 = vector.shape_cast %add3A_828 : vector<16xi32> to vector<1x1x16xi32>
      tpu.vector_store %arg6[%swap3A_831, %swap3A_832, %swap3A_833], %swap3A_836 {strides = array<i32>} : memref<6x4x128xi32, #tpu.memory_space<vmem>>, vector<1x1x16xi32>,
      %add3A_837 = arith.constant 3 : i32
      %add3A_838 = vector.broadcast %add3A_837 : i32 to vector<16xi32>
      %add3A_839 = arith.addi %add3A_816, %add3A_838 : vector<16xi32>
      %and3A = arith.constant 1048575 : i32
      %and3A_840 = vector.broadcast %and3A : i32 to vector<16xi32>
      %and3A_841 = arith.andi %add3A_839, %and3A_840 : vector<16xi32>
      %add3A_842 = arith.constant 1048576 : i32
      %add3A_843 = vector.broadcast %add3A_842 : i32 to vector<16xi32>
      %add3A_844 = arith.addi %and3A_841, %add3A_843 : vector<16xi32>
      %swap3A_845 = arith.constant 2 : i32
      %swap3A_846 = arith.constant 0 : i32
      %swap3A_847 = arith.index_cast %swap3A_845 : i32 to index
      %swap3A_848 = arith.index_cast %swap3A_846 : i32 to index
      %swap3A_849 = arith.index_cast %mul3A_818 : i32 to index
      %swap3A_850 = tpu.vector_load %arg6[%swap3A_847, %swap3A_848, %swap3A_849] {strides = array<i32>} : memref<6x4x128xi32, #tpu.memory_space<vmem>>, vector<1x1x16xi32>,
      %swap3A_851 = vector.shape_cast %swap3A_850 : vector<1x1x16xi32> to vector<16xi32>
      %swap3A_852 = vector.shape_cast %add3A_844 : vector<16xi32> to vector<1x1x16xi32>
      tpu.vector_store %arg6[%swap3A_847, %swap3A_848, %swap3A_849], %swap3A_852 {strides = array<i32>} : memref<6x4x128xi32, #tpu.memory_space<vmem>>, vector<1x1x16xi32>,
      %shift_right_arithmetic3A = arith.constant 1 : i32
      %shift_right_arithmetic3A_853 = vector.broadcast %shift_right_arithmetic3A : i32 to vector<16xi32>
      %shift_right_arithmetic3A_854 = arith.shrsi %add3A_816, %shift_right_arithmetic3A_853 : vector<16xi32>
      %swap3A_855 = arith.constant 3 : i32
      %swap3A_856 = arith.constant 0 : i32
      %swap3A_857 = arith.index_cast %swap3A_855 : i32 to index
      %swap3A_858 = arith.index_cast %swap3A_856 : i32 to index
      %swap3A_859 = arith.index_cast %mul3A_818 : i32 to index
      %swap3A_860 = tpu.vector_load %arg6[%swap3A_857, %swap3A_858, %swap3A_859] {strides = array<i32>} : memref<6x4x128xi32, #tpu.memory_space<vmem>>, vector<1x1x16xi32>,
      %swap3A_861 = vector.shape_cast %swap3A_860 : vector<1x1x16xi32> to vector<16xi32>
      %swap3A_862 = vector.shape_cast %shift_right_arithmetic3A_854 : vector<16xi32> to vector<1x1x16xi32>
      tpu.vector_store %arg6[%swap3A_857, %swap3A_858, %swap3A_859], %swap3A_862 {strides = array<i32>} : memref<6x4x128xi32, #tpu.memory_space<vmem>>, vector<1x1x16xi32>,
      %mul3A_863 = arith.constant 5 : i32
      %mul3A_864 = vector.broadcast %mul3A_863 : i32 to vector<16xi32>
      %mul3A_865 = arith.muli %add3A_816, %mul3A_864 : vector<16xi32>
      %and3A_866 = arith.constant 1048575 : i32
      %and3A_867 = vector.broadcast %and3A_866 : i32 to vector<16xi32>
      %and3A_868 = arith.andi %mul3A_865, %and3A_867 : vector<16xi32>
      %add3A_869 = arith.constant 1048576 : i32
      %add3A_870 = vector.broadcast %add3A_869 : i32 to vector<16xi32>
      %add3A_871 = arith.addi %and3A_868, %add3A_870 : vector<16xi32>
      %swap3A_872 = arith.constant 4 : i32
      %swap3A_873 = arith.constant 0 : i32
      %swap3A_874 = arith.index_cast %swap3A_872 : i32 to index
      %swap3A_875 = arith.index_cast %swap3A_873 : i32 to index
      %swap3A_876 = arith.index_cast %mul3A_818 : i32 to index
      %swap3A_877 = tpu.vector_load %arg6[%swap3A_874, %swap3A_875, %swap3A_876] {strides = array<i32>} : memref<6x4x128xi32, #tpu.memory_space<vmem>>, vector<1x1x16xi32>,
      %swap3A_878 = vector.shape_cast %swap3A_877 : vector<1x1x16xi32> to vector<16xi32>
      %swap3A_879 = vector.shape_cast %add3A_871 : vector<16xi32> to vector<1x1x16xi32>
      tpu.vector_store %arg6[%swap3A_874, %swap3A_875, %swap3A_876], %swap3A_879 {strides = array<i32>} : memref<6x4x128xi32, #tpu.memory_space<vmem>>, vector<1x1x16xi32>,
      %sub3A = arith.constant 1 : i32
      %sub3A_880 = vector.broadcast %sub3A : i32 to vector<16xi32>
      %sub3A_881 = arith.subi %add3A_816, %sub3A_880 : vector<16xi32>
      %and3A_882 = arith.constant 1048575 : i32
      %and3A_883 = vector.broadcast %and3A_882 : i32 to vector<16xi32>
      %and3A_884 = arith.andi %sub3A_881, %and3A_883 : vector<16xi32>
      %swap3A_885 = arith.constant 5 : i32
      %swap3A_886 = arith.constant 0 : i32
      %swap3A_887 = arith.index_cast %swap3A_885 : i32 to index
      %swap3A_888 = arith.index_cast %swap3A_886 : i32 to index
      %swap3A_889 = arith.index_cast %mul3A_818 : i32 to index
      %swap3A_890 = tpu.vector_load %arg6[%swap3A_887, %swap3A_888, %swap3A_889] {strides = array<i32>} : memref<6x4x128xi32, #tpu.memory_space<vmem>>, vector<1x1x16xi32>,
      %swap3A_891 = vector.shape_cast %swap3A_890 : vector<1x1x16xi32> to vector<16xi32>
      %swap3A_892 = vector.shape_cast %and3A_884 : vector<16xi32> to vector<1x1x16xi32>
      tpu.vector_store %arg6[%swap3A_887, %swap3A_888, %swap3A_889], %swap3A_892 {strides = array<i32>} : memref<6x4x128xi32, #tpu.memory_space<vmem>>, vector<1x1x16xi32>,
      %scan3A_893 = arith.constant 0 : i32
      scf.yield %scan3A_893 : i32
    }
    %scan3A_8 = arith.constant 8 : i32
    %dma_start3A = arith.constant 0 : i32
    %dma_start3A_9 = arith.constant 0 : i32
    %dma_start3A_10 = arith.constant 0 : i32
    %dma_start3A_11 = arith.constant 0 : i32
    %dma_start3A_12 = arith.constant 0 : i32
    %dma_start3A_13 = tpu.memref_slice %arg7[%dma_start3A_10, %dma_start3A_11, %dma_start3A_12] : memref<6x4x128xf32, #tpu.memory_space<vmem>> -> memref<1x1x128xf32, #tpu.memory_space<vmem>>
    %dma_start3A_14 = tpu.memref_squeeze %dma_start3A_13 : memref<1x1x128xf32, #tpu.memory_space<vmem>> -> memref<128xf32, #tpu.memory_space<vmem>>
    %dma_start3A_15 = arith.constant 0 : i32
    %dma_start3A_16 = tpu.memref_slice %arg6[%dma_start3A, %dma_start3A_9, %dma_start3A_15] : memref<6x4x128xi32, #tpu.memory_space<vmem>> -> memref<1x1x128xi32, #tpu.memory_space<vmem>>
    %dma_start3A_17 = tpu.memref_squeeze %dma_start3A_16 : memref<1x1x128xi32, #tpu.memory_space<vmem>> -> memref<128xi32, #tpu.memory_space<vmem>>
    %dma_start3A_18 = arith.constant 0 : i32
    %dma_start3A_19 = tpu.memref_slice %arg3[%dma_start3A_18] : memref<2097152xf32, #tpu.memory_space<hbm>> -> memref<2097152xf32, #tpu.memory_space<hbm>>
    tpu.enqueue_indirect_dma source(%dma_start3A_19 : memref<2097152xf32, #tpu.memory_space<hbm>>) target(%dma_start3A_14 : memref<128xf32, #tpu.memory_space<vmem>>) offsets(%dma_start3A_17 : memref<128xi32, #tpu.memory_space<vmem>>) semaphore(%arg9 : memref<!tpu.dma_semaphore, #tpu.memory_space<semaphore_mem>>)
    %dma_start3A_20 = arith.constant 1 : i32
    %dma_start3A_21 = arith.constant 0 : i32
    %dma_start3A_22 = arith.constant 1 : i32
    %dma_start3A_23 = arith.constant 0 : i32
    %dma_start3A_24 = arith.constant 0 : i32
    %dma_start3A_25 = tpu.memref_slice %arg7[%dma_start3A_22, %dma_start3A_23, %dma_start3A_24] : memref<6x4x128xf32, #tpu.memory_space<vmem>> -> memref<1x1x128xf32, #tpu.memory_space<vmem>>
    %dma_start3A_26 = tpu.memref_squeeze %dma_start3A_25 : memref<1x1x128xf32, #tpu.memory_space<vmem>> -> memref<128xf32, #tpu.memory_space<vmem>>
    %dma_start3A_27 = arith.constant 0 : i32
    %dma_start3A_28 = tpu.memref_slice %arg6[%dma_start3A_20, %dma_start3A_21, %dma_start3A_27] : memref<6x4x128xi32, #tpu.memory_space<vmem>> -> memref<1x1x128xi32, #tpu.memory_space<vmem>>
    %dma_start3A_29 = tpu.memref_squeeze %dma_start3A_28 : memref<1x1x128xi32, #tpu.memory_space<vmem>> -> memref<128xi32, #tpu.memory_space<vmem>>
    %dma_start3A_30 = arith.constant 0 : i32
    %dma_start3A_31 = tpu.memref_slice %arg3[%dma_start3A_30] : memref<2097152xf32, #tpu.memory_space<hbm>> -> memref<2097152xf32, #tpu.memory_space<hbm>>
    tpu.enqueue_indirect_dma source(%dma_start3A_31 : memref<2097152xf32, #tpu.memory_space<hbm>>) target(%dma_start3A_26 : memref<128xf32, #tpu.memory_space<vmem>>) offsets(%dma_start3A_29 : memref<128xi32, #tpu.memory_space<vmem>>) semaphore(%arg9 : memref<!tpu.dma_semaphore, #tpu.memory_space<semaphore_mem>>)
    %dma_start3A_32 = arith.constant 2 : i32
    %dma_start3A_33 = arith.constant 0 : i32
    %dma_start3A_34 = arith.constant 2 : i32
    %dma_start3A_35 = arith.constant 0 : i32
    %dma_start3A_36 = arith.constant 0 : i32
    %dma_start3A_37 = tpu.memref_slice %arg7[%dma_start3A_34, %dma_start3A_35, %dma_start3A_36] : memref<6x4x128xf32, #tpu.memory_space<vmem>> -> memref<1x1x128xf32, #tpu.memory_space<vmem>>
    %dma_start3A_38 = tpu.memref_squeeze %dma_start3A_37 : memref<1x1x128xf32, #tpu.memory_space<vmem>> -> memref<128xf32, #tpu.memory_space<vmem>>
    %dma_start3A_39 = arith.constant 0 : i32
    %dma_start3A_40 = tpu.memref_slice %arg6[%dma_start3A_32, %dma_start3A_33, %dma_start3A_39] : memref<6x4x128xi32, #tpu.memory_space<vmem>> -> memref<1x1x128xi32, #tpu.memory_space<vmem>>
    %dma_start3A_41 = tpu.memref_squeeze %dma_start3A_40 : memref<1x1x128xi32, #tpu.memory_space<vmem>> -> memref<128xi32, #tpu.memory_space<vmem>>
    %dma_start3A_42 = arith.constant 0 : i32
    %dma_start3A_43 = tpu.memref_slice %arg3[%dma_start3A_42] : memref<2097152xf32, #tpu.memory_space<hbm>> -> memref<2097152xf32, #tpu.memory_space<hbm>>
    tpu.enqueue_indirect_dma source(%dma_start3A_43 : memref<2097152xf32, #tpu.memory_space<hbm>>) target(%dma_start3A_38 : memref<128xf32, #tpu.memory_space<vmem>>) offsets(%dma_start3A_41 : memref<128xi32, #tpu.memory_space<vmem>>) semaphore(%arg9 : memref<!tpu.dma_semaphore, #tpu.memory_space<semaphore_mem>>)
    %dma_start3A_44 = arith.constant 3 : i32
    %dma_start3A_45 = arith.constant 0 : i32
    %dma_start3A_46 = arith.constant 3 : i32
    %dma_start3A_47 = arith.constant 0 : i32
    %dma_start3A_48 = arith.constant 0 : i32
    %dma_start3A_49 = tpu.memref_slice %arg7[%dma_start3A_46, %dma_start3A_47, %dma_start3A_48] : memref<6x4x128xf32, #tpu.memory_space<vmem>> -> memref<1x1x128xf32, #tpu.memory_space<vmem>>
    %dma_start3A_50 = tpu.memref_squeeze %dma_start3A_49 : memref<1x1x128xf32, #tpu.memory_space<vmem>> -> memref<128xf32, #tpu.memory_space<vmem>>
    %dma_start3A_51 = arith.constant 0 : i32
    %dma_start3A_52 = tpu.memref_slice %arg6[%dma_start3A_44, %dma_start3A_45, %dma_start3A_51] : memref<6x4x128xi32, #tpu.memory_space<vmem>> -> memref<1x1x128xi32, #tpu.memory_space<vmem>>
    %dma_start3A_53 = tpu.memref_squeeze %dma_start3A_52 : memref<1x1x128xi32, #tpu.memory_space<vmem>> -> memref<128xi32, #tpu.memory_space<vmem>>
    %dma_start3A_54 = arith.constant 0 : i32
    %dma_start3A_55 = tpu.memref_slice %arg3[%dma_start3A_54] : memref<2097152xf32, #tpu.memory_space<hbm>> -> memref<2097152xf32, #tpu.memory_space<hbm>>
    tpu.enqueue_indirect_dma source(%dma_start3A_55 : memref<2097152xf32, #tpu.memory_space<hbm>>) target(%dma_start3A_50 : memref<128xf32, #tpu.memory_space<vmem>>) offsets(%dma_start3A_53 : memref<128xi32, #tpu.memory_space<vmem>>) semaphore(%arg9 : memref<!tpu.dma_semaphore, #tpu.memory_space<semaphore_mem>>)
    %dma_start3A_56 = arith.constant 4 : i32
    %dma_start3A_57 = arith.constant 0 : i32
    %dma_start3A_58 = arith.constant 4 : i32
    %dma_start3A_59 = arith.constant 0 : i32
    %dma_start3A_60 = arith.constant 0 : i32
    %dma_start3A_61 = tpu.memref_slice %arg7[%dma_start3A_58, %dma_start3A_59, %dma_start3A_60] : memref<6x4x128xf32, #tpu.memory_space<vmem>> -> memref<1x1x128xf32, #tpu.memory_space<vmem>>
    %dma_start3A_62 = tpu.memref_squeeze %dma_start3A_61 : memref<1x1x128xf32, #tpu.memory_space<vmem>> -> memref<128xf32, #tpu.memory_space<vmem>>
    %dma_start3A_63 = arith.constant 0 : i32
    %dma_start3A_64 = tpu.memref_slice %arg6[%dma_start3A_56, %dma_start3A_57, %dma_start3A_63] : memref<6x4x128xi32, #tpu.memory_space<vmem>> -> memref<1x1x128xi32, #tpu.memory_space<vmem>>
    %dma_start3A_65 = tpu.memref_squeeze %dma_start3A_64 : memref<1x1x128xi32, #tpu.memory_space<vmem>> -> memref<128xi32, #tpu.memory_space<vmem>>
    %dma_start3A_66 = arith.constant 0 : i32
    %dma_start3A_67 = tpu.memref_slice %arg3[%dma_start3A_66] : memref<2097152xf32, #tpu.memory_space<hbm>> -> memref<2097152xf32, #tpu.memory_space<hbm>>
    tpu.enqueue_indirect_dma source(%dma_start3A_67 : memref<2097152xf32, #tpu.memory_space<hbm>>) target(%dma_start3A_62 : memref<128xf32, #tpu.memory_space<vmem>>) offsets(%dma_start3A_65 : memref<128xi32, #tpu.memory_space<vmem>>) semaphore(%arg9 : memref<!tpu.dma_semaphore, #tpu.memory_space<semaphore_mem>>)
    %dma_start3A_68 = arith.constant 5 : i32
    %dma_start3A_69 = arith.constant 0 : i32
    %dma_start3A_70 = arith.constant 5 : i32
    %dma_start3A_71 = arith.constant 0 : i32
    %dma_start3A_72 = arith.constant 0 : i32
    %dma_start3A_73 = tpu.memref_slice %arg7[%dma_start3A_70, %dma_start3A_71, %dma_start3A_72] : memref<6x4x128xf32, #tpu.memory_space<vmem>> -> memref<1x1x128xf32, #tpu.memory_space<vmem>>
    %dma_start3A_74 = tpu.memref_squeeze %dma_start3A_73 : memref<1x1x128xf32, #tpu.memory_space<vmem>> -> memref<128xf32, #tpu.memory_space<vmem>>
    %dma_start3A_75 = arith.constant 0 : i32
    %dma_start3A_76 = tpu.memref_slice %arg6[%dma_start3A_68, %dma_start3A_69, %dma_start3A_75] : memref<6x4x128xi32, #tpu.memory_space<vmem>> -> memref<1x1x128xi32, #tpu.memory_space<vmem>>
    %dma_start3A_77 = tpu.memref_squeeze %dma_start3A_76 : memref<1x1x128xi32, #tpu.memory_space<vmem>> -> memref<128xi32, #tpu.memory_space<vmem>>
    %dma_start3A_78 = arith.constant 0 : i32
    %dma_start3A_79 = tpu.memref_slice %arg3[%dma_start3A_78] : memref<2097152xf32, #tpu.memory_space<hbm>> -> memref<2097152xf32, #tpu.memory_space<hbm>>
    tpu.enqueue_indirect_dma source(%dma_start3A_79 : memref<2097152xf32, #tpu.memory_space<hbm>>) target(%dma_start3A_74 : memref<128xf32, #tpu.memory_space<vmem>>) offsets(%dma_start3A_77 : memref<128xi32, #tpu.memory_space<vmem>>) semaphore(%arg9 : memref<!tpu.dma_semaphore, #tpu.memory_space<semaphore_mem>>)
    %scan3A_80 = arith.constant 0 : i32
    %scan3A_81 = arith.constant 0 : i32
    %scan3A_82 = arith.constant 8 : i32
    %scan3A_83 = arith.addi %scan3A_81, %scan3A_82 : i32
    %scan3A_84 = arith.constant 1 : i32
    %scan3A_85 = scf.for %scan3A_632 = %scan3A_81 to %scan3A_83 step %scan3A_84 iter_args(%scan3A_633 = %scan3A_80) -> (i32)  : i32 {
      %mul3A_634 = arith.constant 16 : i32
      %mul3A_635 = arith.muli %scan3A_632, %mul3A_634 : i32
      %add3A_636 = arith.constant 128 : i32
      %add3A_637 = arith.addi %add3A_636, %mul3A_635 : i32
      %broadcast_in_dim3A = arith.constant 0 : i32
      %broadcast_in_dim3A_638 = vector.broadcast %broadcast_in_dim3A : i32 to vector<16xi32>
      %get3A = arith.constant 0 : i32
      %get3A_639 = arith.index_cast %get3A : i32 to index
      %get3A_640 = arith.index_cast %add3A_637 : i32 to index
      %get3A_641 = tpu.vector_load %arg5[%get3A_639, %get3A_640] {strides = array<i32>} : memref<20x512xi32, #tpu.memory_space<vmem>>, vector<1x16xi32>,
      %get3A_642 = vector.shape_cast %get3A_641 : vector<1x16xi32> to vector<16xi32>
      %shift_left3A = arith.constant 1 : i32
      %shift_left3A_643 = vector.broadcast %shift_left3A : i32 to vector<16xi32>
      %shift_left3A_644 = arith.shli %broadcast_in_dim3A_638, %shift_left3A_643 : vector<16xi32>
      %add3A_645 = arith.addi %shift_left3A_644, %get3A_642 : vector<16xi32>
      %get3A_646 = arith.constant 1 : i32
      %get3A_647 = arith.index_cast %get3A_646 : i32 to index
      %get3A_648 = arith.index_cast %add3A_637 : i32 to index
      %get3A_649 = tpu.vector_load %arg5[%get3A_647, %get3A_648] {strides = array<i32>} : memref<20x512xi32, #tpu.memory_space<vmem>>, vector<1x16xi32>,
      %get3A_650 = vector.shape_cast %get3A_649 : vector<1x16xi32> to vector<16xi32>
      %shift_left3A_651 = arith.constant 1 : i32
      %shift_left3A_652 = vector.broadcast %shift_left3A_651 : i32 to vector<16xi32>
      %shift_left3A_653 = arith.shli %add3A_645, %shift_left3A_652 : vector<16xi32>
      %add3A_654 = arith.addi %shift_left3A_653, %get3A_650 : vector<16xi32>
      %get3A_655 = arith.constant 2 : i32
      %get3A_656 = arith.index_cast %get3A_655 : i32 to index
      %get3A_657 = arith.index_cast %add3A_637 : i32 to index
      %get3A_658 = tpu.vector_load %arg5[%get3A_656, %get3A_657] {strides = array<i32>} : memref<20x512xi32, #tpu.memory_space<vmem>>, vector<1x16xi32>,
      %get3A_659 = vector.shape_cast %get3A_658 : vector<1x16xi32> to vector<16xi32>
      %shift_left3A_660 = arith.constant 1 : i32
      %shift_left3A_661 = vector.broadcast %shift_left3A_660 : i32 to vector<16xi32>
      %shift_left3A_662 = arith.shli %add3A_654, %shift_left3A_661 : vector<16xi32>
      %add3A_663 = arith.addi %shift_left3A_662, %get3A_659 : vector<16xi32>
      %get3A_664 = arith.constant 3 : i32
      %get3A_665 = arith.index_cast %get3A_664 : i32 to index
      %get3A_666 = arith.index_cast %add3A_637 : i32 to index
      %get3A_667 = tpu.vector_load %arg5[%get3A_665, %get3A_666] {strides = array<i32>} : memref<20x512xi32, #tpu.memory_space<vmem>>, vector<1x16xi32>,
      %get3A_668 = vector.shape_cast %get3A_667 : vector<1x16xi32> to vector<16xi32>
      %shift_left3A_669 = arith.constant 1 : i32
      %shift_left3A_670 = vector.broadcast %shift_left3A_669 : i32 to vector<16xi32>
      %shift_left3A_671 = arith.shli %add3A_663, %shift_left3A_670 : vector<16xi32>
      %add3A_672 = arith.addi %shift_left3A_671, %get3A_668 : vector<16xi32>
      %get3A_673 = arith.constant 4 : i32
      %get3A_674 = arith.index_cast %get3A_673 : i32 to index
      %get3A_675 = arith.index_cast %add3A_637 : i32 to index
      %get3A_676 = tpu.vector_load %arg5[%get3A_674, %get3A_675] {strides = array<i32>} : memref<20x512xi32, #tpu.memory_space<vmem>>, vector<1x16xi32>,
      %get3A_677 = vector.shape_cast %get3A_676 : vector<1x16xi32> to vector<16xi32>
      %shift_left3A_678 = arith.constant 1 : i32
      %shift_left3A_679 = vector.broadcast %shift_left3A_678 : i32 to vector<16xi32>
      %shift_left3A_680 = arith.shli %add3A_672, %shift_left3A_679 : vector<16xi32>
      %add3A_681 = arith.addi %shift_left3A_680, %get3A_677 : vector<16xi32>
      %get3A_682 = arith.constant 5 : i32
      %get3A_683 = arith.index_cast %get3A_682 : i32 to index
      %get3A_684 = arith.index_cast %add3A_637 : i32 to index
      %get3A_685 = tpu.vector_load %arg5[%get3A_683, %get3A_684] {strides = array<i32>} : memref<20x512xi32, #tpu.memory_space<vmem>>, vector<1x16xi32>,
      %get3A_686 = vector.shape_cast %get3A_685 : vector<1x16xi32> to vector<16xi32>
      %shift_left3A_687 = arith.constant 1 : i32
      %shift_left3A_688 = vector.broadcast %shift_left3A_687 : i32 to vector<16xi32>
      %shift_left3A_689 = arith.shli %add3A_681, %shift_left3A_688 : vector<16xi32>
      %add3A_690 = arith.addi %shift_left3A_689, %get3A_686 : vector<16xi32>
      %get3A_691 = arith.constant 6 : i32
      %get3A_692 = arith.index_cast %get3A_691 : i32 to index
      %get3A_693 = arith.index_cast %add3A_637 : i32 to index
      %get3A_694 = tpu.vector_load %arg5[%get3A_692, %get3A_693] {strides = array<i32>} : memref<20x512xi32, #tpu.memory_space<vmem>>, vector<1x16xi32>,
      %get3A_695 = vector.shape_cast %get3A_694 : vector<1x16xi32> to vector<16xi32>
      %shift_left3A_696 = arith.constant 1 : i32
      %shift_left3A_697 = vector.broadcast %shift_left3A_696 : i32 to vector<16xi32>
      %shift_left3A_698 = arith.shli %add3A_690, %shift_left3A_697 : vector<16xi32>
      %add3A_699 = arith.addi %shift_left3A_698, %get3A_695 : vector<16xi32>
      %get3A_700 = arith.constant 7 : i32
      %get3A_701 = arith.index_cast %get3A_700 : i32 to index
      %get3A_702 = arith.index_cast %add3A_637 : i32 to index
      %get3A_703 = tpu.vector_load %arg5[%get3A_701, %get3A_702] {strides = array<i32>} : memref<20x512xi32, #tpu.memory_space<vmem>>, vector<1x16xi32>,
      %get3A_704 = vector.shape_cast %get3A_703 : vector<1x16xi32> to vector<16xi32>
      %shift_left3A_705 = arith.constant 1 : i32
      %shift_left3A_706 = vector.broadcast %shift_left3A_705 : i32 to vector<16xi32>
      %shift_left3A_707 = arith.shli %add3A_699, %shift_left3A_706 : vector<16xi32>
      %add3A_708 = arith.addi %shift_left3A_707, %get3A_704 : vector<16xi32>
      %get3A_709 = arith.constant 8 : i32
      %get3A_710 = arith.index_cast %get3A_709 : i32 to index
      %get3A_711 = arith.index_cast %add3A_637 : i32 to index
      %get3A_712 = tpu.vector_load %arg5[%get3A_710, %get3A_711] {strides = array<i32>} : memref<20x512xi32, #tpu.memory_space<vmem>>, vector<1x16xi32>,
      %get3A_713 = vector.shape_cast %get3A_712 : vector<1x16xi32> to vector<16xi32>
      %shift_left3A_714 = arith.constant 1 : i32
      %shift_left3A_715 = vector.broadcast %shift_left3A_714 : i32 to vector<16xi32>
      %shift_left3A_716 = arith.shli %add3A_708, %shift_left3A_715 : vector<16xi32>
      %add3A_717 = arith.addi %shift_left3A_716, %get3A_713 : vector<16xi32>
      %get3A_718 = arith.constant 9 : i32
      %get3A_719 = arith.index_cast %get3A_718 : i32 to index
      %get3A_720 = arith.index_cast %add3A_637 : i32 to index
      %get3A_721 = tpu.vector_load %arg5[%get3A_719, %get3A_720] {strides = array<i32>} : memref<20x512xi32, #tpu.memory_space<vmem>>, vector<1x16xi32>,
      %get3A_722 = vector.shape_cast %get3A_721 : vector<1x16xi32> to vector<16xi32>
      %shift_left3A_723 = arith.constant 1 : i32
      %shift_left3A_724 = vector.broadcast %shift_left3A_723 : i32 to vector<16xi32>
      %shift_left3A_725 = arith.shli %add3A_717, %shift_left3A_724 : vector<16xi32>
      %add3A_726 = arith.addi %shift_left3A_725, %get3A_722 : vector<16xi32>
      %get3A_727 = arith.constant 10 : i32
      %get3A_728 = arith.index_cast %get3A_727 : i32 to index
      %get3A_729 = arith.index_cast %add3A_637 : i32 to index
      %get3A_730 = tpu.vector_load %arg5[%get3A_728, %get3A_729] {strides = array<i32>} : memref<20x512xi32, #tpu.memory_space<vmem>>, vector<1x16xi32>,
      %get3A_731 = vector.shape_cast %get3A_730 : vector<1x16xi32> to vector<16xi32>
      %shift_left3A_732 = arith.constant 1 : i32
      %shift_left3A_733 = vector.broadcast %shift_left3A_732 : i32 to vector<16xi32>
      %shift_left3A_734 = arith.shli %add3A_726, %shift_left3A_733 : vector<16xi32>
      %add3A_735 = arith.addi %shift_left3A_734, %get3A_731 : vector<16xi32>
      %get3A_736 = arith.constant 11 : i32
      %get3A_737 = arith.index_cast %get3A_736 : i32 to index
      %get3A_738 = arith.index_cast %add3A_637 : i32 to index
      %get3A_739 = tpu.vector_load %arg5[%get3A_737, %get3A_738] {strides = array<i32>} : memref<20x512xi32, #tpu.memory_space<vmem>>, vector<1x16xi32>,
      %get3A_740 = vector.shape_cast %get3A_739 : vector<1x16xi32> to vector<16xi32>
      %shift_left3A_741 = arith.constant 1 : i32
      %shift_left3A_742 = vector.broadcast %shift_left3A_741 : i32 to vector<16xi32>
      %shift_left3A_743 = arith.shli %add3A_735, %shift_left3A_742 : vector<16xi32>
      %add3A_744 = arith.addi %shift_left3A_743, %get3A_740 : vector<16xi32>
      %get3A_745 = arith.constant 12 : i32
      %get3A_746 = arith.index_cast %get3A_745 : i32 to index
      %get3A_747 = arith.index_cast %add3A_637 : i32 to index
      %get3A_748 = tpu.vector_load %arg5[%get3A_746, %get3A_747] {strides = array<i32>} : memref<20x512xi32, #tpu.memory_space<vmem>>, vector<1x16xi32>,
      %get3A_749 = vector.shape_cast %get3A_748 : vector<1x16xi32> to vector<16xi32>
      %shift_left3A_750 = arith.constant 1 : i32
      %shift_left3A_751 = vector.broadcast %shift_left3A_750 : i32 to vector<16xi32>
      %shift_left3A_752 = arith.shli %add3A_744, %shift_left3A_751 : vector<16xi32>
      %add3A_753 = arith.addi %shift_left3A_752, %get3A_749 : vector<16xi32>
      %get3A_754 = arith.constant 13 : i32
      %get3A_755 = arith.index_cast %get3A_754 : i32 to index
      %get3A_756 = arith.index_cast %add3A_637 : i32 to index
      %get3A_757 = tpu.vector_load %arg5[%get3A_755, %get3A_756] {strides = array<i32>} : memref<20x512xi32, #tpu.memory_space<vmem>>, vector<1x16xi32>,
      %get3A_758 = vector.shape_cast %get3A_757 : vector<1x16xi32> to vector<16xi32>
      %shift_left3A_759 = arith.constant 1 : i32
      %shift_left3A_760 = vector.broadcast %shift_left3A_759 : i32 to vector<16xi32>
      %shift_left3A_761 = arith.shli %add3A_753, %shift_left3A_760 : vector<16xi32>
      %add3A_762 = arith.addi %shift_left3A_761, %get3A_758 : vector<16xi32>
      %get3A_763 = arith.constant 14 : i32
      %get3A_764 = arith.index_cast %get3A_763 : i32 to index
      %get3A_765 = arith.index_cast %add3A_637 : i32 to index
      %get3A_766 = tpu.vector_load %arg5[%get3A_764, %get3A_765] {strides = array<i32>} : memref<20x512xi32, #tpu.memory_space<vmem>>, vector<1x16xi32>,
      %get3A_767 = vector.shape_cast %get3A_766 : vector<1x16xi32> to vector<16xi32>
      %shift_left3A_768 = arith.constant 1 : i32
      %shift_left3A_769 = vector.broadcast %shift_left3A_768 : i32 to vector<16xi32>
      %shift_left3A_770 = arith.shli %add3A_762, %shift_left3A_769 : vector<16xi32>
      %add3A_771 = arith.addi %shift_left3A_770, %get3A_767 : vector<16xi32>
      %get3A_772 = arith.constant 15 : i32
      %get3A_773 = arith.index_cast %get3A_772 : i32 to index
      %get3A_774 = arith.index_cast %add3A_637 : i32 to index
      %get3A_775 = tpu.vector_load %arg5[%get3A_773, %get3A_774] {strides = array<i32>} : memref<20x512xi32, #tpu.memory_space<vmem>>, vector<1x16xi32>,
      %get3A_776 = vector.shape_cast %get3A_775 : vector<1x16xi32> to vector<16xi32>
      %shift_left3A_777 = arith.constant 1 : i32
      %shift_left3A_778 = vector.broadcast %shift_left3A_777 : i32 to vector<16xi32>
      %shift_left3A_779 = arith.shli %add3A_771, %shift_left3A_778 : vector<16xi32>
      %add3A_780 = arith.addi %shift_left3A_779, %get3A_776 : vector<16xi32>
      %get3A_781 = arith.constant 16 : i32
      %get3A_782 = arith.index_cast %get3A_781 : i32 to index
      %get3A_783 = arith.index_cast %add3A_637 : i32 to index
      %get3A_784 = tpu.vector_load %arg5[%get3A_782, %get3A_783] {strides = array<i32>} : memref<20x512xi32, #tpu.memory_space<vmem>>, vector<1x16xi32>,
      %get3A_785 = vector.shape_cast %get3A_784 : vector<1x16xi32> to vector<16xi32>
      %shift_left3A_786 = arith.constant 1 : i32
      %shift_left3A_787 = vector.broadcast %shift_left3A_786 : i32 to vector<16xi32>
      %shift_left3A_788 = arith.shli %add3A_780, %shift_left3A_787 : vector<16xi32>
      %add3A_789 = arith.addi %shift_left3A_788, %get3A_785 : vector<16xi32>
      %get3A_790 = arith.constant 17 : i32
      %get3A_791 = arith.index_cast %get3A_790 : i32 to index
      %get3A_792 = arith.index_cast %add3A_637 : i32 to index
      %get3A_793 = tpu.vector_load %arg5[%get3A_791, %get3A_792] {strides = array<i32>} : memref<20x512xi32, #tpu.memory_space<vmem>>, vector<1x16xi32>,
      %get3A_794 = vector.shape_cast %get3A_793 : vector<1x16xi32> to vector<16xi32>
      %shift_left3A_795 = arith.constant 1 : i32
      %shift_left3A_796 = vector.broadcast %shift_left3A_795 : i32 to vector<16xi32>
      %shift_left3A_797 = arith.shli %add3A_789, %shift_left3A_796 : vector<16xi32>
      %add3A_798 = arith.addi %shift_left3A_797, %get3A_794 : vector<16xi32>
      %get3A_799 = arith.constant 18 : i32
      %get3A_800 = arith.index_cast %get3A_799 : i32 to index
      %get3A_801 = arith.index_cast %add3A_637 : i32 to index
      %get3A_802 = tpu.vector_load %arg5[%get3A_800, %get3A_801] {strides = array<i32>} : memref<20x512xi32, #tpu.memory_space<vmem>>, vector<1x16xi32>,
      %get3A_803 = vector.shape_cast %get3A_802 : vector<1x16xi32> to vector<16xi32>
      %shift_left3A_804 = arith.constant 1 : i32
      %shift_left3A_805 = vector.broadcast %shift_left3A_804 : i32 to vector<16xi32>
      %shift_left3A_806 = arith.shli %add3A_798, %shift_left3A_805 : vector<16xi32>
      %add3A_807 = arith.addi %shift_left3A_806, %get3A_803 : vector<16xi32>
      %get3A_808 = arith.constant 19 : i32
      %get3A_809 = arith.index_cast %get3A_808 : i32 to index
      %get3A_810 = arith.index_cast %add3A_637 : i32 to index
      %get3A_811 = tpu.vector_load %arg5[%get3A_809, %get3A_810] {strides = array<i32>} : memref<20x512xi32, #tpu.memory_space<vmem>>, vector<1x16xi32>,
      %get3A_812 = vector.shape_cast %get3A_811 : vector<1x16xi32> to vector<16xi32>
      %shift_left3A_813 = arith.constant 1 : i32
      %shift_left3A_814 = vector.broadcast %shift_left3A_813 : i32 to vector<16xi32>
      %shift_left3A_815 = arith.shli %add3A_807, %shift_left3A_814 : vector<16xi32>
      %add3A_816 = arith.addi %shift_left3A_815, %get3A_812 : vector<16xi32>
      %mul3A_817 = arith.constant 16 : i32
      %mul3A_818 = arith.muli %scan3A_632, %mul3A_817 : i32
      %swap3A = arith.constant 0 : i32
      %swap3A_819 = arith.constant 1 : i32
      %swap3A_820 = arith.index_cast %swap3A : i32 to index
      %swap3A_821 = arith.index_cast %swap3A_819 : i32 to index
      %swap3A_822 = arith.index_cast %mul3A_818 : i32 to index
      %swap3A_823 = tpu.vector_load %arg6[%swap3A_820, %swap3A_821, %swap3A_822] {strides = array<i32>} : memref<6x4x128xi32, #tpu.memory_space<vmem>>, vector<1x1x16xi32>,
      %swap3A_824 = vector.shape_cast %swap3A_823 : vector<1x1x16xi32> to vector<16xi32>
      %swap3A_825 = vector.shape_cast %add3A_816 : vector<16xi32> to vector<1x1x16xi32>
      tpu.vector_store %arg6[%swap3A_820, %swap3A_821, %swap3A_822], %swap3A_825 {strides = array<i32>} : memref<6x4x128xi32, #tpu.memory_space<vmem>>, vector<1x1x16xi32>,
      %add3A_826 = arith.constant 1048576 : i32
      %add3A_827 = vector.broadcast %add3A_826 : i32 to vector<16xi32>
      %add3A_828 = arith.addi %add3A_816, %add3A_827 : vector<16xi32>
      %swap3A_829 = arith.constant 1 : i32
      %swap3A_830 = arith.constant 1 : i32
      %swap3A_831 = arith.index_cast %swap3A_829 : i32 to index
      %swap3A_832 = arith.index_cast %swap3A_830 : i32 to index
      %swap3A_833 = arith.index_cast %mul3A_818 : i32 to index
      %swap3A_834 = tpu.vector_load %arg6[%swap3A_831, %swap3A_832, %swap3A_833] {strides = array<i32>} : memref<6x4x128xi32, #tpu.memory_space<vmem>>, vector<1x1x16xi32>,
      %swap3A_835 = vector.shape_cast %swap3A_834 : vector<1x1x16xi32> to vector<16xi32>
      %swap3A_836 = vector.shape_cast %add3A_828 : vector<16xi32> to vector<1x1x16xi32>
      tpu.vector_store %arg6[%swap3A_831, %swap3A_832, %swap3A_833], %swap3A_836 {strides = array<i32>} : memref<6x4x128xi32, #tpu.memory_space<vmem>>, vector<1x1x16xi32>,
      %add3A_837 = arith.constant 3 : i32
      %add3A_838 = vector.broadcast %add3A_837 : i32 to vector<16xi32>
      %add3A_839 = arith.addi %add3A_816, %add3A_838 : vector<16xi32>
      %and3A = arith.constant 1048575 : i32
      %and3A_840 = vector.broadcast %and3A : i32 to vector<16xi32>
      %and3A_841 = arith.andi %add3A_839, %and3A_840 : vector<16xi32>
      %add3A_842 = arith.constant 1048576 : i32
      %add3A_843 = vector.broadcast %add3A_842 : i32 to vector<16xi32>
      %add3A_844 = arith.addi %and3A_841, %add3A_843 : vector<16xi32>
      %swap3A_845 = arith.constant 2 : i32
      %swap3A_846 = arith.constant 1 : i32
      %swap3A_847 = arith.index_cast %swap3A_845 : i32 to index
      %swap3A_848 = arith.index_cast %swap3A_846 : i32 to index
      %swap3A_849 = arith.index_cast %mul3A_818 : i32 to index
      %swap3A_850 = tpu.vector_load %arg6[%swap3A_847, %swap3A_848, %swap3A_849] {strides = array<i32>} : memref<6x4x128xi32, #tpu.memory_space<vmem>>, vector<1x1x16xi32>,
      %swap3A_851 = vector.shape_cast %swap3A_850 : vector<1x1x16xi32> to vector<16xi32>
      %swap3A_852 = vector.shape_cast %add3A_844 : vector<16xi32> to vector<1x1x16xi32>
      tpu.vector_store %arg6[%swap3A_847, %swap3A_848, %swap3A_849], %swap3A_852 {strides = array<i32>} : memref<6x4x128xi32, #tpu.memory_space<vmem>>, vector<1x1x16xi32>,
      %shift_right_arithmetic3A = arith.constant 1 : i32
      %shift_right_arithmetic3A_853 = vector.broadcast %shift_right_arithmetic3A : i32 to vector<16xi32>
      %shift_right_arithmetic3A_854 = arith.shrsi %add3A_816, %shift_right_arithmetic3A_853 : vector<16xi32>
      %swap3A_855 = arith.constant 3 : i32
      %swap3A_856 = arith.constant 1 : i32
      %swap3A_857 = arith.index_cast %swap3A_855 : i32 to index
      %swap3A_858 = arith.index_cast %swap3A_856 : i32 to index
      %swap3A_859 = arith.index_cast %mul3A_818 : i32 to index
      %swap3A_860 = tpu.vector_load %arg6[%swap3A_857, %swap3A_858, %swap3A_859] {strides = array<i32>} : memref<6x4x128xi32, #tpu.memory_space<vmem>>, vector<1x1x16xi32>,
      %swap3A_861 = vector.shape_cast %swap3A_860 : vector<1x1x16xi32> to vector<16xi32>
      %swap3A_862 = vector.shape_cast %shift_right_arithmetic3A_854 : vector<16xi32> to vector<1x1x16xi32>
      tpu.vector_store %arg6[%swap3A_857, %swap3A_858, %swap3A_859], %swap3A_862 {strides = array<i32>} : memref<6x4x128xi32, #tpu.memory_space<vmem>>, vector<1x1x16xi32>,
      %mul3A_863 = arith.constant 5 : i32
      %mul3A_864 = vector.broadcast %mul3A_863 : i32 to vector<16xi32>
      %mul3A_865 = arith.muli %add3A_816, %mul3A_864 : vector<16xi32>
      %and3A_866 = arith.constant 1048575 : i32
      %and3A_867 = vector.broadcast %and3A_866 : i32 to vector<16xi32>
      %and3A_868 = arith.andi %mul3A_865, %and3A_867 : vector<16xi32>
      %add3A_869 = arith.constant 1048576 : i32
      %add3A_870 = vector.broadcast %add3A_869 : i32 to vector<16xi32>
      %add3A_871 = arith.addi %and3A_868, %add3A_870 : vector<16xi32>
      %swap3A_872 = arith.constant 4 : i32
      %swap3A_873 = arith.constant 1 : i32
      %swap3A_874 = arith.index_cast %swap3A_872 : i32 to index
      %swap3A_875 = arith.index_cast %swap3A_873 : i32 to index
      %swap3A_876 = arith.index_cast %mul3A_818 : i32 to index
      %swap3A_877 = tpu.vector_load %arg6[%swap3A_874, %swap3A_875, %swap3A_876] {strides = array<i32>} : memref<6x4x128xi32, #tpu.memory_space<vmem>>, vector<1x1x16xi32>,
      %swap3A_878 = vector.shape_cast %swap3A_877 : vector<1x1x16xi32> to vector<16xi32>
      %swap3A_879 = vector.shape_cast %add3A_871 : vector<16xi32> to vector<1x1x16xi32>
      tpu.vector_store %arg6[%swap3A_874, %swap3A_875, %swap3A_876], %swap3A_879 {strides = array<i32>} : memref<6x4x128xi32, #tpu.memory_space<vmem>>, vector<1x1x16xi32>,
      %sub3A = arith.constant 1 : i32
      %sub3A_880 = vector.broadcast %sub3A : i32 to vector<16xi32>
      %sub3A_881 = arith.subi %add3A_816, %sub3A_880 : vector<16xi32>
      %and3A_882 = arith.constant 1048575 : i32
      %and3A_883 = vector.broadcast %and3A_882 : i32 to vector<16xi32>
      %and3A_884 = arith.andi %sub3A_881, %and3A_883 : vector<16xi32>
      %swap3A_885 = arith.constant 5 : i32
      %swap3A_886 = arith.constant 1 : i32
      %swap3A_887 = arith.index_cast %swap3A_885 : i32 to index
      %swap3A_888 = arith.index_cast %swap3A_886 : i32 to index
      %swap3A_889 = arith.index_cast %mul3A_818 : i32 to index
      %swap3A_890 = tpu.vector_load %arg6[%swap3A_887, %swap3A_888, %swap3A_889] {strides = array<i32>} : memref<6x4x128xi32, #tpu.memory_space<vmem>>, vector<1x1x16xi32>,
      %swap3A_891 = vector.shape_cast %swap3A_890 : vector<1x1x16xi32> to vector<16xi32>
      %swap3A_892 = vector.shape_cast %and3A_884 : vector<16xi32> to vector<1x1x16xi32>
      tpu.vector_store %arg6[%swap3A_887, %swap3A_888, %swap3A_889], %swap3A_892 {strides = array<i32>} : memref<6x4x128xi32, #tpu.memory_space<vmem>>, vector<1x1x16xi32>,
      %scan3A_893 = arith.constant 0 : i32
      scf.yield %scan3A_893 : i32
    }
    %scan3A_86 = arith.constant 8 : i32
    %dma_start3A_87 = arith.constant 0 : i32
    %dma_start3A_88 = arith.constant 1 : i32
    %dma_start3A_89 = arith.constant 0 : i32
    %dma_start3A_90 = arith.constant 1 : i32
    %dma_start3A_91 = arith.constant 0 : i32
    %dma_start3A_92 = tpu.memref_slice %arg7[%dma_start3A_89, %dma_start3A_90, %dma_start3A_91] : memref<6x4x128xf32, #tpu.memory_space<vmem>> -> memref<1x1x128xf32, #tpu.memory_space<vmem>>
    %dma_start3A_93 = tpu.memref_squeeze %dma_start3A_92 : memref<1x1x128xf32, #tpu.memory_space<vmem>> -> memref<128xf32, #tpu.memory_space<vmem>>
    %dma_start3A_94 = arith.constant 0 : i32
    %dma_start3A_95 = tpu.memref_slice %arg6[%dma_start3A_87, %dma_start3A_88, %dma_start3A_94] : memref<6x4x128xi32, #tpu.memory_space<vmem>> -> memref<1x1x128xi32, #tpu.memory_space<vmem>>
    %dma_start3A_96 = tpu.memref_squeeze %dma_start3A_95 : memref<1x1x128xi32, #tpu.memory_space<vmem>> -> memref<128xi32, #tpu.memory_space<vmem>>
    %dma_start3A_97 = arith.constant 0 : i32
    %dma_start3A_98 = tpu.memref_slice %arg3[%dma_start3A_97] : memref<2097152xf32, #tpu.memory_space<hbm>> -> memref<2097152xf32, #tpu.memory_space<hbm>>
    tpu.enqueue_indirect_dma source(%dma_start3A_98 : memref<2097152xf32, #tpu.memory_space<hbm>>) target(%dma_start3A_93 : memref<128xf32, #tpu.memory_space<vmem>>) offsets(%dma_start3A_96 : memref<128xi32, #tpu.memory_space<vmem>>) semaphore(%arg10 : memref<!tpu.dma_semaphore, #tpu.memory_space<semaphore_mem>>)
    %dma_start3A_99 = arith.constant 1 : i32
    %dma_start3A_100 = arith.constant 1 : i32
    %dma_start3A_101 = arith.constant 1 : i32
    %dma_start3A_102 = arith.constant 1 : i32
    %dma_start3A_103 = arith.constant 0 : i32
    %dma_start3A_104 = tpu.memref_slice %arg7[%dma_start3A_101, %dma_start3A_102, %dma_start3A_103] : memref<6x4x128xf32, #tpu.memory_space<vmem>> -> memref<1x1x128xf32, #tpu.memory_space<vmem>>
    %dma_start3A_105 = tpu.memref_squeeze %dma_start3A_104 : memref<1x1x128xf32, #tpu.memory_space<vmem>> -> memref<128xf32, #tpu.memory_space<vmem>>
    %dma_start3A_106 = arith.constant 0 : i32
    %dma_start3A_107 = tpu.memref_slice %arg6[%dma_start3A_99, %dma_start3A_100, %dma_start3A_106] : memref<6x4x128xi32, #tpu.memory_space<vmem>> -> memref<1x1x128xi32, #tpu.memory_space<vmem>>
    %dma_start3A_108 = tpu.memref_squeeze %dma_start3A_107 : memref<1x1x128xi32, #tpu.memory_space<vmem>> -> memref<128xi32, #tpu.memory_space<vmem>>
    %dma_start3A_109 = arith.constant 0 : i32
    %dma_start3A_110 = tpu.memref_slice %arg3[%dma_start3A_109] : memref<2097152xf32, #tpu.memory_space<hbm>> -> memref<2097152xf32, #tpu.memory_space<hbm>>
    tpu.enqueue_indirect_dma source(%dma_start3A_110 : memref<2097152xf32, #tpu.memory_space<hbm>>) target(%dma_start3A_105 : memref<128xf32, #tpu.memory_space<vmem>>) offsets(%dma_start3A_108 : memref<128xi32, #tpu.memory_space<vmem>>) semaphore(%arg10 : memref<!tpu.dma_semaphore, #tpu.memory_space<semaphore_mem>>)
    %dma_start3A_111 = arith.constant 2 : i32
    %dma_start3A_112 = arith.constant 1 : i32
    %dma_start3A_113 = arith.constant 2 : i32
    %dma_start3A_114 = arith.constant 1 : i32
    %dma_start3A_115 = arith.constant 0 : i32
    %dma_start3A_116 = tpu.memref_slice %arg7[%dma_start3A_113, %dma_start3A_114, %dma_start3A_115] : memref<6x4x128xf32, #tpu.memory_space<vmem>> -> memref<1x1x128xf32, #tpu.memory_space<vmem>>
    %dma_start3A_117 = tpu.memref_squeeze %dma_start3A_116 : memref<1x1x128xf32, #tpu.memory_space<vmem>> -> memref<128xf32, #tpu.memory_space<vmem>>
    %dma_start3A_118 = arith.constant 0 : i32
    %dma_start3A_119 = tpu.memref_slice %arg6[%dma_start3A_111, %dma_start3A_112, %dma_start3A_118] : memref<6x4x128xi32, #tpu.memory_space<vmem>> -> memref<1x1x128xi32, #tpu.memory_space<vmem>>
    %dma_start3A_120 = tpu.memref_squeeze %dma_start3A_119 : memref<1x1x128xi32, #tpu.memory_space<vmem>> -> memref<128xi32, #tpu.memory_space<vmem>>
    %dma_start3A_121 = arith.constant 0 : i32
    %dma_start3A_122 = tpu.memref_slice %arg3[%dma_start3A_121] : memref<2097152xf32, #tpu.memory_space<hbm>> -> memref<2097152xf32, #tpu.memory_space<hbm>>
    tpu.enqueue_indirect_dma source(%dma_start3A_122 : memref<2097152xf32, #tpu.memory_space<hbm>>) target(%dma_start3A_117 : memref<128xf32, #tpu.memory_space<vmem>>) offsets(%dma_start3A_120 : memref<128xi32, #tpu.memory_space<vmem>>) semaphore(%arg10 : memref<!tpu.dma_semaphore, #tpu.memory_space<semaphore_mem>>)
    %dma_start3A_123 = arith.constant 3 : i32
    %dma_start3A_124 = arith.constant 1 : i32
    %dma_start3A_125 = arith.constant 3 : i32
    %dma_start3A_126 = arith.constant 1 : i32
    %dma_start3A_127 = arith.constant 0 : i32
    %dma_start3A_128 = tpu.memref_slice %arg7[%dma_start3A_125, %dma_start3A_126, %dma_start3A_127] : memref<6x4x128xf32, #tpu.memory_space<vmem>> -> memref<1x1x128xf32, #tpu.memory_space<vmem>>
    %dma_start3A_129 = tpu.memref_squeeze %dma_start3A_128 : memref<1x1x128xf32, #tpu.memory_space<vmem>> -> memref<128xf32, #tpu.memory_space<vmem>>
    %dma_start3A_130 = arith.constant 0 : i32
    %dma_start3A_131 = tpu.memref_slice %arg6[%dma_start3A_123, %dma_start3A_124, %dma_start3A_130] : memref<6x4x128xi32, #tpu.memory_space<vmem>> -> memref<1x1x128xi32, #tpu.memory_space<vmem>>
    %dma_start3A_132 = tpu.memref_squeeze %dma_start3A_131 : memref<1x1x128xi32, #tpu.memory_space<vmem>> -> memref<128xi32, #tpu.memory_space<vmem>>
    %dma_start3A_133 = arith.constant 0 : i32
    %dma_start3A_134 = tpu.memref_slice %arg3[%dma_start3A_133] : memref<2097152xf32, #tpu.memory_space<hbm>> -> memref<2097152xf32, #tpu.memory_space<hbm>>
    tpu.enqueue_indirect_dma source(%dma_start3A_134 : memref<2097152xf32, #tpu.memory_space<hbm>>) target(%dma_start3A_129 : memref<128xf32, #tpu.memory_space<vmem>>) offsets(%dma_start3A_132 : memref<128xi32, #tpu.memory_space<vmem>>) semaphore(%arg10 : memref<!tpu.dma_semaphore, #tpu.memory_space<semaphore_mem>>)
    %dma_start3A_135 = arith.constant 4 : i32
    %dma_start3A_136 = arith.constant 1 : i32
    %dma_start3A_137 = arith.constant 4 : i32
    %dma_start3A_138 = arith.constant 1 : i32
    %dma_start3A_139 = arith.constant 0 : i32
    %dma_start3A_140 = tpu.memref_slice %arg7[%dma_start3A_137, %dma_start3A_138, %dma_start3A_139] : memref<6x4x128xf32, #tpu.memory_space<vmem>> -> memref<1x1x128xf32, #tpu.memory_space<vmem>>
    %dma_start3A_141 = tpu.memref_squeeze %dma_start3A_140 : memref<1x1x128xf32, #tpu.memory_space<vmem>> -> memref<128xf32, #tpu.memory_space<vmem>>
    %dma_start3A_142 = arith.constant 0 : i32
    %dma_start3A_143 = tpu.memref_slice %arg6[%dma_start3A_135, %dma_start3A_136, %dma_start3A_142] : memref<6x4x128xi32, #tpu.memory_space<vmem>> -> memref<1x1x128xi32, #tpu.memory_space<vmem>>
    %dma_start3A_144 = tpu.memref_squeeze %dma_start3A_143 : memref<1x1x128xi32, #tpu.memory_space<vmem>> -> memref<128xi32, #tpu.memory_space<vmem>>
    %dma_start3A_145 = arith.constant 0 : i32
    %dma_start3A_146 = tpu.memref_slice %arg3[%dma_start3A_145] : memref<2097152xf32, #tpu.memory_space<hbm>> -> memref<2097152xf32, #tpu.memory_space<hbm>>
    tpu.enqueue_indirect_dma source(%dma_start3A_146 : memref<2097152xf32, #tpu.memory_space<hbm>>) target(%dma_start3A_141 : memref<128xf32, #tpu.memory_space<vmem>>) offsets(%dma_start3A_144 : memref<128xi32, #tpu.memory_space<vmem>>) semaphore(%arg10 : memref<!tpu.dma_semaphore, #tpu.memory_space<semaphore_mem>>)
    %dma_start3A_147 = arith.constant 5 : i32
    %dma_start3A_148 = arith.constant 1 : i32
    %dma_start3A_149 = arith.constant 5 : i32
    %dma_start3A_150 = arith.constant 1 : i32
    %dma_start3A_151 = arith.constant 0 : i32
    %dma_start3A_152 = tpu.memref_slice %arg7[%dma_start3A_149, %dma_start3A_150, %dma_start3A_151] : memref<6x4x128xf32, #tpu.memory_space<vmem>> -> memref<1x1x128xf32, #tpu.memory_space<vmem>>
    %dma_start3A_153 = tpu.memref_squeeze %dma_start3A_152 : memref<1x1x128xf32, #tpu.memory_space<vmem>> -> memref<128xf32, #tpu.memory_space<vmem>>
    %dma_start3A_154 = arith.constant 0 : i32
    %dma_start3A_155 = tpu.memref_slice %arg6[%dma_start3A_147, %dma_start3A_148, %dma_start3A_154] : memref<6x4x128xi32, #tpu.memory_space<vmem>> -> memref<1x1x128xi32, #tpu.memory_space<vmem>>
    %dma_start3A_156 = tpu.memref_squeeze %dma_start3A_155 : memref<1x1x128xi32, #tpu.memory_space<vmem>> -> memref<128xi32, #tpu.memory_space<vmem>>
    %dma_start3A_157 = arith.constant 0 : i32
    %dma_start3A_158 = tpu.memref_slice %arg3[%dma_start3A_157] : memref<2097152xf32, #tpu.memory_space<hbm>> -> memref<2097152xf32, #tpu.memory_space<hbm>>
    tpu.enqueue_indirect_dma source(%dma_start3A_158 : memref<2097152xf32, #tpu.memory_space<hbm>>) target(%dma_start3A_153 : memref<128xf32, #tpu.memory_space<vmem>>) offsets(%dma_start3A_156 : memref<128xi32, #tpu.memory_space<vmem>>) semaphore(%arg10 : memref<!tpu.dma_semaphore, #tpu.memory_space<semaphore_mem>>)
    %scan3A_159 = arith.constant 0 : i32
    %scan3A_160 = arith.constant 0 : i32
    %scan3A_161 = arith.constant 8 : i32
    %scan3A_162 = arith.addi %scan3A_160, %scan3A_161 : i32
    %scan3A_163 = arith.constant 1 : i32
    %scan3A_164 = scf.for %scan3A_632 = %scan3A_160 to %scan3A_162 step %scan3A_163 iter_args(%scan3A_633 = %scan3A_159) -> (i32)  : i32 {
      %mul3A_634 = arith.constant 16 : i32
      %mul3A_635 = arith.muli %scan3A_632, %mul3A_634 : i32
      %add3A_636 = arith.constant 256 : i32
      %add3A_637 = arith.addi %add3A_636, %mul3A_635 : i32
      %broadcast_in_dim3A = arith.constant 0 : i32
      %broadcast_in_dim3A_638 = vector.broadcast %broadcast_in_dim3A : i32 to vector<16xi32>
      %get3A = arith.constant 0 : i32
      %get3A_639 = arith.index_cast %get3A : i32 to index
      %get3A_640 = arith.index_cast %add3A_637 : i32 to index
      %get3A_641 = tpu.vector_load %arg5[%get3A_639, %get3A_640] {strides = array<i32>} : memref<20x512xi32, #tpu.memory_space<vmem>>, vector<1x16xi32>,
      %get3A_642 = vector.shape_cast %get3A_641 : vector<1x16xi32> to vector<16xi32>
      %shift_left3A = arith.constant 1 : i32
      %shift_left3A_643 = vector.broadcast %shift_left3A : i32 to vector<16xi32>
      %shift_left3A_644 = arith.shli %broadcast_in_dim3A_638, %shift_left3A_643 : vector<16xi32>
      %add3A_645 = arith.addi %shift_left3A_644, %get3A_642 : vector<16xi32>
      %get3A_646 = arith.constant 1 : i32
      %get3A_647 = arith.index_cast %get3A_646 : i32 to index
      %get3A_648 = arith.index_cast %add3A_637 : i32 to index
      %get3A_649 = tpu.vector_load %arg5[%get3A_647, %get3A_648] {strides = array<i32>} : memref<20x512xi32, #tpu.memory_space<vmem>>, vector<1x16xi32>,
      %get3A_650 = vector.shape_cast %get3A_649 : vector<1x16xi32> to vector<16xi32>
      %shift_left3A_651 = arith.constant 1 : i32
      %shift_left3A_652 = vector.broadcast %shift_left3A_651 : i32 to vector<16xi32>
      %shift_left3A_653 = arith.shli %add3A_645, %shift_left3A_652 : vector<16xi32>
      %add3A_654 = arith.addi %shift_left3A_653, %get3A_650 : vector<16xi32>
      %get3A_655 = arith.constant 2 : i32
      %get3A_656 = arith.index_cast %get3A_655 : i32 to index
      %get3A_657 = arith.index_cast %add3A_637 : i32 to index
      %get3A_658 = tpu.vector_load %arg5[%get3A_656, %get3A_657] {strides = array<i32>} : memref<20x512xi32, #tpu.memory_space<vmem>>, vector<1x16xi32>,
      %get3A_659 = vector.shape_cast %get3A_658 : vector<1x16xi32> to vector<16xi32>
      %shift_left3A_660 = arith.constant 1 : i32
      %shift_left3A_661 = vector.broadcast %shift_left3A_660 : i32 to vector<16xi32>
      %shift_left3A_662 = arith.shli %add3A_654, %shift_left3A_661 : vector<16xi32>
      %add3A_663 = arith.addi %shift_left3A_662, %get3A_659 : vector<16xi32>
      %get3A_664 = arith.constant 3 : i32
      %get3A_665 = arith.index_cast %get3A_664 : i32 to index
      %get3A_666 = arith.index_cast %add3A_637 : i32 to index
      %get3A_667 = tpu.vector_load %arg5[%get3A_665, %get3A_666] {strides = array<i32>} : memref<20x512xi32, #tpu.memory_space<vmem>>, vector<1x16xi32>,
      %get3A_668 = vector.shape_cast %get3A_667 : vector<1x16xi32> to vector<16xi32>
      %shift_left3A_669 = arith.constant 1 : i32
      %shift_left3A_670 = vector.broadcast %shift_left3A_669 : i32 to vector<16xi32>
      %shift_left3A_671 = arith.shli %add3A_663, %shift_left3A_670 : vector<16xi32>
      %add3A_672 = arith.addi %shift_left3A_671, %get3A_668 : vector<16xi32>
      %get3A_673 = arith.constant 4 : i32
      %get3A_674 = arith.index_cast %get3A_673 : i32 to index
      %get3A_675 = arith.index_cast %add3A_637 : i32 to index
      %get3A_676 = tpu.vector_load %arg5[%get3A_674, %get3A_675] {strides = array<i32>} : memref<20x512xi32, #tpu.memory_space<vmem>>, vector<1x16xi32>,
      %get3A_677 = vector.shape_cast %get3A_676 : vector<1x16xi32> to vector<16xi32>
      %shift_left3A_678 = arith.constant 1 : i32
      %shift_left3A_679 = vector.broadcast %shift_left3A_678 : i32 to vector<16xi32>
      %shift_left3A_680 = arith.shli %add3A_672, %shift_left3A_679 : vector<16xi32>
      %add3A_681 = arith.addi %shift_left3A_680, %get3A_677 : vector<16xi32>
      %get3A_682 = arith.constant 5 : i32
      %get3A_683 = arith.index_cast %get3A_682 : i32 to index
      %get3A_684 = arith.index_cast %add3A_637 : i32 to index
      %get3A_685 = tpu.vector_load %arg5[%get3A_683, %get3A_684] {strides = array<i32>} : memref<20x512xi32, #tpu.memory_space<vmem>>, vector<1x16xi32>,
      %get3A_686 = vector.shape_cast %get3A_685 : vector<1x16xi32> to vector<16xi32>
      %shift_left3A_687 = arith.constant 1 : i32
      %shift_left3A_688 = vector.broadcast %shift_left3A_687 : i32 to vector<16xi32>
      %shift_left3A_689 = arith.shli %add3A_681, %shift_left3A_688 : vector<16xi32>
      %add3A_690 = arith.addi %shift_left3A_689, %get3A_686 : vector<16xi32>
      %get3A_691 = arith.constant 6 : i32
      %get3A_692 = arith.index_cast %get3A_691 : i32 to index
      %get3A_693 = arith.index_cast %add3A_637 : i32 to index
      %get3A_694 = tpu.vector_load %arg5[%get3A_692, %get3A_693] {strides = array<i32>} : memref<20x512xi32, #tpu.memory_space<vmem>>, vector<1x16xi32>,
      %get3A_695 = vector.shape_cast %get3A_694 : vector<1x16xi32> to vector<16xi32>
      %shift_left3A_696 = arith.constant 1 : i32
      %shift_left3A_697 = vector.broadcast %shift_left3A_696 : i32 to vector<16xi32>
      %shift_left3A_698 = arith.shli %add3A_690, %shift_left3A_697 : vector<16xi32>
      %add3A_699 = arith.addi %shift_left3A_698, %get3A_695 : vector<16xi32>
      %get3A_700 = arith.constant 7 : i32
      %get3A_701 = arith.index_cast %get3A_700 : i32 to index
      %get3A_702 = arith.index_cast %add3A_637 : i32 to index
      %get3A_703 = tpu.vector_load %arg5[%get3A_701, %get3A_702] {strides = array<i32>} : memref<20x512xi32, #tpu.memory_space<vmem>>, vector<1x16xi32>,
      %get3A_704 = vector.shape_cast %get3A_703 : vector<1x16xi32> to vector<16xi32>
      %shift_left3A_705 = arith.constant 1 : i32
      %shift_left3A_706 = vector.broadcast %shift_left3A_705 : i32 to vector<16xi32>
      %shift_left3A_707 = arith.shli %add3A_699, %shift_left3A_706 : vector<16xi32>
      %add3A_708 = arith.addi %shift_left3A_707, %get3A_704 : vector<16xi32>
      %get3A_709 = arith.constant 8 : i32
      %get3A_710 = arith.index_cast %get3A_709 : i32 to index
      %get3A_711 = arith.index_cast %add3A_637 : i32 to index
      %get3A_712 = tpu.vector_load %arg5[%get3A_710, %get3A_711] {strides = array<i32>} : memref<20x512xi32, #tpu.memory_space<vmem>>, vector<1x16xi32>,
      %get3A_713 = vector.shape_cast %get3A_712 : vector<1x16xi32> to vector<16xi32>
      %shift_left3A_714 = arith.constant 1 : i32
      %shift_left3A_715 = vector.broadcast %shift_left3A_714 : i32 to vector<16xi32>
      %shift_left3A_716 = arith.shli %add3A_708, %shift_left3A_715 : vector<16xi32>
      %add3A_717 = arith.addi %shift_left3A_716, %get3A_713 : vector<16xi32>
      %get3A_718 = arith.constant 9 : i32
      %get3A_719 = arith.index_cast %get3A_718 : i32 to index
      %get3A_720 = arith.index_cast %add3A_637 : i32 to index
      %get3A_721 = tpu.vector_load %arg5[%get3A_719, %get3A_720] {strides = array<i32>} : memref<20x512xi32, #tpu.memory_space<vmem>>, vector<1x16xi32>,
      %get3A_722 = vector.shape_cast %get3A_721 : vector<1x16xi32> to vector<16xi32>
      %shift_left3A_723 = arith.constant 1 : i32
      %shift_left3A_724 = vector.broadcast %shift_left3A_723 : i32 to vector<16xi32>
      %shift_left3A_725 = arith.shli %add3A_717, %shift_left3A_724 : vector<16xi32>
      %add3A_726 = arith.addi %shift_left3A_725, %get3A_722 : vector<16xi32>
      %get3A_727 = arith.constant 10 : i32
      %get3A_728 = arith.index_cast %get3A_727 : i32 to index
      %get3A_729 = arith.index_cast %add3A_637 : i32 to index
      %get3A_730 = tpu.vector_load %arg5[%get3A_728, %get3A_729] {strides = array<i32>} : memref<20x512xi32, #tpu.memory_space<vmem>>, vector<1x16xi32>,
      %get3A_731 = vector.shape_cast %get3A_730 : vector<1x16xi32> to vector<16xi32>
      %shift_left3A_732 = arith.constant 1 : i32
      %shift_left3A_733 = vector.broadcast %shift_left3A_732 : i32 to vector<16xi32>
      %shift_left3A_734 = arith.shli %add3A_726, %shift_left3A_733 : vector<16xi32>
      %add3A_735 = arith.addi %shift_left3A_734, %get3A_731 : vector<16xi32>
      %get3A_736 = arith.constant 11 : i32
      %get3A_737 = arith.index_cast %get3A_736 : i32 to index
      %get3A_738 = arith.index_cast %add3A_637 : i32 to index
      %get3A_739 = tpu.vector_load %arg5[%get3A_737, %get3A_738] {strides = array<i32>} : memref<20x512xi32, #tpu.memory_space<vmem>>, vector<1x16xi32>,
      %get3A_740 = vector.shape_cast %get3A_739 : vector<1x16xi32> to vector<16xi32>
      %shift_left3A_741 = arith.constant 1 : i32
      %shift_left3A_742 = vector.broadcast %shift_left3A_741 : i32 to vector<16xi32>
      %shift_left3A_743 = arith.shli %add3A_735, %shift_left3A_742 : vector<16xi32>
      %add3A_744 = arith.addi %shift_left3A_743, %get3A_740 : vector<16xi32>
      %get3A_745 = arith.constant 12 : i32
      %get3A_746 = arith.index_cast %get3A_745 : i32 to index
      %get3A_747 = arith.index_cast %add3A_637 : i32 to index
      %get3A_748 = tpu.vector_load %arg5[%get3A_746, %get3A_747] {strides = array<i32>} : memref<20x512xi32, #tpu.memory_space<vmem>>, vector<1x16xi32>,
      %get3A_749 = vector.shape_cast %get3A_748 : vector<1x16xi32> to vector<16xi32>
      %shift_left3A_750 = arith.constant 1 : i32
      %shift_left3A_751 = vector.broadcast %shift_left3A_750 : i32 to vector<16xi32>
      %shift_left3A_752 = arith.shli %add3A_744, %shift_left3A_751 : vector<16xi32>
      %add3A_753 = arith.addi %shift_left3A_752, %get3A_749 : vector<16xi32>
      %get3A_754 = arith.constant 13 : i32
      %get3A_755 = arith.index_cast %get3A_754 : i32 to index
      %get3A_756 = arith.index_cast %add3A_637 : i32 to index
      %get3A_757 = tpu.vector_load %arg5[%get3A_755, %get3A_756] {strides = array<i32>} : memref<20x512xi32, #tpu.memory_space<vmem>>, vector<1x16xi32>,
      %get3A_758 = vector.shape_cast %get3A_757 : vector<1x16xi32> to vector<16xi32>
      %shift_left3A_759 = arith.constant 1 : i32
      %shift_left3A_760 = vector.broadcast %shift_left3A_759 : i32 to vector<16xi32>
      %shift_left3A_761 = arith.shli %add3A_753, %shift_left3A_760 : vector<16xi32>
      %add3A_762 = arith.addi %shift_left3A_761, %get3A_758 : vector<16xi32>
      %get3A_763 = arith.constant 14 : i32
      %get3A_764 = arith.index_cast %get3A_763 : i32 to index
      %get3A_765 = arith.index_cast %add3A_637 : i32 to index
      %get3A_766 = tpu.vector_load %arg5[%get3A_764, %get3A_765] {strides = array<i32>} : memref<20x512xi32, #tpu.memory_space<vmem>>, vector<1x16xi32>,
      %get3A_767 = vector.shape_cast %get3A_766 : vector<1x16xi32> to vector<16xi32>
      %shift_left3A_768 = arith.constant 1 : i32
      %shift_left3A_769 = vector.broadcast %shift_left3A_768 : i32 to vector<16xi32>
      %shift_left3A_770 = arith.shli %add3A_762, %shift_left3A_769 : vector<16xi32>
      %add3A_771 = arith.addi %shift_left3A_770, %get3A_767 : vector<16xi32>
      %get3A_772 = arith.constant 15 : i32
      %get3A_773 = arith.index_cast %get3A_772 : i32 to index
      %get3A_774 = arith.index_cast %add3A_637 : i32 to index
      %get3A_775 = tpu.vector_load %arg5[%get3A_773, %get3A_774] {strides = array<i32>} : memref<20x512xi32, #tpu.memory_space<vmem>>, vector<1x16xi32>,
      %get3A_776 = vector.shape_cast %get3A_775 : vector<1x16xi32> to vector<16xi32>
      %shift_left3A_777 = arith.constant 1 : i32
      %shift_left3A_778 = vector.broadcast %shift_left3A_777 : i32 to vector<16xi32>
      %shift_left3A_779 = arith.shli %add3A_771, %shift_left3A_778 : vector<16xi32>
      %add3A_780 = arith.addi %shift_left3A_779, %get3A_776 : vector<16xi32>
      %get3A_781 = arith.constant 16 : i32
      %get3A_782 = arith.index_cast %get3A_781 : i32 to index
      %get3A_783 = arith.index_cast %add3A_637 : i32 to index
      %get3A_784 = tpu.vector_load %arg5[%get3A_782, %get3A_783] {strides = array<i32>} : memref<20x512xi32, #tpu.memory_space<vmem>>, vector<1x16xi32>,
      %get3A_785 = vector.shape_cast %get3A_784 : vector<1x16xi32> to vector<16xi32>
      %shift_left3A_786 = arith.constant 1 : i32
      %shift_left3A_787 = vector.broadcast %shift_left3A_786 : i32 to vector<16xi32>
      %shift_left3A_788 = arith.shli %add3A_780, %shift_left3A_787 : vector<16xi32>
      %add3A_789 = arith.addi %shift_left3A_788, %get3A_785 : vector<16xi32>
      %get3A_790 = arith.constant 17 : i32
      %get3A_791 = arith.index_cast %get3A_790 : i32 to index
      %get3A_792 = arith.index_cast %add3A_637 : i32 to index
      %get3A_793 = tpu.vector_load %arg5[%get3A_791, %get3A_792] {strides = array<i32>} : memref<20x512xi32, #tpu.memory_space<vmem>>, vector<1x16xi32>,
      %get3A_794 = vector.shape_cast %get3A_793 : vector<1x16xi32> to vector<16xi32>
      %shift_left3A_795 = arith.constant 1 : i32
      %shift_left3A_796 = vector.broadcast %shift_left3A_795 : i32 to vector<16xi32>
      %shift_left3A_797 = arith.shli %add3A_789, %shift_left3A_796 : vector<16xi32>
      %add3A_798 = arith.addi %shift_left3A_797, %get3A_794 : vector<16xi32>
      %get3A_799 = arith.constant 18 : i32
      %get3A_800 = arith.index_cast %get3A_799 : i32 to index
      %get3A_801 = arith.index_cast %add3A_637 : i32 to index
      %get3A_802 = tpu.vector_load %arg5[%get3A_800, %get3A_801] {strides = array<i32>} : memref<20x512xi32, #tpu.memory_space<vmem>>, vector<1x16xi32>,
      %get3A_803 = vector.shape_cast %get3A_802 : vector<1x16xi32> to vector<16xi32>
      %shift_left3A_804 = arith.constant 1 : i32
      %shift_left3A_805 = vector.broadcast %shift_left3A_804 : i32 to vector<16xi32>
      %shift_left3A_806 = arith.shli %add3A_798, %shift_left3A_805 : vector<16xi32>
      %add3A_807 = arith.addi %shift_left3A_806, %get3A_803 : vector<16xi32>
      %get3A_808 = arith.constant 19 : i32
      %get3A_809 = arith.index_cast %get3A_808 : i32 to index
      %get3A_810 = arith.index_cast %add3A_637 : i32 to index
      %get3A_811 = tpu.vector_load %arg5[%get3A_809, %get3A_810] {strides = array<i32>} : memref<20x512xi32, #tpu.memory_space<vmem>>, vector<1x16xi32>,
      %get3A_812 = vector.shape_cast %get3A_811 : vector<1x16xi32> to vector<16xi32>
      %shift_left3A_813 = arith.constant 1 : i32
      %shift_left3A_814 = vector.broadcast %shift_left3A_813 : i32 to vector<16xi32>
      %shift_left3A_815 = arith.shli %add3A_807, %shift_left3A_814 : vector<16xi32>
      %add3A_816 = arith.addi %shift_left3A_815, %get3A_812 : vector<16xi32>
      %mul3A_817 = arith.constant 16 : i32
      %mul3A_818 = arith.muli %scan3A_632, %mul3A_817 : i32
      %swap3A = arith.constant 0 : i32
      %swap3A_819 = arith.constant 2 : i32
      %swap3A_820 = arith.index_cast %swap3A : i32 to index
      %swap3A_821 = arith.index_cast %swap3A_819 : i32 to index
      %swap3A_822 = arith.index_cast %mul3A_818 : i32 to index
      %swap3A_823 = tpu.vector_load %arg6[%swap3A_820, %swap3A_821, %swap3A_822] {strides = array<i32>} : memref<6x4x128xi32, #tpu.memory_space<vmem>>, vector<1x1x16xi32>,
      %swap3A_824 = vector.shape_cast %swap3A_823 : vector<1x1x16xi32> to vector<16xi32>
      %swap3A_825 = vector.shape_cast %add3A_816 : vector<16xi32> to vector<1x1x16xi32>
      tpu.vector_store %arg6[%swap3A_820, %swap3A_821, %swap3A_822], %swap3A_825 {strides = array<i32>} : memref<6x4x128xi32, #tpu.memory_space<vmem>>, vector<1x1x16xi32>,
      %add3A_826 = arith.constant 1048576 : i32
      %add3A_827 = vector.broadcast %add3A_826 : i32 to vector<16xi32>
      %add3A_828 = arith.addi %add3A_816, %add3A_827 : vector<16xi32>
      %swap3A_829 = arith.constant 1 : i32
      %swap3A_830 = arith.constant 2 : i32
      %swap3A_831 = arith.index_cast %swap3A_829 : i32 to index
      %swap3A_832 = arith.index_cast %swap3A_830 : i32 to index
      %swap3A_833 = arith.index_cast %mul3A_818 : i32 to index
      %swap3A_834 = tpu.vector_load %arg6[%swap3A_831, %swap3A_832, %swap3A_833] {strides = array<i32>} : memref<6x4x128xi32, #tpu.memory_space<vmem>>, vector<1x1x16xi32>,
      %swap3A_835 = vector.shape_cast %swap3A_834 : vector<1x1x16xi32> to vector<16xi32>
      %swap3A_836 = vector.shape_cast %add3A_828 : vector<16xi32> to vector<1x1x16xi32>
      tpu.vector_store %arg6[%swap3A_831, %swap3A_832, %swap3A_833], %swap3A_836 {strides = array<i32>} : memref<6x4x128xi32, #tpu.memory_space<vmem>>, vector<1x1x16xi32>,
      %add3A_837 = arith.constant 3 : i32
      %add3A_838 = vector.broadcast %add3A_837 : i32 to vector<16xi32>
      %add3A_839 = arith.addi %add3A_816, %add3A_838 : vector<16xi32>
      %and3A = arith.constant 1048575 : i32
      %and3A_840 = vector.broadcast %and3A : i32 to vector<16xi32>
      %and3A_841 = arith.andi %add3A_839, %and3A_840 : vector<16xi32>
      %add3A_842 = arith.constant 1048576 : i32
      %add3A_843 = vector.broadcast %add3A_842 : i32 to vector<16xi32>
      %add3A_844 = arith.addi %and3A_841, %add3A_843 : vector<16xi32>
      %swap3A_845 = arith.constant 2 : i32
      %swap3A_846 = arith.constant 2 : i32
      %swap3A_847 = arith.index_cast %swap3A_845 : i32 to index
      %swap3A_848 = arith.index_cast %swap3A_846 : i32 to index
      %swap3A_849 = arith.index_cast %mul3A_818 : i32 to index
      %swap3A_850 = tpu.vector_load %arg6[%swap3A_847, %swap3A_848, %swap3A_849] {strides = array<i32>} : memref<6x4x128xi32, #tpu.memory_space<vmem>>, vector<1x1x16xi32>,
      %swap3A_851 = vector.shape_cast %swap3A_850 : vector<1x1x16xi32> to vector<16xi32>
      %swap3A_852 = vector.shape_cast %add3A_844 : vector<16xi32> to vector<1x1x16xi32>
      tpu.vector_store %arg6[%swap3A_847, %swap3A_848, %swap3A_849], %swap3A_852 {strides = array<i32>} : memref<6x4x128xi32, #tpu.memory_space<vmem>>, vector<1x1x16xi32>,
      %shift_right_arithmetic3A = arith.constant 1 : i32
      %shift_right_arithmetic3A_853 = vector.broadcast %shift_right_arithmetic3A : i32 to vector<16xi32>
      %shift_right_arithmetic3A_854 = arith.shrsi %add3A_816, %shift_right_arithmetic3A_853 : vector<16xi32>
      %swap3A_855 = arith.constant 3 : i32
      %swap3A_856 = arith.constant 2 : i32
      %swap3A_857 = arith.index_cast %swap3A_855 : i32 to index
      %swap3A_858 = arith.index_cast %swap3A_856 : i32 to index
      %swap3A_859 = arith.index_cast %mul3A_818 : i32 to index
      %swap3A_860 = tpu.vector_load %arg6[%swap3A_857, %swap3A_858, %swap3A_859] {strides = array<i32>} : memref<6x4x128xi32, #tpu.memory_space<vmem>>, vector<1x1x16xi32>,
      %swap3A_861 = vector.shape_cast %swap3A_860 : vector<1x1x16xi32> to vector<16xi32>
      %swap3A_862 = vector.shape_cast %shift_right_arithmetic3A_854 : vector<16xi32> to vector<1x1x16xi32>
      tpu.vector_store %arg6[%swap3A_857, %swap3A_858, %swap3A_859], %swap3A_862 {strides = array<i32>} : memref<6x4x128xi32, #tpu.memory_space<vmem>>, vector<1x1x16xi32>,
      %mul3A_863 = arith.constant 5 : i32
      %mul3A_864 = vector.broadcast %mul3A_863 : i32 to vector<16xi32>
      %mul3A_865 = arith.muli %add3A_816, %mul3A_864 : vector<16xi32>
      %and3A_866 = arith.constant 1048575 : i32
      %and3A_867 = vector.broadcast %and3A_866 : i32 to vector<16xi32>
      %and3A_868 = arith.andi %mul3A_865, %and3A_867 : vector<16xi32>
      %add3A_869 = arith.constant 1048576 : i32
      %add3A_870 = vector.broadcast %add3A_869 : i32 to vector<16xi32>
      %add3A_871 = arith.addi %and3A_868, %add3A_870 : vector<16xi32>
      %swap3A_872 = arith.constant 4 : i32
      %swap3A_873 = arith.constant 2 : i32
      %swap3A_874 = arith.index_cast %swap3A_872 : i32 to index
      %swap3A_875 = arith.index_cast %swap3A_873 : i32 to index
      %swap3A_876 = arith.index_cast %mul3A_818 : i32 to index
      %swap3A_877 = tpu.vector_load %arg6[%swap3A_874, %swap3A_875, %swap3A_876] {strides = array<i32>} : memref<6x4x128xi32, #tpu.memory_space<vmem>>, vector<1x1x16xi32>,
      %swap3A_878 = vector.shape_cast %swap3A_877 : vector<1x1x16xi32> to vector<16xi32>
      %swap3A_879 = vector.shape_cast %add3A_871 : vector<16xi32> to vector<1x1x16xi32>
      tpu.vector_store %arg6[%swap3A_874, %swap3A_875, %swap3A_876], %swap3A_879 {strides = array<i32>} : memref<6x4x128xi32, #tpu.memory_space<vmem>>, vector<1x1x16xi32>,
      %sub3A = arith.constant 1 : i32
      %sub3A_880 = vector.broadcast %sub3A : i32 to vector<16xi32>
      %sub3A_881 = arith.subi %add3A_816, %sub3A_880 : vector<16xi32>
      %and3A_882 = arith.constant 1048575 : i32
      %and3A_883 = vector.broadcast %and3A_882 : i32 to vector<16xi32>
      %and3A_884 = arith.andi %sub3A_881, %and3A_883 : vector<16xi32>
      %swap3A_885 = arith.constant 5 : i32
      %swap3A_886 = arith.constant 2 : i32
      %swap3A_887 = arith.index_cast %swap3A_885 : i32 to index
      %swap3A_888 = arith.index_cast %swap3A_886 : i32 to index
      %swap3A_889 = arith.index_cast %mul3A_818 : i32 to index
      %swap3A_890 = tpu.vector_load %arg6[%swap3A_887, %swap3A_888, %swap3A_889] {strides = array<i32>} : memref<6x4x128xi32, #tpu.memory_space<vmem>>, vector<1x1x16xi32>,
      %swap3A_891 = vector.shape_cast %swap3A_890 : vector<1x1x16xi32> to vector<16xi32>
      %swap3A_892 = vector.shape_cast %and3A_884 : vector<16xi32> to vector<1x1x16xi32>
      tpu.vector_store %arg6[%swap3A_887, %swap3A_888, %swap3A_889], %swap3A_892 {strides = array<i32>} : memref<6x4x128xi32, #tpu.memory_space<vmem>>, vector<1x1x16xi32>,
      %scan3A_893 = arith.constant 0 : i32
      scf.yield %scan3A_893 : i32
    }
    %scan3A_165 = arith.constant 8 : i32
    %dma_start3A_166 = arith.constant 0 : i32
    %dma_start3A_167 = arith.constant 2 : i32
    %dma_start3A_168 = arith.constant 0 : i32
    %dma_start3A_169 = arith.constant 2 : i32
    %dma_start3A_170 = arith.constant 0 : i32
    %dma_start3A_171 = tpu.memref_slice %arg7[%dma_start3A_168, %dma_start3A_169, %dma_start3A_170] : memref<6x4x128xf32, #tpu.memory_space<vmem>> -> memref<1x1x128xf32, #tpu.memory_space<vmem>>
    %dma_start3A_172 = tpu.memref_squeeze %dma_start3A_171 : memref<1x1x128xf32, #tpu.memory_space<vmem>> -> memref<128xf32, #tpu.memory_space<vmem>>
    %dma_start3A_173 = arith.constant 0 : i32
    %dma_start3A_174 = tpu.memref_slice %arg6[%dma_start3A_166, %dma_start3A_167, %dma_start3A_173] : memref<6x4x128xi32, #tpu.memory_space<vmem>> -> memref<1x1x128xi32, #tpu.memory_space<vmem>>
    %dma_start3A_175 = tpu.memref_squeeze %dma_start3A_174 : memref<1x1x128xi32, #tpu.memory_space<vmem>> -> memref<128xi32, #tpu.memory_space<vmem>>
    %dma_start3A_176 = arith.constant 0 : i32
    %dma_start3A_177 = tpu.memref_slice %arg3[%dma_start3A_176] : memref<2097152xf32, #tpu.memory_space<hbm>> -> memref<2097152xf32, #tpu.memory_space<hbm>>
    tpu.enqueue_indirect_dma source(%dma_start3A_177 : memref<2097152xf32, #tpu.memory_space<hbm>>) target(%dma_start3A_172 : memref<128xf32, #tpu.memory_space<vmem>>) offsets(%dma_start3A_175 : memref<128xi32, #tpu.memory_space<vmem>>) semaphore(%arg11 : memref<!tpu.dma_semaphore, #tpu.memory_space<semaphore_mem>>)
    %dma_start3A_178 = arith.constant 1 : i32
    %dma_start3A_179 = arith.constant 2 : i32
    %dma_start3A_180 = arith.constant 1 : i32
    %dma_start3A_181 = arith.constant 2 : i32
    %dma_start3A_182 = arith.constant 0 : i32
    %dma_start3A_183 = tpu.memref_slice %arg7[%dma_start3A_180, %dma_start3A_181, %dma_start3A_182] : memref<6x4x128xf32, #tpu.memory_space<vmem>> -> memref<1x1x128xf32, #tpu.memory_space<vmem>>
    %dma_start3A_184 = tpu.memref_squeeze %dma_start3A_183 : memref<1x1x128xf32, #tpu.memory_space<vmem>> -> memref<128xf32, #tpu.memory_space<vmem>>
    %dma_start3A_185 = arith.constant 0 : i32
    %dma_start3A_186 = tpu.memref_slice %arg6[%dma_start3A_178, %dma_start3A_179, %dma_start3A_185] : memref<6x4x128xi32, #tpu.memory_space<vmem>> -> memref<1x1x128xi32, #tpu.memory_space<vmem>>
    %dma_start3A_187 = tpu.memref_squeeze %dma_start3A_186 : memref<1x1x128xi32, #tpu.memory_space<vmem>> -> memref<128xi32, #tpu.memory_space<vmem>>
    %dma_start3A_188 = arith.constant 0 : i32
    %dma_start3A_189 = tpu.memref_slice %arg3[%dma_start3A_188] : memref<2097152xf32, #tpu.memory_space<hbm>> -> memref<2097152xf32, #tpu.memory_space<hbm>>
    tpu.enqueue_indirect_dma source(%dma_start3A_189 : memref<2097152xf32, #tpu.memory_space<hbm>>) target(%dma_start3A_184 : memref<128xf32, #tpu.memory_space<vmem>>) offsets(%dma_start3A_187 : memref<128xi32, #tpu.memory_space<vmem>>) semaphore(%arg11 : memref<!tpu.dma_semaphore, #tpu.memory_space<semaphore_mem>>)
    %dma_start3A_190 = arith.constant 2 : i32
    %dma_start3A_191 = arith.constant 2 : i32
    %dma_start3A_192 = arith.constant 2 : i32
    %dma_start3A_193 = arith.constant 2 : i32
    %dma_start3A_194 = arith.constant 0 : i32
    %dma_start3A_195 = tpu.memref_slice %arg7[%dma_start3A_192, %dma_start3A_193, %dma_start3A_194] : memref<6x4x128xf32, #tpu.memory_space<vmem>> -> memref<1x1x128xf32, #tpu.memory_space<vmem>>
    %dma_start3A_196 = tpu.memref_squeeze %dma_start3A_195 : memref<1x1x128xf32, #tpu.memory_space<vmem>> -> memref<128xf32, #tpu.memory_space<vmem>>
    %dma_start3A_197 = arith.constant 0 : i32
    %dma_start3A_198 = tpu.memref_slice %arg6[%dma_start3A_190, %dma_start3A_191, %dma_start3A_197] : memref<6x4x128xi32, #tpu.memory_space<vmem>> -> memref<1x1x128xi32, #tpu.memory_space<vmem>>
    %dma_start3A_199 = tpu.memref_squeeze %dma_start3A_198 : memref<1x1x128xi32, #tpu.memory_space<vmem>> -> memref<128xi32, #tpu.memory_space<vmem>>
    %dma_start3A_200 = arith.constant 0 : i32
    %dma_start3A_201 = tpu.memref_slice %arg3[%dma_start3A_200] : memref<2097152xf32, #tpu.memory_space<hbm>> -> memref<2097152xf32, #tpu.memory_space<hbm>>
    tpu.enqueue_indirect_dma source(%dma_start3A_201 : memref<2097152xf32, #tpu.memory_space<hbm>>) target(%dma_start3A_196 : memref<128xf32, #tpu.memory_space<vmem>>) offsets(%dma_start3A_199 : memref<128xi32, #tpu.memory_space<vmem>>) semaphore(%arg11 : memref<!tpu.dma_semaphore, #tpu.memory_space<semaphore_mem>>)
    %dma_start3A_202 = arith.constant 3 : i32
    %dma_start3A_203 = arith.constant 2 : i32
    %dma_start3A_204 = arith.constant 3 : i32
    %dma_start3A_205 = arith.constant 2 : i32
    %dma_start3A_206 = arith.constant 0 : i32
    %dma_start3A_207 = tpu.memref_slice %arg7[%dma_start3A_204, %dma_start3A_205, %dma_start3A_206] : memref<6x4x128xf32, #tpu.memory_space<vmem>> -> memref<1x1x128xf32, #tpu.memory_space<vmem>>
    %dma_start3A_208 = tpu.memref_squeeze %dma_start3A_207 : memref<1x1x128xf32, #tpu.memory_space<vmem>> -> memref<128xf32, #tpu.memory_space<vmem>>
    %dma_start3A_209 = arith.constant 0 : i32
    %dma_start3A_210 = tpu.memref_slice %arg6[%dma_start3A_202, %dma_start3A_203, %dma_start3A_209] : memref<6x4x128xi32, #tpu.memory_space<vmem>> -> memref<1x1x128xi32, #tpu.memory_space<vmem>>
    %dma_start3A_211 = tpu.memref_squeeze %dma_start3A_210 : memref<1x1x128xi32, #tpu.memory_space<vmem>> -> memref<128xi32, #tpu.memory_space<vmem>>
    %dma_start3A_212 = arith.constant 0 : i32
    %dma_start3A_213 = tpu.memref_slice %arg3[%dma_start3A_212] : memref<2097152xf32, #tpu.memory_space<hbm>> -> memref<2097152xf32, #tpu.memory_space<hbm>>
    tpu.enqueue_indirect_dma source(%dma_start3A_213 : memref<2097152xf32, #tpu.memory_space<hbm>>) target(%dma_start3A_208 : memref<128xf32, #tpu.memory_space<vmem>>) offsets(%dma_start3A_211 : memref<128xi32, #tpu.memory_space<vmem>>) semaphore(%arg11 : memref<!tpu.dma_semaphore, #tpu.memory_space<semaphore_mem>>)
    %dma_start3A_214 = arith.constant 4 : i32
    %dma_start3A_215 = arith.constant 2 : i32
    %dma_start3A_216 = arith.constant 4 : i32
    %dma_start3A_217 = arith.constant 2 : i32
    %dma_start3A_218 = arith.constant 0 : i32
    %dma_start3A_219 = tpu.memref_slice %arg7[%dma_start3A_216, %dma_start3A_217, %dma_start3A_218] : memref<6x4x128xf32, #tpu.memory_space<vmem>> -> memref<1x1x128xf32, #tpu.memory_space<vmem>>
    %dma_start3A_220 = tpu.memref_squeeze %dma_start3A_219 : memref<1x1x128xf32, #tpu.memory_space<vmem>> -> memref<128xf32, #tpu.memory_space<vmem>>
    %dma_start3A_221 = arith.constant 0 : i32
    %dma_start3A_222 = tpu.memref_slice %arg6[%dma_start3A_214, %dma_start3A_215, %dma_start3A_221] : memref<6x4x128xi32, #tpu.memory_space<vmem>> -> memref<1x1x128xi32, #tpu.memory_space<vmem>>
    %dma_start3A_223 = tpu.memref_squeeze %dma_start3A_222 : memref<1x1x128xi32, #tpu.memory_space<vmem>> -> memref<128xi32, #tpu.memory_space<vmem>>
    %dma_start3A_224 = arith.constant 0 : i32
    %dma_start3A_225 = tpu.memref_slice %arg3[%dma_start3A_224] : memref<2097152xf32, #tpu.memory_space<hbm>> -> memref<2097152xf32, #tpu.memory_space<hbm>>
    tpu.enqueue_indirect_dma source(%dma_start3A_225 : memref<2097152xf32, #tpu.memory_space<hbm>>) target(%dma_start3A_220 : memref<128xf32, #tpu.memory_space<vmem>>) offsets(%dma_start3A_223 : memref<128xi32, #tpu.memory_space<vmem>>) semaphore(%arg11 : memref<!tpu.dma_semaphore, #tpu.memory_space<semaphore_mem>>)
    %dma_start3A_226 = arith.constant 5 : i32
    %dma_start3A_227 = arith.constant 2 : i32
    %dma_start3A_228 = arith.constant 5 : i32
    %dma_start3A_229 = arith.constant 2 : i32
    %dma_start3A_230 = arith.constant 0 : i32
    %dma_start3A_231 = tpu.memref_slice %arg7[%dma_start3A_228, %dma_start3A_229, %dma_start3A_230] : memref<6x4x128xf32, #tpu.memory_space<vmem>> -> memref<1x1x128xf32, #tpu.memory_space<vmem>>
    %dma_start3A_232 = tpu.memref_squeeze %dma_start3A_231 : memref<1x1x128xf32, #tpu.memory_space<vmem>> -> memref<128xf32, #tpu.memory_space<vmem>>
    %dma_start3A_233 = arith.constant 0 : i32
    %dma_start3A_234 = tpu.memref_slice %arg6[%dma_start3A_226, %dma_start3A_227, %dma_start3A_233] : memref<6x4x128xi32, #tpu.memory_space<vmem>> -> memref<1x1x128xi32, #tpu.memory_space<vmem>>
    %dma_start3A_235 = tpu.memref_squeeze %dma_start3A_234 : memref<1x1x128xi32, #tpu.memory_space<vmem>> -> memref<128xi32, #tpu.memory_space<vmem>>
    %dma_start3A_236 = arith.constant 0 : i32
    %dma_start3A_237 = tpu.memref_slice %arg3[%dma_start3A_236] : memref<2097152xf32, #tpu.memory_space<hbm>> -> memref<2097152xf32, #tpu.memory_space<hbm>>
    tpu.enqueue_indirect_dma source(%dma_start3A_237 : memref<2097152xf32, #tpu.memory_space<hbm>>) target(%dma_start3A_232 : memref<128xf32, #tpu.memory_space<vmem>>) offsets(%dma_start3A_235 : memref<128xi32, #tpu.memory_space<vmem>>) semaphore(%arg11 : memref<!tpu.dma_semaphore, #tpu.memory_space<semaphore_mem>>)
    %scan3A_238 = arith.constant 0 : i32
    %scan3A_239 = arith.constant 0 : i32
    %scan3A_240 = arith.constant 8 : i32
    %scan3A_241 = arith.addi %scan3A_239, %scan3A_240 : i32
    %scan3A_242 = arith.constant 1 : i32
    %scan3A_243 = scf.for %scan3A_632 = %scan3A_239 to %scan3A_241 step %scan3A_242 iter_args(%scan3A_633 = %scan3A_238) -> (i32)  : i32 {
      %mul3A_634 = arith.constant 16 : i32
      %mul3A_635 = arith.muli %scan3A_632, %mul3A_634 : i32
      %add3A_636 = arith.constant 384 : i32
      %add3A_637 = arith.addi %add3A_636, %mul3A_635 : i32
      %broadcast_in_dim3A = arith.constant 0 : i32
      %broadcast_in_dim3A_638 = vector.broadcast %broadcast_in_dim3A : i32 to vector<16xi32>
      %get3A = arith.constant 0 : i32
      %get3A_639 = arith.index_cast %get3A : i32 to index
      %get3A_640 = arith.index_cast %add3A_637 : i32 to index
      %get3A_641 = tpu.vector_load %arg5[%get3A_639, %get3A_640] {strides = array<i32>} : memref<20x512xi32, #tpu.memory_space<vmem>>, vector<1x16xi32>,
      %get3A_642 = vector.shape_cast %get3A_641 : vector<1x16xi32> to vector<16xi32>
      %shift_left3A = arith.constant 1 : i32
      %shift_left3A_643 = vector.broadcast %shift_left3A : i32 to vector<16xi32>
      %shift_left3A_644 = arith.shli %broadcast_in_dim3A_638, %shift_left3A_643 : vector<16xi32>
      %add3A_645 = arith.addi %shift_left3A_644, %get3A_642 : vector<16xi32>
      %get3A_646 = arith.constant 1 : i32
      %get3A_647 = arith.index_cast %get3A_646 : i32 to index
      %get3A_648 = arith.index_cast %add3A_637 : i32 to index
      %get3A_649 = tpu.vector_load %arg5[%get3A_647, %get3A_648] {strides = array<i32>} : memref<20x512xi32, #tpu.memory_space<vmem>>, vector<1x16xi32>,
      %get3A_650 = vector.shape_cast %get3A_649 : vector<1x16xi32> to vector<16xi32>
      %shift_left3A_651 = arith.constant 1 : i32
      %shift_left3A_652 = vector.broadcast %shift_left3A_651 : i32 to vector<16xi32>
      %shift_left3A_653 = arith.shli %add3A_645, %shift_left3A_652 : vector<16xi32>
      %add3A_654 = arith.addi %shift_left3A_653, %get3A_650 : vector<16xi32>
      %get3A_655 = arith.constant 2 : i32
      %get3A_656 = arith.index_cast %get3A_655 : i32 to index
      %get3A_657 = arith.index_cast %add3A_637 : i32 to index
      %get3A_658 = tpu.vector_load %arg5[%get3A_656, %get3A_657] {strides = array<i32>} : memref<20x512xi32, #tpu.memory_space<vmem>>, vector<1x16xi32>,
      %get3A_659 = vector.shape_cast %get3A_658 : vector<1x16xi32> to vector<16xi32>
      %shift_left3A_660 = arith.constant 1 : i32
      %shift_left3A_661 = vector.broadcast %shift_left3A_660 : i32 to vector<16xi32>
      %shift_left3A_662 = arith.shli %add3A_654, %shift_left3A_661 : vector<16xi32>
      %add3A_663 = arith.addi %shift_left3A_662, %get3A_659 : vector<16xi32>
      %get3A_664 = arith.constant 3 : i32
      %get3A_665 = arith.index_cast %get3A_664 : i32 to index
      %get3A_666 = arith.index_cast %add3A_637 : i32 to index
      %get3A_667 = tpu.vector_load %arg5[%get3A_665, %get3A_666] {strides = array<i32>} : memref<20x512xi32, #tpu.memory_space<vmem>>, vector<1x16xi32>,
      %get3A_668 = vector.shape_cast %get3A_667 : vector<1x16xi32> to vector<16xi32>
      %shift_left3A_669 = arith.constant 1 : i32
      %shift_left3A_670 = vector.broadcast %shift_left3A_669 : i32 to vector<16xi32>
      %shift_left3A_671 = arith.shli %add3A_663, %shift_left3A_670 : vector<16xi32>
      %add3A_672 = arith.addi %shift_left3A_671, %get3A_668 : vector<16xi32>
      %get3A_673 = arith.constant 4 : i32
      %get3A_674 = arith.index_cast %get3A_673 : i32 to index
      %get3A_675 = arith.index_cast %add3A_637 : i32 to index
      %get3A_676 = tpu.vector_load %arg5[%get3A_674, %get3A_675] {strides = array<i32>} : memref<20x512xi32, #tpu.memory_space<vmem>>, vector<1x16xi32>,
      %get3A_677 = vector.shape_cast %get3A_676 : vector<1x16xi32> to vector<16xi32>
      %shift_left3A_678 = arith.constant 1 : i32
      %shift_left3A_679 = vector.broadcast %shift_left3A_678 : i32 to vector<16xi32>
      %shift_left3A_680 = arith.shli %add3A_672, %shift_left3A_679 : vector<16xi32>
      %add3A_681 = arith.addi %shift_left3A_680, %get3A_677 : vector<16xi32>
      %get3A_682 = arith.constant 5 : i32
      %get3A_683 = arith.index_cast %get3A_682 : i32 to index
      %get3A_684 = arith.index_cast %add3A_637 : i32 to index
      %get3A_685 = tpu.vector_load %arg5[%get3A_683, %get3A_684] {strides = array<i32>} : memref<20x512xi32, #tpu.memory_space<vmem>>, vector<1x16xi32>,
      %get3A_686 = vector.shape_cast %get3A_685 : vector<1x16xi32> to vector<16xi32>
      %shift_left3A_687 = arith.constant 1 : i32
      %shift_left3A_688 = vector.broadcast %shift_left3A_687 : i32 to vector<16xi32>
      %shift_left3A_689 = arith.shli %add3A_681, %shift_left3A_688 : vector<16xi32>
      %add3A_690 = arith.addi %shift_left3A_689, %get3A_686 : vector<16xi32>
      %get3A_691 = arith.constant 6 : i32
      %get3A_692 = arith.index_cast %get3A_691 : i32 to index
      %get3A_693 = arith.index_cast %add3A_637 : i32 to index
      %get3A_694 = tpu.vector_load %arg5[%get3A_692, %get3A_693] {strides = array<i32>} : memref<20x512xi32, #tpu.memory_space<vmem>>, vector<1x16xi32>,
      %get3A_695 = vector.shape_cast %get3A_694 : vector<1x16xi32> to vector<16xi32>
      %shift_left3A_696 = arith.constant 1 : i32
      %shift_left3A_697 = vector.broadcast %shift_left3A_696 : i32 to vector<16xi32>
      %shift_left3A_698 = arith.shli %add3A_690, %shift_left3A_697 : vector<16xi32>
      %add3A_699 = arith.addi %shift_left3A_698, %get3A_695 : vector<16xi32>
      %get3A_700 = arith.constant 7 : i32
      %get3A_701 = arith.index_cast %get3A_700 : i32 to index
      %get3A_702 = arith.index_cast %add3A_637 : i32 to index
      %get3A_703 = tpu.vector_load %arg5[%get3A_701, %get3A_702] {strides = array<i32>} : memref<20x512xi32, #tpu.memory_space<vmem>>, vector<1x16xi32>,
      %get3A_704 = vector.shape_cast %get3A_703 : vector<1x16xi32> to vector<16xi32>
      %shift_left3A_705 = arith.constant 1 : i32
      %shift_left3A_706 = vector.broadcast %shift_left3A_705 : i32 to vector<16xi32>
      %shift_left3A_707 = arith.shli %add3A_699, %shift_left3A_706 : vector<16xi32>
      %add3A_708 = arith.addi %shift_left3A_707, %get3A_704 : vector<16xi32>
      %get3A_709 = arith.constant 8 : i32
      %get3A_710 = arith.index_cast %get3A_709 : i32 to index
      %get3A_711 = arith.index_cast %add3A_637 : i32 to index
      %get3A_712 = tpu.vector_load %arg5[%get3A_710, %get3A_711] {strides = array<i32>} : memref<20x512xi32, #tpu.memory_space<vmem>>, vector<1x16xi32>,
      %get3A_713 = vector.shape_cast %get3A_712 : vector<1x16xi32> to vector<16xi32>
      %shift_left3A_714 = arith.constant 1 : i32
      %shift_left3A_715 = vector.broadcast %shift_left3A_714 : i32 to vector<16xi32>
      %shift_left3A_716 = arith.shli %add3A_708, %shift_left3A_715 : vector<16xi32>
      %add3A_717 = arith.addi %shift_left3A_716, %get3A_713 : vector<16xi32>
      %get3A_718 = arith.constant 9 : i32
      %get3A_719 = arith.index_cast %get3A_718 : i32 to index
      %get3A_720 = arith.index_cast %add3A_637 : i32 to index
      %get3A_721 = tpu.vector_load %arg5[%get3A_719, %get3A_720] {strides = array<i32>} : memref<20x512xi32, #tpu.memory_space<vmem>>, vector<1x16xi32>,
      %get3A_722 = vector.shape_cast %get3A_721 : vector<1x16xi32> to vector<16xi32>
      %shift_left3A_723 = arith.constant 1 : i32
      %shift_left3A_724 = vector.broadcast %shift_left3A_723 : i32 to vector<16xi32>
      %shift_left3A_725 = arith.shli %add3A_717, %shift_left3A_724 : vector<16xi32>
      %add3A_726 = arith.addi %shift_left3A_725, %get3A_722 : vector<16xi32>
      %get3A_727 = arith.constant 10 : i32
      %get3A_728 = arith.index_cast %get3A_727 : i32 to index
      %get3A_729 = arith.index_cast %add3A_637 : i32 to index
      %get3A_730 = tpu.vector_load %arg5[%get3A_728, %get3A_729] {strides = array<i32>} : memref<20x512xi32, #tpu.memory_space<vmem>>, vector<1x16xi32>,
      %get3A_731 = vector.shape_cast %get3A_730 : vector<1x16xi32> to vector<16xi32>
      %shift_left3A_732 = arith.constant 1 : i32
      %shift_left3A_733 = vector.broadcast %shift_left3A_732 : i32 to vector<16xi32>
      %shift_left3A_734 = arith.shli %add3A_726, %shift_left3A_733 : vector<16xi32>
      %add3A_735 = arith.addi %shift_left3A_734, %get3A_731 : vector<16xi32>
      %get3A_736 = arith.constant 11 : i32
      %get3A_737 = arith.index_cast %get3A_736 : i32 to index
      %get3A_738 = arith.index_cast %add3A_637 : i32 to index
      %get3A_739 = tpu.vector_load %arg5[%get3A_737, %get3A_738] {strides = array<i32>} : memref<20x512xi32, #tpu.memory_space<vmem>>, vector<1x16xi32>,
      %get3A_740 = vector.shape_cast %get3A_739 : vector<1x16xi32> to vector<16xi32>
      %shift_left3A_741 = arith.constant 1 : i32
      %shift_left3A_742 = vector.broadcast %shift_left3A_741 : i32 to vector<16xi32>
      %shift_left3A_743 = arith.shli %add3A_735, %shift_left3A_742 : vector<16xi32>
      %add3A_744 = arith.addi %shift_left3A_743, %get3A_740 : vector<16xi32>
      %get3A_745 = arith.constant 12 : i32
      %get3A_746 = arith.index_cast %get3A_745 : i32 to index
      %get3A_747 = arith.index_cast %add3A_637 : i32 to index
      %get3A_748 = tpu.vector_load %arg5[%get3A_746, %get3A_747] {strides = array<i32>} : memref<20x512xi32, #tpu.memory_space<vmem>>, vector<1x16xi32>,
      %get3A_749 = vector.shape_cast %get3A_748 : vector<1x16xi32> to vector<16xi32>
      %shift_left3A_750 = arith.constant 1 : i32
      %shift_left3A_751 = vector.broadcast %shift_left3A_750 : i32 to vector<16xi32>
      %shift_left3A_752 = arith.shli %add3A_744, %shift_left3A_751 : vector<16xi32>
      %add3A_753 = arith.addi %shift_left3A_752, %get3A_749 : vector<16xi32>
      %get3A_754 = arith.constant 13 : i32
      %get3A_755 = arith.index_cast %get3A_754 : i32 to index
      %get3A_756 = arith.index_cast %add3A_637 : i32 to index
      %get3A_757 = tpu.vector_load %arg5[%get3A_755, %get3A_756] {strides = array<i32>} : memref<20x512xi32, #tpu.memory_space<vmem>>, vector<1x16xi32>,
      %get3A_758 = vector.shape_cast %get3A_757 : vector<1x16xi32> to vector<16xi32>
      %shift_left3A_759 = arith.constant 1 : i32
      %shift_left3A_760 = vector.broadcast %shift_left3A_759 : i32 to vector<16xi32>
      %shift_left3A_761 = arith.shli %add3A_753, %shift_left3A_760 : vector<16xi32>
      %add3A_762 = arith.addi %shift_left3A_761, %get3A_758 : vector<16xi32>
      %get3A_763 = arith.constant 14 : i32
      %get3A_764 = arith.index_cast %get3A_763 : i32 to index
      %get3A_765 = arith.index_cast %add3A_637 : i32 to index
      %get3A_766 = tpu.vector_load %arg5[%get3A_764, %get3A_765] {strides = array<i32>} : memref<20x512xi32, #tpu.memory_space<vmem>>, vector<1x16xi32>,
      %get3A_767 = vector.shape_cast %get3A_766 : vector<1x16xi32> to vector<16xi32>
      %shift_left3A_768 = arith.constant 1 : i32
      %shift_left3A_769 = vector.broadcast %shift_left3A_768 : i32 to vector<16xi32>
      %shift_left3A_770 = arith.shli %add3A_762, %shift_left3A_769 : vector<16xi32>
      %add3A_771 = arith.addi %shift_left3A_770, %get3A_767 : vector<16xi32>
      %get3A_772 = arith.constant 15 : i32
      %get3A_773 = arith.index_cast %get3A_772 : i32 to index
      %get3A_774 = arith.index_cast %add3A_637 : i32 to index
      %get3A_775 = tpu.vector_load %arg5[%get3A_773, %get3A_774] {strides = array<i32>} : memref<20x512xi32, #tpu.memory_space<vmem>>, vector<1x16xi32>,
      %get3A_776 = vector.shape_cast %get3A_775 : vector<1x16xi32> to vector<16xi32>
      %shift_left3A_777 = arith.constant 1 : i32
      %shift_left3A_778 = vector.broadcast %shift_left3A_777 : i32 to vector<16xi32>
      %shift_left3A_779 = arith.shli %add3A_771, %shift_left3A_778 : vector<16xi32>
      %add3A_780 = arith.addi %shift_left3A_779, %get3A_776 : vector<16xi32>
      %get3A_781 = arith.constant 16 : i32
      %get3A_782 = arith.index_cast %get3A_781 : i32 to index
      %get3A_783 = arith.index_cast %add3A_637 : i32 to index
      %get3A_784 = tpu.vector_load %arg5[%get3A_782, %get3A_783] {strides = array<i32>} : memref<20x512xi32, #tpu.memory_space<vmem>>, vector<1x16xi32>,
      %get3A_785 = vector.shape_cast %get3A_784 : vector<1x16xi32> to vector<16xi32>
      %shift_left3A_786 = arith.constant 1 : i32
      %shift_left3A_787 = vector.broadcast %shift_left3A_786 : i32 to vector<16xi32>
      %shift_left3A_788 = arith.shli %add3A_780, %shift_left3A_787 : vector<16xi32>
      %add3A_789 = arith.addi %shift_left3A_788, %get3A_785 : vector<16xi32>
      %get3A_790 = arith.constant 17 : i32
      %get3A_791 = arith.index_cast %get3A_790 : i32 to index
      %get3A_792 = arith.index_cast %add3A_637 : i32 to index
      %get3A_793 = tpu.vector_load %arg5[%get3A_791, %get3A_792] {strides = array<i32>} : memref<20x512xi32, #tpu.memory_space<vmem>>, vector<1x16xi32>,
      %get3A_794 = vector.shape_cast %get3A_793 : vector<1x16xi32> to vector<16xi32>
      %shift_left3A_795 = arith.constant 1 : i32
      %shift_left3A_796 = vector.broadcast %shift_left3A_795 : i32 to vector<16xi32>
      %shift_left3A_797 = arith.shli %add3A_789, %shift_left3A_796 : vector<16xi32>
      %add3A_798 = arith.addi %shift_left3A_797, %get3A_794 : vector<16xi32>
      %get3A_799 = arith.constant 18 : i32
      %get3A_800 = arith.index_cast %get3A_799 : i32 to index
      %get3A_801 = arith.index_cast %add3A_637 : i32 to index
      %get3A_802 = tpu.vector_load %arg5[%get3A_800, %get3A_801] {strides = array<i32>} : memref<20x512xi32, #tpu.memory_space<vmem>>, vector<1x16xi32>,
      %get3A_803 = vector.shape_cast %get3A_802 : vector<1x16xi32> to vector<16xi32>
      %shift_left3A_804 = arith.constant 1 : i32
      %shift_left3A_805 = vector.broadcast %shift_left3A_804 : i32 to vector<16xi32>
      %shift_left3A_806 = arith.shli %add3A_798, %shift_left3A_805 : vector<16xi32>
      %add3A_807 = arith.addi %shift_left3A_806, %get3A_803 : vector<16xi32>
      %get3A_808 = arith.constant 19 : i32
      %get3A_809 = arith.index_cast %get3A_808 : i32 to index
      %get3A_810 = arith.index_cast %add3A_637 : i32 to index
      %get3A_811 = tpu.vector_load %arg5[%get3A_809, %get3A_810] {strides = array<i32>} : memref<20x512xi32, #tpu.memory_space<vmem>>, vector<1x16xi32>,
      %get3A_812 = vector.shape_cast %get3A_811 : vector<1x16xi32> to vector<16xi32>
      %shift_left3A_813 = arith.constant 1 : i32
      %shift_left3A_814 = vector.broadcast %shift_left3A_813 : i32 to vector<16xi32>
      %shift_left3A_815 = arith.shli %add3A_807, %shift_left3A_814 : vector<16xi32>
      %add3A_816 = arith.addi %shift_left3A_815, %get3A_812 : vector<16xi32>
      %mul3A_817 = arith.constant 16 : i32
      %mul3A_818 = arith.muli %scan3A_632, %mul3A_817 : i32
      %swap3A = arith.constant 0 : i32
      %swap3A_819 = arith.constant 3 : i32
      %swap3A_820 = arith.index_cast %swap3A : i32 to index
      %swap3A_821 = arith.index_cast %swap3A_819 : i32 to index
      %swap3A_822 = arith.index_cast %mul3A_818 : i32 to index
      %swap3A_823 = tpu.vector_load %arg6[%swap3A_820, %swap3A_821, %swap3A_822] {strides = array<i32>} : memref<6x4x128xi32, #tpu.memory_space<vmem>>, vector<1x1x16xi32>,
      %swap3A_824 = vector.shape_cast %swap3A_823 : vector<1x1x16xi32> to vector<16xi32>
      %swap3A_825 = vector.shape_cast %add3A_816 : vector<16xi32> to vector<1x1x16xi32>
      tpu.vector_store %arg6[%swap3A_820, %swap3A_821, %swap3A_822], %swap3A_825 {strides = array<i32>} : memref<6x4x128xi32, #tpu.memory_space<vmem>>, vector<1x1x16xi32>,
      %add3A_826 = arith.constant 1048576 : i32
      %add3A_827 = vector.broadcast %add3A_826 : i32 to vector<16xi32>
      %add3A_828 = arith.addi %add3A_816, %add3A_827 : vector<16xi32>
      %swap3A_829 = arith.constant 1 : i32
      %swap3A_830 = arith.constant 3 : i32
      %swap3A_831 = arith.index_cast %swap3A_829 : i32 to index
      %swap3A_832 = arith.index_cast %swap3A_830 : i32 to index
      %swap3A_833 = arith.index_cast %mul3A_818 : i32 to index
      %swap3A_834 = tpu.vector_load %arg6[%swap3A_831, %swap3A_832, %swap3A_833] {strides = array<i32>} : memref<6x4x128xi32, #tpu.memory_space<vmem>>, vector<1x1x16xi32>,
      %swap3A_835 = vector.shape_cast %swap3A_834 : vector<1x1x16xi32> to vector<16xi32>
      %swap3A_836 = vector.shape_cast %add3A_828 : vector<16xi32> to vector<1x1x16xi32>
      tpu.vector_store %arg6[%swap3A_831, %swap3A_832, %swap3A_833], %swap3A_836 {strides = array<i32>} : memref<6x4x128xi32, #tpu.memory_space<vmem>>, vector<1x1x16xi32>,
      %add3A_837 = arith.constant 3 : i32
      %add3A_838 = vector.broadcast %add3A_837 : i32 to vector<16xi32>
      %add3A_839 = arith.addi %add3A_816, %add3A_838 : vector<16xi32>
      %and3A = arith.constant 1048575 : i32
      %and3A_840 = vector.broadcast %and3A : i32 to vector<16xi32>
      %and3A_841 = arith.andi %add3A_839, %and3A_840 : vector<16xi32>
      %add3A_842 = arith.constant 1048576 : i32
      %add3A_843 = vector.broadcast %add3A_842 : i32 to vector<16xi32>
      %add3A_844 = arith.addi %and3A_841, %add3A_843 : vector<16xi32>
      %swap3A_845 = arith.constant 2 : i32
      %swap3A_846 = arith.constant 3 : i32
      %swap3A_847 = arith.index_cast %swap3A_845 : i32 to index
      %swap3A_848 = arith.index_cast %swap3A_846 : i32 to index
      %swap3A_849 = arith.index_cast %mul3A_818 : i32 to index
      %swap3A_850 = tpu.vector_load %arg6[%swap3A_847, %swap3A_848, %swap3A_849] {strides = array<i32>} : memref<6x4x128xi32, #tpu.memory_space<vmem>>, vector<1x1x16xi32>,
      %swap3A_851 = vector.shape_cast %swap3A_850 : vector<1x1x16xi32> to vector<16xi32>
      %swap3A_852 = vector.shape_cast %add3A_844 : vector<16xi32> to vector<1x1x16xi32>
      tpu.vector_store %arg6[%swap3A_847, %swap3A_848, %swap3A_849], %swap3A_852 {strides = array<i32>} : memref<6x4x128xi32, #tpu.memory_space<vmem>>, vector<1x1x16xi32>,
      %shift_right_arithmetic3A = arith.constant 1 : i32
      %shift_right_arithmetic3A_853 = vector.broadcast %shift_right_arithmetic3A : i32 to vector<16xi32>
      %shift_right_arithmetic3A_854 = arith.shrsi %add3A_816, %shift_right_arithmetic3A_853 : vector<16xi32>
      %swap3A_855 = arith.constant 3 : i32
      %swap3A_856 = arith.constant 3 : i32
      %swap3A_857 = arith.index_cast %swap3A_855 : i32 to index
      %swap3A_858 = arith.index_cast %swap3A_856 : i32 to index
      %swap3A_859 = arith.index_cast %mul3A_818 : i32 to index
      %swap3A_860 = tpu.vector_load %arg6[%swap3A_857, %swap3A_858, %swap3A_859] {strides = array<i32>} : memref<6x4x128xi32, #tpu.memory_space<vmem>>, vector<1x1x16xi32>,
      %swap3A_861 = vector.shape_cast %swap3A_860 : vector<1x1x16xi32> to vector<16xi32>
      %swap3A_862 = vector.shape_cast %shift_right_arithmetic3A_854 : vector<16xi32> to vector<1x1x16xi32>
      tpu.vector_store %arg6[%swap3A_857, %swap3A_858, %swap3A_859], %swap3A_862 {strides = array<i32>} : memref<6x4x128xi32, #tpu.memory_space<vmem>>, vector<1x1x16xi32>,
      %mul3A_863 = arith.constant 5 : i32
      %mul3A_864 = vector.broadcast %mul3A_863 : i32 to vector<16xi32>
      %mul3A_865 = arith.muli %add3A_816, %mul3A_864 : vector<16xi32>
      %and3A_866 = arith.constant 1048575 : i32
      %and3A_867 = vector.broadcast %and3A_866 : i32 to vector<16xi32>
      %and3A_868 = arith.andi %mul3A_865, %and3A_867 : vector<16xi32>
      %add3A_869 = arith.constant 1048576 : i32
      %add3A_870 = vector.broadcast %add3A_869 : i32 to vector<16xi32>
      %add3A_871 = arith.addi %and3A_868, %add3A_870 : vector<16xi32>
      %swap3A_872 = arith.constant 4 : i32
      %swap3A_873 = arith.constant 3 : i32
      %swap3A_874 = arith.index_cast %swap3A_872 : i32 to index
      %swap3A_875 = arith.index_cast %swap3A_873 : i32 to index
      %swap3A_876 = arith.index_cast %mul3A_818 : i32 to index
      %swap3A_877 = tpu.vector_load %arg6[%swap3A_874, %swap3A_875, %swap3A_876] {strides = array<i32>} : memref<6x4x128xi32, #tpu.memory_space<vmem>>, vector<1x1x16xi32>,
      %swap3A_878 = vector.shape_cast %swap3A_877 : vector<1x1x16xi32> to vector<16xi32>
      %swap3A_879 = vector.shape_cast %add3A_871 : vector<16xi32> to vector<1x1x16xi32>
      tpu.vector_store %arg6[%swap3A_874, %swap3A_875, %swap3A_876], %swap3A_879 {strides = array<i32>} : memref<6x4x128xi32, #tpu.memory_space<vmem>>, vector<1x1x16xi32>,
      %sub3A = arith.constant 1 : i32
      %sub3A_880 = vector.broadcast %sub3A : i32 to vector<16xi32>
      %sub3A_881 = arith.subi %add3A_816, %sub3A_880 : vector<16xi32>
      %and3A_882 = arith.constant 1048575 : i32
      %and3A_883 = vector.broadcast %and3A_882 : i32 to vector<16xi32>
      %and3A_884 = arith.andi %sub3A_881, %and3A_883 : vector<16xi32>
      %swap3A_885 = arith.constant 5 : i32
      %swap3A_886 = arith.constant 3 : i32
      %swap3A_887 = arith.index_cast %swap3A_885 : i32 to index
      %swap3A_888 = arith.index_cast %swap3A_886 : i32 to index
      %swap3A_889 = arith.index_cast %mul3A_818 : i32 to index
      %swap3A_890 = tpu.vector_load %arg6[%swap3A_887, %swap3A_888, %swap3A_889] {strides = array<i32>} : memref<6x4x128xi32, #tpu.memory_space<vmem>>, vector<1x1x16xi32>,
      %swap3A_891 = vector.shape_cast %swap3A_890 : vector<1x1x16xi32> to vector<16xi32>
      %swap3A_892 = vector.shape_cast %and3A_884 : vector<16xi32> to vector<1x1x16xi32>
      tpu.vector_store %arg6[%swap3A_887, %swap3A_888, %swap3A_889], %swap3A_892 {strides = array<i32>} : memref<6x4x128xi32, #tpu.memory_space<vmem>>, vector<1x1x16xi32>,
      %scan3A_893 = arith.constant 0 : i32
      scf.yield %scan3A_893 : i32
    }
    %scan3A_244 = arith.constant 8 : i32
    %dma_start3A_245 = arith.constant 0 : i32
    %dma_start3A_246 = arith.constant 3 : i32
    %dma_start3A_247 = arith.constant 0 : i32
    %dma_start3A_248 = arith.constant 3 : i32
    %dma_start3A_249 = arith.constant 0 : i32
    %dma_start3A_250 = tpu.memref_slice %arg7[%dma_start3A_247, %dma_start3A_248, %dma_start3A_249] : memref<6x4x128xf32, #tpu.memory_space<vmem>> -> memref<1x1x128xf32, #tpu.memory_space<vmem>>
    %dma_start3A_251 = tpu.memref_squeeze %dma_start3A_250 : memref<1x1x128xf32, #tpu.memory_space<vmem>> -> memref<128xf32, #tpu.memory_space<vmem>>
    %dma_start3A_252 = arith.constant 0 : i32
    %dma_start3A_253 = tpu.memref_slice %arg6[%dma_start3A_245, %dma_start3A_246, %dma_start3A_252] : memref<6x4x128xi32, #tpu.memory_space<vmem>> -> memref<1x1x128xi32, #tpu.memory_space<vmem>>
    %dma_start3A_254 = tpu.memref_squeeze %dma_start3A_253 : memref<1x1x128xi32, #tpu.memory_space<vmem>> -> memref<128xi32, #tpu.memory_space<vmem>>
    %dma_start3A_255 = arith.constant 0 : i32
    %dma_start3A_256 = tpu.memref_slice %arg3[%dma_start3A_255] : memref<2097152xf32, #tpu.memory_space<hbm>> -> memref<2097152xf32, #tpu.memory_space<hbm>>
    tpu.enqueue_indirect_dma source(%dma_start3A_256 : memref<2097152xf32, #tpu.memory_space<hbm>>) target(%dma_start3A_251 : memref<128xf32, #tpu.memory_space<vmem>>) offsets(%dma_start3A_254 : memref<128xi32, #tpu.memory_space<vmem>>) semaphore(%arg12 : memref<!tpu.dma_semaphore, #tpu.memory_space<semaphore_mem>>)
    %dma_start3A_257 = arith.constant 1 : i32
    %dma_start3A_258 = arith.constant 3 : i32
    %dma_start3A_259 = arith.constant 1 : i32
    %dma_start3A_260 = arith.constant 3 : i32
    %dma_start3A_261 = arith.constant 0 : i32
    %dma_start3A_262 = tpu.memref_slice %arg7[%dma_start3A_259, %dma_start3A_260, %dma_start3A_261] : memref<6x4x128xf32, #tpu.memory_space<vmem>> -> memref<1x1x128xf32, #tpu.memory_space<vmem>>
    %dma_start3A_263 = tpu.memref_squeeze %dma_start3A_262 : memref<1x1x128xf32, #tpu.memory_space<vmem>> -> memref<128xf32, #tpu.memory_space<vmem>>
    %dma_start3A_264 = arith.constant 0 : i32
    %dma_start3A_265 = tpu.memref_slice %arg6[%dma_start3A_257, %dma_start3A_258, %dma_start3A_264] : memref<6x4x128xi32, #tpu.memory_space<vmem>> -> memref<1x1x128xi32, #tpu.memory_space<vmem>>
    %dma_start3A_266 = tpu.memref_squeeze %dma_start3A_265 : memref<1x1x128xi32, #tpu.memory_space<vmem>> -> memref<128xi32, #tpu.memory_space<vmem>>
    %dma_start3A_267 = arith.constant 0 : i32
    %dma_start3A_268 = tpu.memref_slice %arg3[%dma_start3A_267] : memref<2097152xf32, #tpu.memory_space<hbm>> -> memref<2097152xf32, #tpu.memory_space<hbm>>
    tpu.enqueue_indirect_dma source(%dma_start3A_268 : memref<2097152xf32, #tpu.memory_space<hbm>>) target(%dma_start3A_263 : memref<128xf32, #tpu.memory_space<vmem>>) offsets(%dma_start3A_266 : memref<128xi32, #tpu.memory_space<vmem>>) semaphore(%arg12 : memref<!tpu.dma_semaphore, #tpu.memory_space<semaphore_mem>>)
    %dma_start3A_269 = arith.constant 2 : i32
    %dma_start3A_270 = arith.constant 3 : i32
    %dma_start3A_271 = arith.constant 2 : i32
    %dma_start3A_272 = arith.constant 3 : i32
    %dma_start3A_273 = arith.constant 0 : i32
    %dma_start3A_274 = tpu.memref_slice %arg7[%dma_start3A_271, %dma_start3A_272, %dma_start3A_273] : memref<6x4x128xf32, #tpu.memory_space<vmem>> -> memref<1x1x128xf32, #tpu.memory_space<vmem>>
    %dma_start3A_275 = tpu.memref_squeeze %dma_start3A_274 : memref<1x1x128xf32, #tpu.memory_space<vmem>> -> memref<128xf32, #tpu.memory_space<vmem>>
    %dma_start3A_276 = arith.constant 0 : i32
    %dma_start3A_277 = tpu.memref_slice %arg6[%dma_start3A_269, %dma_start3A_270, %dma_start3A_276] : memref<6x4x128xi32, #tpu.memory_space<vmem>> -> memref<1x1x128xi32, #tpu.memory_space<vmem>>
    %dma_start3A_278 = tpu.memref_squeeze %dma_start3A_277 : memref<1x1x128xi32, #tpu.memory_space<vmem>> -> memref<128xi32, #tpu.memory_space<vmem>>
    %dma_start3A_279 = arith.constant 0 : i32
    %dma_start3A_280 = tpu.memref_slice %arg3[%dma_start3A_279] : memref<2097152xf32, #tpu.memory_space<hbm>> -> memref<2097152xf32, #tpu.memory_space<hbm>>
    tpu.enqueue_indirect_dma source(%dma_start3A_280 : memref<2097152xf32, #tpu.memory_space<hbm>>) target(%dma_start3A_275 : memref<128xf32, #tpu.memory_space<vmem>>) offsets(%dma_start3A_278 : memref<128xi32, #tpu.memory_space<vmem>>) semaphore(%arg12 : memref<!tpu.dma_semaphore, #tpu.memory_space<semaphore_mem>>)
    %dma_start3A_281 = arith.constant 3 : i32
    %dma_start3A_282 = arith.constant 3 : i32
    %dma_start3A_283 = arith.constant 3 : i32
    %dma_start3A_284 = arith.constant 3 : i32
    %dma_start3A_285 = arith.constant 0 : i32
    %dma_start3A_286 = tpu.memref_slice %arg7[%dma_start3A_283, %dma_start3A_284, %dma_start3A_285] : memref<6x4x128xf32, #tpu.memory_space<vmem>> -> memref<1x1x128xf32, #tpu.memory_space<vmem>>
    %dma_start3A_287 = tpu.memref_squeeze %dma_start3A_286 : memref<1x1x128xf32, #tpu.memory_space<vmem>> -> memref<128xf32, #tpu.memory_space<vmem>>
    %dma_start3A_288 = arith.constant 0 : i32
    %dma_start3A_289 = tpu.memref_slice %arg6[%dma_start3A_281, %dma_start3A_282, %dma_start3A_288] : memref<6x4x128xi32, #tpu.memory_space<vmem>> -> memref<1x1x128xi32, #tpu.memory_space<vmem>>
    %dma_start3A_290 = tpu.memref_squeeze %dma_start3A_289 : memref<1x1x128xi32, #tpu.memory_space<vmem>> -> memref<128xi32, #tpu.memory_space<vmem>>
    %dma_start3A_291 = arith.constant 0 : i32
    %dma_start3A_292 = tpu.memref_slice %arg3[%dma_start3A_291] : memref<2097152xf32, #tpu.memory_space<hbm>> -> memref<2097152xf32, #tpu.memory_space<hbm>>
    tpu.enqueue_indirect_dma source(%dma_start3A_292 : memref<2097152xf32, #tpu.memory_space<hbm>>) target(%dma_start3A_287 : memref<128xf32, #tpu.memory_space<vmem>>) offsets(%dma_start3A_290 : memref<128xi32, #tpu.memory_space<vmem>>) semaphore(%arg12 : memref<!tpu.dma_semaphore, #tpu.memory_space<semaphore_mem>>)
    %dma_start3A_293 = arith.constant 4 : i32
    %dma_start3A_294 = arith.constant 3 : i32
    %dma_start3A_295 = arith.constant 4 : i32
    %dma_start3A_296 = arith.constant 3 : i32
    %dma_start3A_297 = arith.constant 0 : i32
    %dma_start3A_298 = tpu.memref_slice %arg7[%dma_start3A_295, %dma_start3A_296, %dma_start3A_297] : memref<6x4x128xf32, #tpu.memory_space<vmem>> -> memref<1x1x128xf32, #tpu.memory_space<vmem>>
    %dma_start3A_299 = tpu.memref_squeeze %dma_start3A_298 : memref<1x1x128xf32, #tpu.memory_space<vmem>> -> memref<128xf32, #tpu.memory_space<vmem>>
    %dma_start3A_300 = arith.constant 0 : i32
    %dma_start3A_301 = tpu.memref_slice %arg6[%dma_start3A_293, %dma_start3A_294, %dma_start3A_300] : memref<6x4x128xi32, #tpu.memory_space<vmem>> -> memref<1x1x128xi32, #tpu.memory_space<vmem>>
    %dma_start3A_302 = tpu.memref_squeeze %dma_start3A_301 : memref<1x1x128xi32, #tpu.memory_space<vmem>> -> memref<128xi32, #tpu.memory_space<vmem>>
    %dma_start3A_303 = arith.constant 0 : i32
    %dma_start3A_304 = tpu.memref_slice %arg3[%dma_start3A_303] : memref<2097152xf32, #tpu.memory_space<hbm>> -> memref<2097152xf32, #tpu.memory_space<hbm>>
    tpu.enqueue_indirect_dma source(%dma_start3A_304 : memref<2097152xf32, #tpu.memory_space<hbm>>) target(%dma_start3A_299 : memref<128xf32, #tpu.memory_space<vmem>>) offsets(%dma_start3A_302 : memref<128xi32, #tpu.memory_space<vmem>>) semaphore(%arg12 : memref<!tpu.dma_semaphore, #tpu.memory_space<semaphore_mem>>)
    %dma_start3A_305 = arith.constant 5 : i32
    %dma_start3A_306 = arith.constant 3 : i32
    %dma_start3A_307 = arith.constant 5 : i32
    %dma_start3A_308 = arith.constant 3 : i32
    %dma_start3A_309 = arith.constant 0 : i32
    %dma_start3A_310 = tpu.memref_slice %arg7[%dma_start3A_307, %dma_start3A_308, %dma_start3A_309] : memref<6x4x128xf32, #tpu.memory_space<vmem>> -> memref<1x1x128xf32, #tpu.memory_space<vmem>>
    %dma_start3A_311 = tpu.memref_squeeze %dma_start3A_310 : memref<1x1x128xf32, #tpu.memory_space<vmem>> -> memref<128xf32, #tpu.memory_space<vmem>>
    %dma_start3A_312 = arith.constant 0 : i32
    %dma_start3A_313 = tpu.memref_slice %arg6[%dma_start3A_305, %dma_start3A_306, %dma_start3A_312] : memref<6x4x128xi32, #tpu.memory_space<vmem>> -> memref<1x1x128xi32, #tpu.memory_space<vmem>>
    %dma_start3A_314 = tpu.memref_squeeze %dma_start3A_313 : memref<1x1x128xi32, #tpu.memory_space<vmem>> -> memref<128xi32, #tpu.memory_space<vmem>>
    %dma_start3A_315 = arith.constant 0 : i32
    %dma_start3A_316 = tpu.memref_slice %arg3[%dma_start3A_315] : memref<2097152xf32, #tpu.memory_space<hbm>> -> memref<2097152xf32, #tpu.memory_space<hbm>>
    tpu.enqueue_indirect_dma source(%dma_start3A_316 : memref<2097152xf32, #tpu.memory_space<hbm>>) target(%dma_start3A_311 : memref<128xf32, #tpu.memory_space<vmem>>) offsets(%dma_start3A_314 : memref<128xi32, #tpu.memory_space<vmem>>) semaphore(%arg12 : memref<!tpu.dma_semaphore, #tpu.memory_space<semaphore_mem>>)
    %dma_wait3A = arith.constant 0 : i32
    %dma_wait3A_317 = arith.constant 0 : i32
    %dma_wait3A_318 = arith.constant 0 : i32
    %dma_wait3A_319 = arith.constant 0 : i32
    %dma_wait3A_320 = arith.constant 0 : i32
    %dma_wait3A_321 = tpu.memref_slice %arg7[%dma_wait3A_318, %dma_wait3A_319, %dma_wait3A_320] : memref<6x4x128xf32, #tpu.memory_space<vmem>> -> memref<1x1x128xf32, #tpu.memory_space<vmem>>
    %dma_wait3A_322 = tpu.memref_squeeze %dma_wait3A_321 : memref<1x1x128xf32, #tpu.memory_space<vmem>> -> memref<128xf32, #tpu.memory_space<vmem>>
    %dma_wait3A_323 = arith.constant 0 : i32
    %dma_wait3A_324 = tpu.memref_slice %arg6[%dma_wait3A, %dma_wait3A_317, %dma_wait3A_323] : memref<6x4x128xi32, #tpu.memory_space<vmem>> -> memref<1x1x128xi32, #tpu.memory_space<vmem>>
    %dma_wait3A_325 = tpu.memref_squeeze %dma_wait3A_324 : memref<1x1x128xi32, #tpu.memory_space<vmem>> -> memref<128xi32, #tpu.memory_space<vmem>>
    %dma_wait3A_326 = arith.constant 0 : i32
    %dma_wait3A_327 = tpu.memref_slice %arg3[%dma_wait3A_326] : memref<2097152xf32, #tpu.memory_space<hbm>> -> memref<2097152xf32, #tpu.memory_space<hbm>>
    tpu.wait_indirect_dma semaphore(%arg9 : memref<!tpu.dma_semaphore, #tpu.memory_space<semaphore_mem>>) src(%dma_wait3A_327 : memref<2097152xf32, #tpu.memory_space<hbm>>) dst(%dma_wait3A_322 : memref<128xf32, #tpu.memory_space<vmem>>)
    %dma_wait3A_328 = arith.constant 1 : i32
    %dma_wait3A_329 = arith.constant 0 : i32
    %dma_wait3A_330 = arith.constant 1 : i32
    %dma_wait3A_331 = arith.constant 0 : i32
    %dma_wait3A_332 = arith.constant 0 : i32
    %dma_wait3A_333 = tpu.memref_slice %arg7[%dma_wait3A_330, %dma_wait3A_331, %dma_wait3A_332] : memref<6x4x128xf32, #tpu.memory_space<vmem>> -> memref<1x1x128xf32, #tpu.memory_space<vmem>>
    %dma_wait3A_334 = tpu.memref_squeeze %dma_wait3A_333 : memref<1x1x128xf32, #tpu.memory_space<vmem>> -> memref<128xf32, #tpu.memory_space<vmem>>
    %dma_wait3A_335 = arith.constant 0 : i32
    %dma_wait3A_336 = tpu.memref_slice %arg6[%dma_wait3A_328, %dma_wait3A_329, %dma_wait3A_335] : memref<6x4x128xi32, #tpu.memory_space<vmem>> -> memref<1x1x128xi32, #tpu.memory_space<vmem>>
    %dma_wait3A_337 = tpu.memref_squeeze %dma_wait3A_336 : memref<1x1x128xi32, #tpu.memory_space<vmem>> -> memref<128xi32, #tpu.memory_space<vmem>>
    %dma_wait3A_338 = arith.constant 0 : i32
    %dma_wait3A_339 = tpu.memref_slice %arg3[%dma_wait3A_338] : memref<2097152xf32, #tpu.memory_space<hbm>> -> memref<2097152xf32, #tpu.memory_space<hbm>>
    tpu.wait_indirect_dma semaphore(%arg9 : memref<!tpu.dma_semaphore, #tpu.memory_space<semaphore_mem>>) src(%dma_wait3A_339 : memref<2097152xf32, #tpu.memory_space<hbm>>) dst(%dma_wait3A_334 : memref<128xf32, #tpu.memory_space<vmem>>)
    %dma_wait3A_340 = arith.constant 2 : i32
    %dma_wait3A_341 = arith.constant 0 : i32
    %dma_wait3A_342 = arith.constant 2 : i32
    %dma_wait3A_343 = arith.constant 0 : i32
    %dma_wait3A_344 = arith.constant 0 : i32
    %dma_wait3A_345 = tpu.memref_slice %arg7[%dma_wait3A_342, %dma_wait3A_343, %dma_wait3A_344] : memref<6x4x128xf32, #tpu.memory_space<vmem>> -> memref<1x1x128xf32, #tpu.memory_space<vmem>>
    %dma_wait3A_346 = tpu.memref_squeeze %dma_wait3A_345 : memref<1x1x128xf32, #tpu.memory_space<vmem>> -> memref<128xf32, #tpu.memory_space<vmem>>
    %dma_wait3A_347 = arith.constant 0 : i32
    %dma_wait3A_348 = tpu.memref_slice %arg6[%dma_wait3A_340, %dma_wait3A_341, %dma_wait3A_347] : memref<6x4x128xi32, #tpu.memory_space<vmem>> -> memref<1x1x128xi32, #tpu.memory_space<vmem>>
    %dma_wait3A_349 = tpu.memref_squeeze %dma_wait3A_348 : memref<1x1x128xi32, #tpu.memory_space<vmem>> -> memref<128xi32, #tpu.memory_space<vmem>>
    %dma_wait3A_350 = arith.constant 0 : i32
    %dma_wait3A_351 = tpu.memref_slice %arg3[%dma_wait3A_350] : memref<2097152xf32, #tpu.memory_space<hbm>> -> memref<2097152xf32, #tpu.memory_space<hbm>>
    tpu.wait_indirect_dma semaphore(%arg9 : memref<!tpu.dma_semaphore, #tpu.memory_space<semaphore_mem>>) src(%dma_wait3A_351 : memref<2097152xf32, #tpu.memory_space<hbm>>) dst(%dma_wait3A_346 : memref<128xf32, #tpu.memory_space<vmem>>)
    %dma_wait3A_352 = arith.constant 3 : i32
    %dma_wait3A_353 = arith.constant 0 : i32
    %dma_wait3A_354 = arith.constant 3 : i32
    %dma_wait3A_355 = arith.constant 0 : i32
    %dma_wait3A_356 = arith.constant 0 : i32
    %dma_wait3A_357 = tpu.memref_slice %arg7[%dma_wait3A_354, %dma_wait3A_355, %dma_wait3A_356] : memref<6x4x128xf32, #tpu.memory_space<vmem>> -> memref<1x1x128xf32, #tpu.memory_space<vmem>>
    %dma_wait3A_358 = tpu.memref_squeeze %dma_wait3A_357 : memref<1x1x128xf32, #tpu.memory_space<vmem>> -> memref<128xf32, #tpu.memory_space<vmem>>
    %dma_wait3A_359 = arith.constant 0 : i32
    %dma_wait3A_360 = tpu.memref_slice %arg6[%dma_wait3A_352, %dma_wait3A_353, %dma_wait3A_359] : memref<6x4x128xi32, #tpu.memory_space<vmem>> -> memref<1x1x128xi32, #tpu.memory_space<vmem>>
    %dma_wait3A_361 = tpu.memref_squeeze %dma_wait3A_360 : memref<1x1x128xi32, #tpu.memory_space<vmem>> -> memref<128xi32, #tpu.memory_space<vmem>>
    %dma_wait3A_362 = arith.constant 0 : i32
    %dma_wait3A_363 = tpu.memref_slice %arg3[%dma_wait3A_362] : memref<2097152xf32, #tpu.memory_space<hbm>> -> memref<2097152xf32, #tpu.memory_space<hbm>>
    tpu.wait_indirect_dma semaphore(%arg9 : memref<!tpu.dma_semaphore, #tpu.memory_space<semaphore_mem>>) src(%dma_wait3A_363 : memref<2097152xf32, #tpu.memory_space<hbm>>) dst(%dma_wait3A_358 : memref<128xf32, #tpu.memory_space<vmem>>)
    %dma_wait3A_364 = arith.constant 4 : i32
    %dma_wait3A_365 = arith.constant 0 : i32
    %dma_wait3A_366 = arith.constant 4 : i32
    %dma_wait3A_367 = arith.constant 0 : i32
    %dma_wait3A_368 = arith.constant 0 : i32
    %dma_wait3A_369 = tpu.memref_slice %arg7[%dma_wait3A_366, %dma_wait3A_367, %dma_wait3A_368] : memref<6x4x128xf32, #tpu.memory_space<vmem>> -> memref<1x1x128xf32, #tpu.memory_space<vmem>>
    %dma_wait3A_370 = tpu.memref_squeeze %dma_wait3A_369 : memref<1x1x128xf32, #tpu.memory_space<vmem>> -> memref<128xf32, #tpu.memory_space<vmem>>
    %dma_wait3A_371 = arith.constant 0 : i32
    %dma_wait3A_372 = tpu.memref_slice %arg6[%dma_wait3A_364, %dma_wait3A_365, %dma_wait3A_371] : memref<6x4x128xi32, #tpu.memory_space<vmem>> -> memref<1x1x128xi32, #tpu.memory_space<vmem>>
    %dma_wait3A_373 = tpu.memref_squeeze %dma_wait3A_372 : memref<1x1x128xi32, #tpu.memory_space<vmem>> -> memref<128xi32, #tpu.memory_space<vmem>>
    %dma_wait3A_374 = arith.constant 0 : i32
    %dma_wait3A_375 = tpu.memref_slice %arg3[%dma_wait3A_374] : memref<2097152xf32, #tpu.memory_space<hbm>> -> memref<2097152xf32, #tpu.memory_space<hbm>>
    tpu.wait_indirect_dma semaphore(%arg9 : memref<!tpu.dma_semaphore, #tpu.memory_space<semaphore_mem>>) src(%dma_wait3A_375 : memref<2097152xf32, #tpu.memory_space<hbm>>) dst(%dma_wait3A_370 : memref<128xf32, #tpu.memory_space<vmem>>)
    %dma_wait3A_376 = arith.constant 5 : i32
    %dma_wait3A_377 = arith.constant 0 : i32
    %dma_wait3A_378 = arith.constant 5 : i32
    %dma_wait3A_379 = arith.constant 0 : i32
    %dma_wait3A_380 = arith.constant 0 : i32
    %dma_wait3A_381 = tpu.memref_slice %arg7[%dma_wait3A_378, %dma_wait3A_379, %dma_wait3A_380] : memref<6x4x128xf32, #tpu.memory_space<vmem>> -> memref<1x1x128xf32, #tpu.memory_space<vmem>>
    %dma_wait3A_382 = tpu.memref_squeeze %dma_wait3A_381 : memref<1x1x128xf32, #tpu.memory_space<vmem>> -> memref<128xf32, #tpu.memory_space<vmem>>
    %dma_wait3A_383 = arith.constant 0 : i32
    %dma_wait3A_384 = tpu.memref_slice %arg6[%dma_wait3A_376, %dma_wait3A_377, %dma_wait3A_383] : memref<6x4x128xi32, #tpu.memory_space<vmem>> -> memref<1x1x128xi32, #tpu.memory_space<vmem>>
    %dma_wait3A_385 = tpu.memref_squeeze %dma_wait3A_384 : memref<1x1x128xi32, #tpu.memory_space<vmem>> -> memref<128xi32, #tpu.memory_space<vmem>>
    %dma_wait3A_386 = arith.constant 0 : i32
    %dma_wait3A_387 = tpu.memref_slice %arg3[%dma_wait3A_386] : memref<2097152xf32, #tpu.memory_space<hbm>> -> memref<2097152xf32, #tpu.memory_space<hbm>>
    tpu.wait_indirect_dma semaphore(%arg9 : memref<!tpu.dma_semaphore, #tpu.memory_space<semaphore_mem>>) src(%dma_wait3A_387 : memref<2097152xf32, #tpu.memory_space<hbm>>) dst(%dma_wait3A_382 : memref<128xf32, #tpu.memory_space<vmem>>)
    %scan3A_388 = arith.constant 0 : i32
    %scan3A_389 = arith.constant 0 : i32
    %scan3A_390 = arith.constant 8 : i32
    %scan3A_391 = arith.addi %scan3A_389, %scan3A_390 : i32
    %scan3A_392 = arith.constant 1 : i32
    %scan3A_393 = scf.for %scan3A_632 = %scan3A_389 to %scan3A_391 step %scan3A_392 iter_args(%scan3A_633 = %scan3A_388) -> (i32)  : i32 {
      %mul3A_634 = arith.constant 16 : i32
      %mul3A_635 = arith.muli %scan3A_632, %mul3A_634 : i32
      %get3A = arith.constant 0 : i32
      %get3A_636 = arith.constant 0 : i32
      %get3A_637 = arith.index_cast %get3A : i32 to index
      %get3A_638 = arith.index_cast %get3A_636 : i32 to index
      %get3A_639 = arith.index_cast %mul3A_635 : i32 to index
      %get3A_640 = tpu.vector_load %arg7[%get3A_637, %get3A_638, %get3A_639] {strides = array<i32>} : memref<6x4x128xf32, #tpu.memory_space<vmem>>, vector<1x1x16xf32>,
      %get3A_641 = vector.shape_cast %get3A_640 : vector<1x1x16xf32> to vector<16xf32>
      %get3A_642 = arith.constant 1 : i32
      %get3A_643 = arith.constant 0 : i32
      %get3A_644 = arith.index_cast %get3A_642 : i32 to index
      %get3A_645 = arith.index_cast %get3A_643 : i32 to index
      %get3A_646 = arith.index_cast %mul3A_635 : i32 to index
      %get3A_647 = tpu.vector_load %arg7[%get3A_644, %get3A_645, %get3A_646] {strides = array<i32>} : memref<6x4x128xf32, #tpu.memory_space<vmem>>, vector<1x1x16xf32>,
      %get3A_648 = vector.shape_cast %get3A_647 : vector<1x1x16xf32> to vector<16xf32>
      %get3A_649 = arith.constant 2 : i32
      %get3A_650 = arith.constant 0 : i32
      %get3A_651 = arith.index_cast %get3A_649 : i32 to index
      %get3A_652 = arith.index_cast %get3A_650 : i32 to index
      %get3A_653 = arith.index_cast %mul3A_635 : i32 to index
      %get3A_654 = tpu.vector_load %arg7[%get3A_651, %get3A_652, %get3A_653] {strides = array<i32>} : memref<6x4x128xf32, #tpu.memory_space<vmem>>, vector<1x1x16xf32>,
      %get3A_655 = vector.shape_cast %get3A_654 : vector<1x1x16xf32> to vector<16xf32>
      %get3A_656 = arith.constant 3 : i32
      %get3A_657 = arith.constant 0 : i32
      %get3A_658 = arith.index_cast %get3A_656 : i32 to index
      %get3A_659 = arith.index_cast %get3A_657 : i32 to index
      %get3A_660 = arith.index_cast %mul3A_635 : i32 to index
      %get3A_661 = tpu.vector_load %arg7[%get3A_658, %get3A_659, %get3A_660] {strides = array<i32>} : memref<6x4x128xf32, #tpu.memory_space<vmem>>, vector<1x1x16xf32>,
      %get3A_662 = vector.shape_cast %get3A_661 : vector<1x1x16xf32> to vector<16xf32>
      %get3A_663 = arith.constant 4 : i32
      %get3A_664 = arith.constant 0 : i32
      %get3A_665 = arith.index_cast %get3A_663 : i32 to index
      %get3A_666 = arith.index_cast %get3A_664 : i32 to index
      %get3A_667 = arith.index_cast %mul3A_635 : i32 to index
      %get3A_668 = tpu.vector_load %arg7[%get3A_665, %get3A_666, %get3A_667] {strides = array<i32>} : memref<6x4x128xf32, #tpu.memory_space<vmem>>, vector<1x1x16xf32>,
      %get3A_669 = vector.shape_cast %get3A_668 : vector<1x1x16xf32> to vector<16xf32>
      %get3A_670 = arith.constant 5 : i32
      %get3A_671 = arith.constant 0 : i32
      %get3A_672 = arith.index_cast %get3A_670 : i32 to index
      %get3A_673 = arith.index_cast %get3A_671 : i32 to index
      %get3A_674 = arith.index_cast %mul3A_635 : i32 to index
      %get3A_675 = tpu.vector_load %arg7[%get3A_672, %get3A_673, %get3A_674] {strides = array<i32>} : memref<6x4x128xf32, #tpu.memory_space<vmem>>, vector<1x1x16xf32>,
      %get3A_676 = vector.shape_cast %get3A_675 : vector<1x1x16xf32> to vector<16xf32>
      %mul3A_677 = arith.constant 16 : i32
      %mul3A_678 = arith.muli %scan3A_632, %mul3A_677 : i32
      %add3A_679 = arith.constant 0 : i32
      %add3A_680 = arith.addi %add3A_679, %mul3A_678 : i32
      %mul3A_681 = arith.constant 2.000000e+00 : f32
      %mul3A_682 = vector.broadcast %mul3A_681 : f32 to vector<16xf32>
      %mul3A_683 = arith.mulf %get3A_641, %mul3A_682 : vector<16xf32>
      %mul3A_684 = arith.mulf %mul3A_683, %get3A_655 : vector<16xf32>
      %div3A = arith.divf %mul3A_684, %get3A_662 : vector<16xf32>
      %swap3A = arith.constant 0 : i32
      %swap3A_685 = arith.index_cast %swap3A : i32 to index
      %swap3A_686 = arith.index_cast %add3A_680 : i32 to index
      %swap3A_687 = tpu.vector_load %arg8[%swap3A_685, %swap3A_686] {strides = array<i32>} : memref<2x512xf32, #tpu.memory_space<vmem>>, vector<1x16xf32>,
      %swap3A_688 = vector.shape_cast %swap3A_687 : vector<1x16xf32> to vector<16xf32>
      %swap3A_689 = vector.shape_cast %div3A : vector<16xf32> to vector<1x16xf32>
      tpu.vector_store %arg8[%swap3A_685, %swap3A_686], %swap3A_689 {strides = array<i32>} : memref<2x512xf32, #tpu.memory_space<vmem>>, vector<1x16xf32>,
      %div3A_690 = arith.constant 3.000000e+00 : f32
      %div3A_691 = vector.broadcast %div3A_690 : f32 to vector<16xf32>
      %div3A_692 = arith.divf %get3A_648, %div3A_691 : vector<16xf32>
      %div3A_693 = arith.divf %div3A_692, %get3A_669 : vector<16xf32>
      %mul3A_694 = arith.mulf %div3A_693, %get3A_676 : vector<16xf32>
      %swap3A_695 = arith.constant 1 : i32
      %swap3A_696 = arith.index_cast %swap3A_695 : i32 to index
      %swap3A_697 = arith.index_cast %add3A_680 : i32 to index
      %swap3A_698 = tpu.vector_load %arg8[%swap3A_696, %swap3A_697] {strides = array<i32>} : memref<2x512xf32, #tpu.memory_space<vmem>>, vector<1x16xf32>,
      %swap3A_699 = vector.shape_cast %swap3A_698 : vector<1x16xf32> to vector<16xf32>
      %swap3A_700 = vector.shape_cast %mul3A_694 : vector<16xf32> to vector<1x16xf32>
      tpu.vector_store %arg8[%swap3A_696, %swap3A_697], %swap3A_700 {strides = array<i32>} : memref<2x512xf32, #tpu.memory_space<vmem>>, vector<1x16xf32>,
      %scan3A_701 = arith.constant 0 : i32
      scf.yield %scan3A_701 : i32
    }
    %scan3A_394 = arith.constant 8 : i32
    %dma_wait3A_395 = arith.constant 0 : i32
    %dma_wait3A_396 = arith.constant 1 : i32
    %dma_wait3A_397 = arith.constant 0 : i32
    %dma_wait3A_398 = arith.constant 1 : i32
    %dma_wait3A_399 = arith.constant 0 : i32
    %dma_wait3A_400 = tpu.memref_slice %arg7[%dma_wait3A_397, %dma_wait3A_398, %dma_wait3A_399] : memref<6x4x128xf32, #tpu.memory_space<vmem>> -> memref<1x1x128xf32, #tpu.memory_space<vmem>>
    %dma_wait3A_401 = tpu.memref_squeeze %dma_wait3A_400 : memref<1x1x128xf32, #tpu.memory_space<vmem>> -> memref<128xf32, #tpu.memory_space<vmem>>
    %dma_wait3A_402 = arith.constant 0 : i32
    %dma_wait3A_403 = tpu.memref_slice %arg6[%dma_wait3A_395, %dma_wait3A_396, %dma_wait3A_402] : memref<6x4x128xi32, #tpu.memory_space<vmem>> -> memref<1x1x128xi32, #tpu.memory_space<vmem>>
    %dma_wait3A_404 = tpu.memref_squeeze %dma_wait3A_403 : memref<1x1x128xi32, #tpu.memory_space<vmem>> -> memref<128xi32, #tpu.memory_space<vmem>>
    %dma_wait3A_405 = arith.constant 0 : i32
    %dma_wait3A_406 = tpu.memref_slice %arg3[%dma_wait3A_405] : memref<2097152xf32, #tpu.memory_space<hbm>> -> memref<2097152xf32, #tpu.memory_space<hbm>>
    tpu.wait_indirect_dma semaphore(%arg10 : memref<!tpu.dma_semaphore, #tpu.memory_space<semaphore_mem>>) src(%dma_wait3A_406 : memref<2097152xf32, #tpu.memory_space<hbm>>) dst(%dma_wait3A_401 : memref<128xf32, #tpu.memory_space<vmem>>)
    %dma_wait3A_407 = arith.constant 1 : i32
    %dma_wait3A_408 = arith.constant 1 : i32
    %dma_wait3A_409 = arith.constant 1 : i32
    %dma_wait3A_410 = arith.constant 1 : i32
    %dma_wait3A_411 = arith.constant 0 : i32
    %dma_wait3A_412 = tpu.memref_slice %arg7[%dma_wait3A_409, %dma_wait3A_410, %dma_wait3A_411] : memref<6x4x128xf32, #tpu.memory_space<vmem>> -> memref<1x1x128xf32, #tpu.memory_space<vmem>>
    %dma_wait3A_413 = tpu.memref_squeeze %dma_wait3A_412 : memref<1x1x128xf32, #tpu.memory_space<vmem>> -> memref<128xf32, #tpu.memory_space<vmem>>
    %dma_wait3A_414 = arith.constant 0 : i32
    %dma_wait3A_415 = tpu.memref_slice %arg6[%dma_wait3A_407, %dma_wait3A_408, %dma_wait3A_414] : memref<6x4x128xi32, #tpu.memory_space<vmem>> -> memref<1x1x128xi32, #tpu.memory_space<vmem>>
    %dma_wait3A_416 = tpu.memref_squeeze %dma_wait3A_415 : memref<1x1x128xi32, #tpu.memory_space<vmem>> -> memref<128xi32, #tpu.memory_space<vmem>>
    %dma_wait3A_417 = arith.constant 0 : i32
    %dma_wait3A_418 = tpu.memref_slice %arg3[%dma_wait3A_417] : memref<2097152xf32, #tpu.memory_space<hbm>> -> memref<2097152xf32, #tpu.memory_space<hbm>>
    tpu.wait_indirect_dma semaphore(%arg10 : memref<!tpu.dma_semaphore, #tpu.memory_space<semaphore_mem>>) src(%dma_wait3A_418 : memref<2097152xf32, #tpu.memory_space<hbm>>) dst(%dma_wait3A_413 : memref<128xf32, #tpu.memory_space<vmem>>)
    %dma_wait3A_419 = arith.constant 2 : i32
    %dma_wait3A_420 = arith.constant 1 : i32
    %dma_wait3A_421 = arith.constant 2 : i32
    %dma_wait3A_422 = arith.constant 1 : i32
    %dma_wait3A_423 = arith.constant 0 : i32
    %dma_wait3A_424 = tpu.memref_slice %arg7[%dma_wait3A_421, %dma_wait3A_422, %dma_wait3A_423] : memref<6x4x128xf32, #tpu.memory_space<vmem>> -> memref<1x1x128xf32, #tpu.memory_space<vmem>>
    %dma_wait3A_425 = tpu.memref_squeeze %dma_wait3A_424 : memref<1x1x128xf32, #tpu.memory_space<vmem>> -> memref<128xf32, #tpu.memory_space<vmem>>
    %dma_wait3A_426 = arith.constant 0 : i32
    %dma_wait3A_427 = tpu.memref_slice %arg6[%dma_wait3A_419, %dma_wait3A_420, %dma_wait3A_426] : memref<6x4x128xi32, #tpu.memory_space<vmem>> -> memref<1x1x128xi32, #tpu.memory_space<vmem>>
    %dma_wait3A_428 = tpu.memref_squeeze %dma_wait3A_427 : memref<1x1x128xi32, #tpu.memory_space<vmem>> -> memref<128xi32, #tpu.memory_space<vmem>>
    %dma_wait3A_429 = arith.constant 0 : i32
    %dma_wait3A_430 = tpu.memref_slice %arg3[%dma_wait3A_429] : memref<2097152xf32, #tpu.memory_space<hbm>> -> memref<2097152xf32, #tpu.memory_space<hbm>>
    tpu.wait_indirect_dma semaphore(%arg10 : memref<!tpu.dma_semaphore, #tpu.memory_space<semaphore_mem>>) src(%dma_wait3A_430 : memref<2097152xf32, #tpu.memory_space<hbm>>) dst(%dma_wait3A_425 : memref<128xf32, #tpu.memory_space<vmem>>)
    %dma_wait3A_431 = arith.constant 3 : i32
    %dma_wait3A_432 = arith.constant 1 : i32
    %dma_wait3A_433 = arith.constant 3 : i32
    %dma_wait3A_434 = arith.constant 1 : i32
    %dma_wait3A_435 = arith.constant 0 : i32
    %dma_wait3A_436 = tpu.memref_slice %arg7[%dma_wait3A_433, %dma_wait3A_434, %dma_wait3A_435] : memref<6x4x128xf32, #tpu.memory_space<vmem>> -> memref<1x1x128xf32, #tpu.memory_space<vmem>>
    %dma_wait3A_437 = tpu.memref_squeeze %dma_wait3A_436 : memref<1x1x128xf32, #tpu.memory_space<vmem>> -> memref<128xf32, #tpu.memory_space<vmem>>
    %dma_wait3A_438 = arith.constant 0 : i32
    %dma_wait3A_439 = tpu.memref_slice %arg6[%dma_wait3A_431, %dma_wait3A_432, %dma_wait3A_438] : memref<6x4x128xi32, #tpu.memory_space<vmem>> -> memref<1x1x128xi32, #tpu.memory_space<vmem>>
    %dma_wait3A_440 = tpu.memref_squeeze %dma_wait3A_439 : memref<1x1x128xi32, #tpu.memory_space<vmem>> -> memref<128xi32, #tpu.memory_space<vmem>>
    %dma_wait3A_441 = arith.constant 0 : i32
    %dma_wait3A_442 = tpu.memref_slice %arg3[%dma_wait3A_441] : memref<2097152xf32, #tpu.memory_space<hbm>> -> memref<2097152xf32, #tpu.memory_space<hbm>>
    tpu.wait_indirect_dma semaphore(%arg10 : memref<!tpu.dma_semaphore, #tpu.memory_space<semaphore_mem>>) src(%dma_wait3A_442 : memref<2097152xf32, #tpu.memory_space<hbm>>) dst(%dma_wait3A_437 : memref<128xf32, #tpu.memory_space<vmem>>)
    %dma_wait3A_443 = arith.constant 4 : i32
    %dma_wait3A_444 = arith.constant 1 : i32
    %dma_wait3A_445 = arith.constant 4 : i32
    %dma_wait3A_446 = arith.constant 1 : i32
    %dma_wait3A_447 = arith.constant 0 : i32
    %dma_wait3A_448 = tpu.memref_slice %arg7[%dma_wait3A_445, %dma_wait3A_446, %dma_wait3A_447] : memref<6x4x128xf32, #tpu.memory_space<vmem>> -> memref<1x1x128xf32, #tpu.memory_space<vmem>>
    %dma_wait3A_449 = tpu.memref_squeeze %dma_wait3A_448 : memref<1x1x128xf32, #tpu.memory_space<vmem>> -> memref<128xf32, #tpu.memory_space<vmem>>
    %dma_wait3A_450 = arith.constant 0 : i32
    %dma_wait3A_451 = tpu.memref_slice %arg6[%dma_wait3A_443, %dma_wait3A_444, %dma_wait3A_450] : memref<6x4x128xi32, #tpu.memory_space<vmem>> -> memref<1x1x128xi32, #tpu.memory_space<vmem>>
    %dma_wait3A_452 = tpu.memref_squeeze %dma_wait3A_451 : memref<1x1x128xi32, #tpu.memory_space<vmem>> -> memref<128xi32, #tpu.memory_space<vmem>>
    %dma_wait3A_453 = arith.constant 0 : i32
    %dma_wait3A_454 = tpu.memref_slice %arg3[%dma_wait3A_453] : memref<2097152xf32, #tpu.memory_space<hbm>> -> memref<2097152xf32, #tpu.memory_space<hbm>>
    tpu.wait_indirect_dma semaphore(%arg10 : memref<!tpu.dma_semaphore, #tpu.memory_space<semaphore_mem>>) src(%dma_wait3A_454 : memref<2097152xf32, #tpu.memory_space<hbm>>) dst(%dma_wait3A_449 : memref<128xf32, #tpu.memory_space<vmem>>)
    %dma_wait3A_455 = arith.constant 5 : i32
    %dma_wait3A_456 = arith.constant 1 : i32
    %dma_wait3A_457 = arith.constant 5 : i32
    %dma_wait3A_458 = arith.constant 1 : i32
    %dma_wait3A_459 = arith.constant 0 : i32
    %dma_wait3A_460 = tpu.memref_slice %arg7[%dma_wait3A_457, %dma_wait3A_458, %dma_wait3A_459] : memref<6x4x128xf32, #tpu.memory_space<vmem>> -> memref<1x1x128xf32, #tpu.memory_space<vmem>>
    %dma_wait3A_461 = tpu.memref_squeeze %dma_wait3A_460 : memref<1x1x128xf32, #tpu.memory_space<vmem>> -> memref<128xf32, #tpu.memory_space<vmem>>
    %dma_wait3A_462 = arith.constant 0 : i32
    %dma_wait3A_463 = tpu.memref_slice %arg6[%dma_wait3A_455, %dma_wait3A_456, %dma_wait3A_462] : memref<6x4x128xi32, #tpu.memory_space<vmem>> -> memref<1x1x128xi32, #tpu.memory_space<vmem>>
    %dma_wait3A_464 = tpu.memref_squeeze %dma_wait3A_463 : memref<1x1x128xi32, #tpu.memory_space<vmem>> -> memref<128xi32, #tpu.memory_space<vmem>>
    %dma_wait3A_465 = arith.constant 0 : i32
    %dma_wait3A_466 = tpu.memref_slice %arg3[%dma_wait3A_465] : memref<2097152xf32, #tpu.memory_space<hbm>> -> memref<2097152xf32, #tpu.memory_space<hbm>>
    tpu.wait_indirect_dma semaphore(%arg10 : memref<!tpu.dma_semaphore, #tpu.memory_space<semaphore_mem>>) src(%dma_wait3A_466 : memref<2097152xf32, #tpu.memory_space<hbm>>) dst(%dma_wait3A_461 : memref<128xf32, #tpu.memory_space<vmem>>)
    %scan3A_467 = arith.constant 0 : i32
    %scan3A_468 = arith.constant 0 : i32
    %scan3A_469 = arith.constant 8 : i32
    %scan3A_470 = arith.addi %scan3A_468, %scan3A_469 : i32
    %scan3A_471 = arith.constant 1 : i32
    %scan3A_472 = scf.for %scan3A_632 = %scan3A_468 to %scan3A_470 step %scan3A_471 iter_args(%scan3A_633 = %scan3A_467) -> (i32)  : i32 {
      %mul3A_634 = arith.constant 16 : i32
      %mul3A_635 = arith.muli %scan3A_632, %mul3A_634 : i32
      %get3A = arith.constant 0 : i32
      %get3A_636 = arith.constant 1 : i32
      %get3A_637 = arith.index_cast %get3A : i32 to index
      %get3A_638 = arith.index_cast %get3A_636 : i32 to index
      %get3A_639 = arith.index_cast %mul3A_635 : i32 to index
      %get3A_640 = tpu.vector_load %arg7[%get3A_637, %get3A_638, %get3A_639] {strides = array<i32>} : memref<6x4x128xf32, #tpu.memory_space<vmem>>, vector<1x1x16xf32>,
      %get3A_641 = vector.shape_cast %get3A_640 : vector<1x1x16xf32> to vector<16xf32>
      %get3A_642 = arith.constant 1 : i32
      %get3A_643 = arith.constant 1 : i32
      %get3A_644 = arith.index_cast %get3A_642 : i32 to index
      %get3A_645 = arith.index_cast %get3A_643 : i32 to index
      %get3A_646 = arith.index_cast %mul3A_635 : i32 to index
      %get3A_647 = tpu.vector_load %arg7[%get3A_644, %get3A_645, %get3A_646] {strides = array<i32>} : memref<6x4x128xf32, #tpu.memory_space<vmem>>, vector<1x1x16xf32>,
      %get3A_648 = vector.shape_cast %get3A_647 : vector<1x1x16xf32> to vector<16xf32>
      %get3A_649 = arith.constant 2 : i32
      %get3A_650 = arith.constant 1 : i32
      %get3A_651 = arith.index_cast %get3A_649 : i32 to index
      %get3A_652 = arith.index_cast %get3A_650 : i32 to index
      %get3A_653 = arith.index_cast %mul3A_635 : i32 to index
      %get3A_654 = tpu.vector_load %arg7[%get3A_651, %get3A_652, %get3A_653] {strides = array<i32>} : memref<6x4x128xf32, #tpu.memory_space<vmem>>, vector<1x1x16xf32>,
      %get3A_655 = vector.shape_cast %get3A_654 : vector<1x1x16xf32> to vector<16xf32>
      %get3A_656 = arith.constant 3 : i32
      %get3A_657 = arith.constant 1 : i32
      %get3A_658 = arith.index_cast %get3A_656 : i32 to index
      %get3A_659 = arith.index_cast %get3A_657 : i32 to index
      %get3A_660 = arith.index_cast %mul3A_635 : i32 to index
      %get3A_661 = tpu.vector_load %arg7[%get3A_658, %get3A_659, %get3A_660] {strides = array<i32>} : memref<6x4x128xf32, #tpu.memory_space<vmem>>, vector<1x1x16xf32>,
      %get3A_662 = vector.shape_cast %get3A_661 : vector<1x1x16xf32> to vector<16xf32>
      %get3A_663 = arith.constant 4 : i32
      %get3A_664 = arith.constant 1 : i32
      %get3A_665 = arith.index_cast %get3A_663 : i32 to index
      %get3A_666 = arith.index_cast %get3A_664 : i32 to index
      %get3A_667 = arith.index_cast %mul3A_635 : i32 to index
      %get3A_668 = tpu.vector_load %arg7[%get3A_665, %get3A_666, %get3A_667] {strides = array<i32>} : memref<6x4x128xf32, #tpu.memory_space<vmem>>, vector<1x1x16xf32>,
      %get3A_669 = vector.shape_cast %get3A_668 : vector<1x1x16xf32> to vector<16xf32>
      %get3A_670 = arith.constant 5 : i32
      %get3A_671 = arith.constant 1 : i32
      %get3A_672 = arith.index_cast %get3A_670 : i32 to index
      %get3A_673 = arith.index_cast %get3A_671 : i32 to index
      %get3A_674 = arith.index_cast %mul3A_635 : i32 to index
      %get3A_675 = tpu.vector_load %arg7[%get3A_672, %get3A_673, %get3A_674] {strides = array<i32>} : memref<6x4x128xf32, #tpu.memory_space<vmem>>, vector<1x1x16xf32>,
      %get3A_676 = vector.shape_cast %get3A_675 : vector<1x1x16xf32> to vector<16xf32>
      %mul3A_677 = arith.constant 16 : i32
      %mul3A_678 = arith.muli %scan3A_632, %mul3A_677 : i32
      %add3A_679 = arith.constant 128 : i32
      %add3A_680 = arith.addi %add3A_679, %mul3A_678 : i32
      %mul3A_681 = arith.constant 2.000000e+00 : f32
      %mul3A_682 = vector.broadcast %mul3A_681 : f32 to vector<16xf32>
      %mul3A_683 = arith.mulf %get3A_641, %mul3A_682 : vector<16xf32>
      %mul3A_684 = arith.mulf %mul3A_683, %get3A_655 : vector<16xf32>
      %div3A = arith.divf %mul3A_684, %get3A_662 : vector<16xf32>
      %swap3A = arith.constant 0 : i32
      %swap3A_685 = arith.index_cast %swap3A : i32 to index
      %swap3A_686 = arith.index_cast %add3A_680 : i32 to index
      %swap3A_687 = tpu.vector_load %arg8[%swap3A_685, %swap3A_686] {strides = array<i32>} : memref<2x512xf32, #tpu.memory_space<vmem>>, vector<1x16xf32>,
      %swap3A_688 = vector.shape_cast %swap3A_687 : vector<1x16xf32> to vector<16xf32>
      %swap3A_689 = vector.shape_cast %div3A : vector<16xf32> to vector<1x16xf32>
      tpu.vector_store %arg8[%swap3A_685, %swap3A_686], %swap3A_689 {strides = array<i32>} : memref<2x512xf32, #tpu.memory_space<vmem>>, vector<1x16xf32>,
      %div3A_690 = arith.constant 3.000000e+00 : f32
      %div3A_691 = vector.broadcast %div3A_690 : f32 to vector<16xf32>
      %div3A_692 = arith.divf %get3A_648, %div3A_691 : vector<16xf32>
      %div3A_693 = arith.divf %div3A_692, %get3A_669 : vector<16xf32>
      %mul3A_694 = arith.mulf %div3A_693, %get3A_676 : vector<16xf32>
      %swap3A_695 = arith.constant 1 : i32
      %swap3A_696 = arith.index_cast %swap3A_695 : i32 to index
      %swap3A_697 = arith.index_cast %add3A_680 : i32 to index
      %swap3A_698 = tpu.vector_load %arg8[%swap3A_696, %swap3A_697] {strides = array<i32>} : memref<2x512xf32, #tpu.memory_space<vmem>>, vector<1x16xf32>,
      %swap3A_699 = vector.shape_cast %swap3A_698 : vector<1x16xf32> to vector<16xf32>
      %swap3A_700 = vector.shape_cast %mul3A_694 : vector<16xf32> to vector<1x16xf32>
      tpu.vector_store %arg8[%swap3A_696, %swap3A_697], %swap3A_700 {strides = array<i32>} : memref<2x512xf32, #tpu.memory_space<vmem>>, vector<1x16xf32>,
      %scan3A_701 = arith.constant 0 : i32
      scf.yield %scan3A_701 : i32
    }
    %scan3A_473 = arith.constant 8 : i32
    %dma_wait3A_474 = arith.constant 0 : i32
    %dma_wait3A_475 = arith.constant 2 : i32
    %dma_wait3A_476 = arith.constant 0 : i32
    %dma_wait3A_477 = arith.constant 2 : i32
    %dma_wait3A_478 = arith.constant 0 : i32
    %dma_wait3A_479 = tpu.memref_slice %arg7[%dma_wait3A_476, %dma_wait3A_477, %dma_wait3A_478] : memref<6x4x128xf32, #tpu.memory_space<vmem>> -> memref<1x1x128xf32, #tpu.memory_space<vmem>>
    %dma_wait3A_480 = tpu.memref_squeeze %dma_wait3A_479 : memref<1x1x128xf32, #tpu.memory_space<vmem>> -> memref<128xf32, #tpu.memory_space<vmem>>
    %dma_wait3A_481 = arith.constant 0 : i32
    %dma_wait3A_482 = tpu.memref_slice %arg6[%dma_wait3A_474, %dma_wait3A_475, %dma_wait3A_481] : memref<6x4x128xi32, #tpu.memory_space<vmem>> -> memref<1x1x128xi32, #tpu.memory_space<vmem>>
    %dma_wait3A_483 = tpu.memref_squeeze %dma_wait3A_482 : memref<1x1x128xi32, #tpu.memory_space<vmem>> -> memref<128xi32, #tpu.memory_space<vmem>>
    %dma_wait3A_484 = arith.constant 0 : i32
    %dma_wait3A_485 = tpu.memref_slice %arg3[%dma_wait3A_484] : memref<2097152xf32, #tpu.memory_space<hbm>> -> memref<2097152xf32, #tpu.memory_space<hbm>>
    tpu.wait_indirect_dma semaphore(%arg11 : memref<!tpu.dma_semaphore, #tpu.memory_space<semaphore_mem>>) src(%dma_wait3A_485 : memref<2097152xf32, #tpu.memory_space<hbm>>) dst(%dma_wait3A_480 : memref<128xf32, #tpu.memory_space<vmem>>)
    %dma_wait3A_486 = arith.constant 1 : i32
    %dma_wait3A_487 = arith.constant 2 : i32
    %dma_wait3A_488 = arith.constant 1 : i32
    %dma_wait3A_489 = arith.constant 2 : i32
    %dma_wait3A_490 = arith.constant 0 : i32
    %dma_wait3A_491 = tpu.memref_slice %arg7[%dma_wait3A_488, %dma_wait3A_489, %dma_wait3A_490] : memref<6x4x128xf32, #tpu.memory_space<vmem>> -> memref<1x1x128xf32, #tpu.memory_space<vmem>>
    %dma_wait3A_492 = tpu.memref_squeeze %dma_wait3A_491 : memref<1x1x128xf32, #tpu.memory_space<vmem>> -> memref<128xf32, #tpu.memory_space<vmem>>
    %dma_wait3A_493 = arith.constant 0 : i32
    %dma_wait3A_494 = tpu.memref_slice %arg6[%dma_wait3A_486, %dma_wait3A_487, %dma_wait3A_493] : memref<6x4x128xi32, #tpu.memory_space<vmem>> -> memref<1x1x128xi32, #tpu.memory_space<vmem>>
    %dma_wait3A_495 = tpu.memref_squeeze %dma_wait3A_494 : memref<1x1x128xi32, #tpu.memory_space<vmem>> -> memref<128xi32, #tpu.memory_space<vmem>>
    %dma_wait3A_496 = arith.constant 0 : i32
    %dma_wait3A_497 = tpu.memref_slice %arg3[%dma_wait3A_496] : memref<2097152xf32, #tpu.memory_space<hbm>> -> memref<2097152xf32, #tpu.memory_space<hbm>>
    tpu.wait_indirect_dma semaphore(%arg11 : memref<!tpu.dma_semaphore, #tpu.memory_space<semaphore_mem>>) src(%dma_wait3A_497 : memref<2097152xf32, #tpu.memory_space<hbm>>) dst(%dma_wait3A_492 : memref<128xf32, #tpu.memory_space<vmem>>)
    %dma_wait3A_498 = arith.constant 2 : i32
    %dma_wait3A_499 = arith.constant 2 : i32
    %dma_wait3A_500 = arith.constant 2 : i32
    %dma_wait3A_501 = arith.constant 2 : i32
    %dma_wait3A_502 = arith.constant 0 : i32
    %dma_wait3A_503 = tpu.memref_slice %arg7[%dma_wait3A_500, %dma_wait3A_501, %dma_wait3A_502] : memref<6x4x128xf32, #tpu.memory_space<vmem>> -> memref<1x1x128xf32, #tpu.memory_space<vmem>>
    %dma_wait3A_504 = tpu.memref_squeeze %dma_wait3A_503 : memref<1x1x128xf32, #tpu.memory_space<vmem>> -> memref<128xf32, #tpu.memory_space<vmem>>
    %dma_wait3A_505 = arith.constant 0 : i32
    %dma_wait3A_506 = tpu.memref_slice %arg6[%dma_wait3A_498, %dma_wait3A_499, %dma_wait3A_505] : memref<6x4x128xi32, #tpu.memory_space<vmem>> -> memref<1x1x128xi32, #tpu.memory_space<vmem>>
    %dma_wait3A_507 = tpu.memref_squeeze %dma_wait3A_506 : memref<1x1x128xi32, #tpu.memory_space<vmem>> -> memref<128xi32, #tpu.memory_space<vmem>>
    %dma_wait3A_508 = arith.constant 0 : i32
    %dma_wait3A_509 = tpu.memref_slice %arg3[%dma_wait3A_508] : memref<2097152xf32, #tpu.memory_space<hbm>> -> memref<2097152xf32, #tpu.memory_space<hbm>>
    tpu.wait_indirect_dma semaphore(%arg11 : memref<!tpu.dma_semaphore, #tpu.memory_space<semaphore_mem>>) src(%dma_wait3A_509 : memref<2097152xf32, #tpu.memory_space<hbm>>) dst(%dma_wait3A_504 : memref<128xf32, #tpu.memory_space<vmem>>)
    %dma_wait3A_510 = arith.constant 3 : i32
    %dma_wait3A_511 = arith.constant 2 : i32
    %dma_wait3A_512 = arith.constant 3 : i32
    %dma_wait3A_513 = arith.constant 2 : i32
    %dma_wait3A_514 = arith.constant 0 : i32
    %dma_wait3A_515 = tpu.memref_slice %arg7[%dma_wait3A_512, %dma_wait3A_513, %dma_wait3A_514] : memref<6x4x128xf32, #tpu.memory_space<vmem>> -> memref<1x1x128xf32, #tpu.memory_space<vmem>>
    %dma_wait3A_516 = tpu.memref_squeeze %dma_wait3A_515 : memref<1x1x128xf32, #tpu.memory_space<vmem>> -> memref<128xf32, #tpu.memory_space<vmem>>
    %dma_wait3A_517 = arith.constant 0 : i32
    %dma_wait3A_518 = tpu.memref_slice %arg6[%dma_wait3A_510, %dma_wait3A_511, %dma_wait3A_517] : memref<6x4x128xi32, #tpu.memory_space<vmem>> -> memref<1x1x128xi32, #tpu.memory_space<vmem>>
    %dma_wait3A_519 = tpu.memref_squeeze %dma_wait3A_518 : memref<1x1x128xi32, #tpu.memory_space<vmem>> -> memref<128xi32, #tpu.memory_space<vmem>>
    %dma_wait3A_520 = arith.constant 0 : i32
    %dma_wait3A_521 = tpu.memref_slice %arg3[%dma_wait3A_520] : memref<2097152xf32, #tpu.memory_space<hbm>> -> memref<2097152xf32, #tpu.memory_space<hbm>>
    tpu.wait_indirect_dma semaphore(%arg11 : memref<!tpu.dma_semaphore, #tpu.memory_space<semaphore_mem>>) src(%dma_wait3A_521 : memref<2097152xf32, #tpu.memory_space<hbm>>) dst(%dma_wait3A_516 : memref<128xf32, #tpu.memory_space<vmem>>)
    %dma_wait3A_522 = arith.constant 4 : i32
    %dma_wait3A_523 = arith.constant 2 : i32
    %dma_wait3A_524 = arith.constant 4 : i32
    %dma_wait3A_525 = arith.constant 2 : i32
    %dma_wait3A_526 = arith.constant 0 : i32
    %dma_wait3A_527 = tpu.memref_slice %arg7[%dma_wait3A_524, %dma_wait3A_525, %dma_wait3A_526] : memref<6x4x128xf32, #tpu.memory_space<vmem>> -> memref<1x1x128xf32, #tpu.memory_space<vmem>>
    %dma_wait3A_528 = tpu.memref_squeeze %dma_wait3A_527 : memref<1x1x128xf32, #tpu.memory_space<vmem>> -> memref<128xf32, #tpu.memory_space<vmem>>
    %dma_wait3A_529 = arith.constant 0 : i32
    %dma_wait3A_530 = tpu.memref_slice %arg6[%dma_wait3A_522, %dma_wait3A_523, %dma_wait3A_529] : memref<6x4x128xi32, #tpu.memory_space<vmem>> -> memref<1x1x128xi32, #tpu.memory_space<vmem>>
    %dma_wait3A_531 = tpu.memref_squeeze %dma_wait3A_530 : memref<1x1x128xi32, #tpu.memory_space<vmem>> -> memref<128xi32, #tpu.memory_space<vmem>>
    %dma_wait3A_532 = arith.constant 0 : i32
    %dma_wait3A_533 = tpu.memref_slice %arg3[%dma_wait3A_532] : memref<2097152xf32, #tpu.memory_space<hbm>> -> memref<2097152xf32, #tpu.memory_space<hbm>>
    tpu.wait_indirect_dma semaphore(%arg11 : memref<!tpu.dma_semaphore, #tpu.memory_space<semaphore_mem>>) src(%dma_wait3A_533 : memref<2097152xf32, #tpu.memory_space<hbm>>) dst(%dma_wait3A_528 : memref<128xf32, #tpu.memory_space<vmem>>)
    %dma_wait3A_534 = arith.constant 5 : i32
    %dma_wait3A_535 = arith.constant 2 : i32
    %dma_wait3A_536 = arith.constant 5 : i32
    %dma_wait3A_537 = arith.constant 2 : i32
    %dma_wait3A_538 = arith.constant 0 : i32
    %dma_wait3A_539 = tpu.memref_slice %arg7[%dma_wait3A_536, %dma_wait3A_537, %dma_wait3A_538] : memref<6x4x128xf32, #tpu.memory_space<vmem>> -> memref<1x1x128xf32, #tpu.memory_space<vmem>>
    %dma_wait3A_540 = tpu.memref_squeeze %dma_wait3A_539 : memref<1x1x128xf32, #tpu.memory_space<vmem>> -> memref<128xf32, #tpu.memory_space<vmem>>
    %dma_wait3A_541 = arith.constant 0 : i32
    %dma_wait3A_542 = tpu.memref_slice %arg6[%dma_wait3A_534, %dma_wait3A_535, %dma_wait3A_541] : memref<6x4x128xi32, #tpu.memory_space<vmem>> -> memref<1x1x128xi32, #tpu.memory_space<vmem>>
    %dma_wait3A_543 = tpu.memref_squeeze %dma_wait3A_542 : memref<1x1x128xi32, #tpu.memory_space<vmem>> -> memref<128xi32, #tpu.memory_space<vmem>>
    %dma_wait3A_544 = arith.constant 0 : i32
    %dma_wait3A_545 = tpu.memref_slice %arg3[%dma_wait3A_544] : memref<2097152xf32, #tpu.memory_space<hbm>> -> memref<2097152xf32, #tpu.memory_space<hbm>>
    tpu.wait_indirect_dma semaphore(%arg11 : memref<!tpu.dma_semaphore, #tpu.memory_space<semaphore_mem>>) src(%dma_wait3A_545 : memref<2097152xf32, #tpu.memory_space<hbm>>) dst(%dma_wait3A_540 : memref<128xf32, #tpu.memory_space<vmem>>)
    %scan3A_546 = arith.constant 0 : i32
    %scan3A_547 = arith.constant 0 : i32
    %scan3A_548 = arith.constant 8 : i32
    %scan3A_549 = arith.addi %scan3A_547, %scan3A_548 : i32
    %scan3A_550 = arith.constant 1 : i32
    %scan3A_551 = scf.for %scan3A_632 = %scan3A_547 to %scan3A_549 step %scan3A_550 iter_args(%scan3A_633 = %scan3A_546) -> (i32)  : i32 {
      %mul3A_634 = arith.constant 16 : i32
      %mul3A_635 = arith.muli %scan3A_632, %mul3A_634 : i32
      %get3A = arith.constant 0 : i32
      %get3A_636 = arith.constant 2 : i32
      %get3A_637 = arith.index_cast %get3A : i32 to index
      %get3A_638 = arith.index_cast %get3A_636 : i32 to index
      %get3A_639 = arith.index_cast %mul3A_635 : i32 to index
      %get3A_640 = tpu.vector_load %arg7[%get3A_637, %get3A_638, %get3A_639] {strides = array<i32>} : memref<6x4x128xf32, #tpu.memory_space<vmem>>, vector<1x1x16xf32>,
      %get3A_641 = vector.shape_cast %get3A_640 : vector<1x1x16xf32> to vector<16xf32>
      %get3A_642 = arith.constant 1 : i32
      %get3A_643 = arith.constant 2 : i32
      %get3A_644 = arith.index_cast %get3A_642 : i32 to index
      %get3A_645 = arith.index_cast %get3A_643 : i32 to index
      %get3A_646 = arith.index_cast %mul3A_635 : i32 to index
      %get3A_647 = tpu.vector_load %arg7[%get3A_644, %get3A_645, %get3A_646] {strides = array<i32>} : memref<6x4x128xf32, #tpu.memory_space<vmem>>, vector<1x1x16xf32>,
      %get3A_648 = vector.shape_cast %get3A_647 : vector<1x1x16xf32> to vector<16xf32>
      %get3A_649 = arith.constant 2 : i32
      %get3A_650 = arith.constant 2 : i32
      %get3A_651 = arith.index_cast %get3A_649 : i32 to index
      %get3A_652 = arith.index_cast %get3A_650 : i32 to index
      %get3A_653 = arith.index_cast %mul3A_635 : i32 to index
      %get3A_654 = tpu.vector_load %arg7[%get3A_651, %get3A_652, %get3A_653] {strides = array<i32>} : memref<6x4x128xf32, #tpu.memory_space<vmem>>, vector<1x1x16xf32>,
      %get3A_655 = vector.shape_cast %get3A_654 : vector<1x1x16xf32> to vector<16xf32>
      %get3A_656 = arith.constant 3 : i32
      %get3A_657 = arith.constant 2 : i32
      %get3A_658 = arith.index_cast %get3A_656 : i32 to index
      %get3A_659 = arith.index_cast %get3A_657 : i32 to index
      %get3A_660 = arith.index_cast %mul3A_635 : i32 to index
      %get3A_661 = tpu.vector_load %arg7[%get3A_658, %get3A_659, %get3A_660] {strides = array<i32>} : memref<6x4x128xf32, #tpu.memory_space<vmem>>, vector<1x1x16xf32>,
      %get3A_662 = vector.shape_cast %get3A_661 : vector<1x1x16xf32> to vector<16xf32>
      %get3A_663 = arith.constant 4 : i32
      %get3A_664 = arith.constant 2 : i32
      %get3A_665 = arith.index_cast %get3A_663 : i32 to index
      %get3A_666 = arith.index_cast %get3A_664 : i32 to index
      %get3A_667 = arith.index_cast %mul3A_635 : i32 to index
      %get3A_668 = tpu.vector_load %arg7[%get3A_665, %get3A_666, %get3A_667] {strides = array<i32>} : memref<6x4x128xf32, #tpu.memory_space<vmem>>, vector<1x1x16xf32>,
      %get3A_669 = vector.shape_cast %get3A_668 : vector<1x1x16xf32> to vector<16xf32>
      %get3A_670 = arith.constant 5 : i32
      %get3A_671 = arith.constant 2 : i32
      %get3A_672 = arith.index_cast %get3A_670 : i32 to index
      %get3A_673 = arith.index_cast %get3A_671 : i32 to index
      %get3A_674 = arith.index_cast %mul3A_635 : i32 to index
      %get3A_675 = tpu.vector_load %arg7[%get3A_672, %get3A_673, %get3A_674] {strides = array<i32>} : memref<6x4x128xf32, #tpu.memory_space<vmem>>, vector<1x1x16xf32>,
      %get3A_676 = vector.shape_cast %get3A_675 : vector<1x1x16xf32> to vector<16xf32>
      %mul3A_677 = arith.constant 16 : i32
      %mul3A_678 = arith.muli %scan3A_632, %mul3A_677 : i32
      %add3A_679 = arith.constant 256 : i32
      %add3A_680 = arith.addi %add3A_679, %mul3A_678 : i32
      %mul3A_681 = arith.constant 2.000000e+00 : f32
      %mul3A_682 = vector.broadcast %mul3A_681 : f32 to vector<16xf32>
      %mul3A_683 = arith.mulf %get3A_641, %mul3A_682 : vector<16xf32>
      %mul3A_684 = arith.mulf %mul3A_683, %get3A_655 : vector<16xf32>
      %div3A = arith.divf %mul3A_684, %get3A_662 : vector<16xf32>
      %swap3A = arith.constant 0 : i32
      %swap3A_685 = arith.index_cast %swap3A : i32 to index
      %swap3A_686 = arith.index_cast %add3A_680 : i32 to index
      %swap3A_687 = tpu.vector_load %arg8[%swap3A_685, %swap3A_686] {strides = array<i32>} : memref<2x512xf32, #tpu.memory_space<vmem>>, vector<1x16xf32>,
      %swap3A_688 = vector.shape_cast %swap3A_687 : vector<1x16xf32> to vector<16xf32>
      %swap3A_689 = vector.shape_cast %div3A : vector<16xf32> to vector<1x16xf32>
      tpu.vector_store %arg8[%swap3A_685, %swap3A_686], %swap3A_689 {strides = array<i32>} : memref<2x512xf32, #tpu.memory_space<vmem>>, vector<1x16xf32>,
      %div3A_690 = arith.constant 3.000000e+00 : f32
      %div3A_691 = vector.broadcast %div3A_690 : f32 to vector<16xf32>
      %div3A_692 = arith.divf %get3A_648, %div3A_691 : vector<16xf32>
      %div3A_693 = arith.divf %div3A_692, %get3A_669 : vector<16xf32>
      %mul3A_694 = arith.mulf %div3A_693, %get3A_676 : vector<16xf32>
      %swap3A_695 = arith.constant 1 : i32
      %swap3A_696 = arith.index_cast %swap3A_695 : i32 to index
      %swap3A_697 = arith.index_cast %add3A_680 : i32 to index
      %swap3A_698 = tpu.vector_load %arg8[%swap3A_696, %swap3A_697] {strides = array<i32>} : memref<2x512xf32, #tpu.memory_space<vmem>>, vector<1x16xf32>,
      %swap3A_699 = vector.shape_cast %swap3A_698 : vector<1x16xf32> to vector<16xf32>
      %swap3A_700 = vector.shape_cast %mul3A_694 : vector<16xf32> to vector<1x16xf32>
      tpu.vector_store %arg8[%swap3A_696, %swap3A_697], %swap3A_700 {strides = array<i32>} : memref<2x512xf32, #tpu.memory_space<vmem>>, vector<1x16xf32>,
      %scan3A_701 = arith.constant 0 : i32
      scf.yield %scan3A_701 : i32
    }
    %scan3A_552 = arith.constant 8 : i32
    %dma_wait3A_553 = arith.constant 0 : i32
    %dma_wait3A_554 = arith.constant 3 : i32
    %dma_wait3A_555 = arith.constant 0 : i32
    %dma_wait3A_556 = arith.constant 3 : i32
    %dma_wait3A_557 = arith.constant 0 : i32
    %dma_wait3A_558 = tpu.memref_slice %arg7[%dma_wait3A_555, %dma_wait3A_556, %dma_wait3A_557] : memref<6x4x128xf32, #tpu.memory_space<vmem>> -> memref<1x1x128xf32, #tpu.memory_space<vmem>>
    %dma_wait3A_559 = tpu.memref_squeeze %dma_wait3A_558 : memref<1x1x128xf32, #tpu.memory_space<vmem>> -> memref<128xf32, #tpu.memory_space<vmem>>
    %dma_wait3A_560 = arith.constant 0 : i32
    %dma_wait3A_561 = tpu.memref_slice %arg6[%dma_wait3A_553, %dma_wait3A_554, %dma_wait3A_560] : memref<6x4x128xi32, #tpu.memory_space<vmem>> -> memref<1x1x128xi32, #tpu.memory_space<vmem>>
    %dma_wait3A_562 = tpu.memref_squeeze %dma_wait3A_561 : memref<1x1x128xi32, #tpu.memory_space<vmem>> -> memref<128xi32, #tpu.memory_space<vmem>>
    %dma_wait3A_563 = arith.constant 0 : i32
    %dma_wait3A_564 = tpu.memref_slice %arg3[%dma_wait3A_563] : memref<2097152xf32, #tpu.memory_space<hbm>> -> memref<2097152xf32, #tpu.memory_space<hbm>>
    tpu.wait_indirect_dma semaphore(%arg12 : memref<!tpu.dma_semaphore, #tpu.memory_space<semaphore_mem>>) src(%dma_wait3A_564 : memref<2097152xf32, #tpu.memory_space<hbm>>) dst(%dma_wait3A_559 : memref<128xf32, #tpu.memory_space<vmem>>)
    %dma_wait3A_565 = arith.constant 1 : i32
    %dma_wait3A_566 = arith.constant 3 : i32
    %dma_wait3A_567 = arith.constant 1 : i32
    %dma_wait3A_568 = arith.constant 3 : i32
    %dma_wait3A_569 = arith.constant 0 : i32
    %dma_wait3A_570 = tpu.memref_slice %arg7[%dma_wait3A_567, %dma_wait3A_568, %dma_wait3A_569] : memref<6x4x128xf32, #tpu.memory_space<vmem>> -> memref<1x1x128xf32, #tpu.memory_space<vmem>>
    %dma_wait3A_571 = tpu.memref_squeeze %dma_wait3A_570 : memref<1x1x128xf32, #tpu.memory_space<vmem>> -> memref<128xf32, #tpu.memory_space<vmem>>
    %dma_wait3A_572 = arith.constant 0 : i32
    %dma_wait3A_573 = tpu.memref_slice %arg6[%dma_wait3A_565, %dma_wait3A_566, %dma_wait3A_572] : memref<6x4x128xi32, #tpu.memory_space<vmem>> -> memref<1x1x128xi32, #tpu.memory_space<vmem>>
    %dma_wait3A_574 = tpu.memref_squeeze %dma_wait3A_573 : memref<1x1x128xi32, #tpu.memory_space<vmem>> -> memref<128xi32, #tpu.memory_space<vmem>>
    %dma_wait3A_575 = arith.constant 0 : i32
    %dma_wait3A_576 = tpu.memref_slice %arg3[%dma_wait3A_575] : memref<2097152xf32, #tpu.memory_space<hbm>> -> memref<2097152xf32, #tpu.memory_space<hbm>>
    tpu.wait_indirect_dma semaphore(%arg12 : memref<!tpu.dma_semaphore, #tpu.memory_space<semaphore_mem>>) src(%dma_wait3A_576 : memref<2097152xf32, #tpu.memory_space<hbm>>) dst(%dma_wait3A_571 : memref<128xf32, #tpu.memory_space<vmem>>)
    %dma_wait3A_577 = arith.constant 2 : i32
    %dma_wait3A_578 = arith.constant 3 : i32
    %dma_wait3A_579 = arith.constant 2 : i32
    %dma_wait3A_580 = arith.constant 3 : i32
    %dma_wait3A_581 = arith.constant 0 : i32
    %dma_wait3A_582 = tpu.memref_slice %arg7[%dma_wait3A_579, %dma_wait3A_580, %dma_wait3A_581] : memref<6x4x128xf32, #tpu.memory_space<vmem>> -> memref<1x1x128xf32, #tpu.memory_space<vmem>>
    %dma_wait3A_583 = tpu.memref_squeeze %dma_wait3A_582 : memref<1x1x128xf32, #tpu.memory_space<vmem>> -> memref<128xf32, #tpu.memory_space<vmem>>
    %dma_wait3A_584 = arith.constant 0 : i32
    %dma_wait3A_585 = tpu.memref_slice %arg6[%dma_wait3A_577, %dma_wait3A_578, %dma_wait3A_584] : memref<6x4x128xi32, #tpu.memory_space<vmem>> -> memref<1x1x128xi32, #tpu.memory_space<vmem>>
    %dma_wait3A_586 = tpu.memref_squeeze %dma_wait3A_585 : memref<1x1x128xi32, #tpu.memory_space<vmem>> -> memref<128xi32, #tpu.memory_space<vmem>>
    %dma_wait3A_587 = arith.constant 0 : i32
    %dma_wait3A_588 = tpu.memref_slice %arg3[%dma_wait3A_587] : memref<2097152xf32, #tpu.memory_space<hbm>> -> memref<2097152xf32, #tpu.memory_space<hbm>>
    tpu.wait_indirect_dma semaphore(%arg12 : memref<!tpu.dma_semaphore, #tpu.memory_space<semaphore_mem>>) src(%dma_wait3A_588 : memref<2097152xf32, #tpu.memory_space<hbm>>) dst(%dma_wait3A_583 : memref<128xf32, #tpu.memory_space<vmem>>)
    %dma_wait3A_589 = arith.constant 3 : i32
    %dma_wait3A_590 = arith.constant 3 : i32
    %dma_wait3A_591 = arith.constant 3 : i32
    %dma_wait3A_592 = arith.constant 3 : i32
    %dma_wait3A_593 = arith.constant 0 : i32
    %dma_wait3A_594 = tpu.memref_slice %arg7[%dma_wait3A_591, %dma_wait3A_592, %dma_wait3A_593] : memref<6x4x128xf32, #tpu.memory_space<vmem>> -> memref<1x1x128xf32, #tpu.memory_space<vmem>>
    %dma_wait3A_595 = tpu.memref_squeeze %dma_wait3A_594 : memref<1x1x128xf32, #tpu.memory_space<vmem>> -> memref<128xf32, #tpu.memory_space<vmem>>
    %dma_wait3A_596 = arith.constant 0 : i32
    %dma_wait3A_597 = tpu.memref_slice %arg6[%dma_wait3A_589, %dma_wait3A_590, %dma_wait3A_596] : memref<6x4x128xi32, #tpu.memory_space<vmem>> -> memref<1x1x128xi32, #tpu.memory_space<vmem>>
    %dma_wait3A_598 = tpu.memref_squeeze %dma_wait3A_597 : memref<1x1x128xi32, #tpu.memory_space<vmem>> -> memref<128xi32, #tpu.memory_space<vmem>>
    %dma_wait3A_599 = arith.constant 0 : i32
    %dma_wait3A_600 = tpu.memref_slice %arg3[%dma_wait3A_599] : memref<2097152xf32, #tpu.memory_space<hbm>> -> memref<2097152xf32, #tpu.memory_space<hbm>>
    tpu.wait_indirect_dma semaphore(%arg12 : memref<!tpu.dma_semaphore, #tpu.memory_space<semaphore_mem>>) src(%dma_wait3A_600 : memref<2097152xf32, #tpu.memory_space<hbm>>) dst(%dma_wait3A_595 : memref<128xf32, #tpu.memory_space<vmem>>)
    %dma_wait3A_601 = arith.constant 4 : i32
    %dma_wait3A_602 = arith.constant 3 : i32
    %dma_wait3A_603 = arith.constant 4 : i32
    %dma_wait3A_604 = arith.constant 3 : i32
    %dma_wait3A_605 = arith.constant 0 : i32
    %dma_wait3A_606 = tpu.memref_slice %arg7[%dma_wait3A_603, %dma_wait3A_604, %dma_wait3A_605] : memref<6x4x128xf32, #tpu.memory_space<vmem>> -> memref<1x1x128xf32, #tpu.memory_space<vmem>>
    %dma_wait3A_607 = tpu.memref_squeeze %dma_wait3A_606 : memref<1x1x128xf32, #tpu.memory_space<vmem>> -> memref<128xf32, #tpu.memory_space<vmem>>
    %dma_wait3A_608 = arith.constant 0 : i32
    %dma_wait3A_609 = tpu.memref_slice %arg6[%dma_wait3A_601, %dma_wait3A_602, %dma_wait3A_608] : memref<6x4x128xi32, #tpu.memory_space<vmem>> -> memref<1x1x128xi32, #tpu.memory_space<vmem>>
    %dma_wait3A_610 = tpu.memref_squeeze %dma_wait3A_609 : memref<1x1x128xi32, #tpu.memory_space<vmem>> -> memref<128xi32, #tpu.memory_space<vmem>>
    %dma_wait3A_611 = arith.constant 0 : i32
    %dma_wait3A_612 = tpu.memref_slice %arg3[%dma_wait3A_611] : memref<2097152xf32, #tpu.memory_space<hbm>> -> memref<2097152xf32, #tpu.memory_space<hbm>>
    tpu.wait_indirect_dma semaphore(%arg12 : memref<!tpu.dma_semaphore, #tpu.memory_space<semaphore_mem>>) src(%dma_wait3A_612 : memref<2097152xf32, #tpu.memory_space<hbm>>) dst(%dma_wait3A_607 : memref<128xf32, #tpu.memory_space<vmem>>)
    %dma_wait3A_613 = arith.constant 5 : i32
    %dma_wait3A_614 = arith.constant 3 : i32
    %dma_wait3A_615 = arith.constant 5 : i32
    %dma_wait3A_616 = arith.constant 3 : i32
    %dma_wait3A_617 = arith.constant 0 : i32
    %dma_wait3A_618 = tpu.memref_slice %arg7[%dma_wait3A_615, %dma_wait3A_616, %dma_wait3A_617] : memref<6x4x128xf32, #tpu.memory_space<vmem>> -> memref<1x1x128xf32, #tpu.memory_space<vmem>>
    %dma_wait3A_619 = tpu.memref_squeeze %dma_wait3A_618 : memref<1x1x128xf32, #tpu.memory_space<vmem>> -> memref<128xf32, #tpu.memory_space<vmem>>
    %dma_wait3A_620 = arith.constant 0 : i32
    %dma_wait3A_621 = tpu.memref_slice %arg6[%dma_wait3A_613, %dma_wait3A_614, %dma_wait3A_620] : memref<6x4x128xi32, #tpu.memory_space<vmem>> -> memref<1x1x128xi32, #tpu.memory_space<vmem>>
    %dma_wait3A_622 = tpu.memref_squeeze %dma_wait3A_621 : memref<1x1x128xi32, #tpu.memory_space<vmem>> -> memref<128xi32, #tpu.memory_space<vmem>>
    %dma_wait3A_623 = arith.constant 0 : i32
    %dma_wait3A_624 = tpu.memref_slice %arg3[%dma_wait3A_623] : memref<2097152xf32, #tpu.memory_space<hbm>> -> memref<2097152xf32, #tpu.memory_space<hbm>>
    tpu.wait_indirect_dma semaphore(%arg12 : memref<!tpu.dma_semaphore, #tpu.memory_space<semaphore_mem>>) src(%dma_wait3A_624 : memref<2097152xf32, #tpu.memory_space<hbm>>) dst(%dma_wait3A_619 : memref<128xf32, #tpu.memory_space<vmem>>)
    %scan3A_625 = arith.constant 0 : i32
    %scan3A_626 = arith.constant 0 : i32
    %scan3A_627 = arith.constant 8 : i32
    %scan3A_628 = arith.addi %scan3A_626, %scan3A_627 : i32
    %scan3A_629 = arith.constant 1 : i32
    %scan3A_630 = scf.for %scan3A_632 = %scan3A_626 to %scan3A_628 step %scan3A_629 iter_args(%scan3A_633 = %scan3A_625) -> (i32)  : i32 {
      %mul3A_634 = arith.constant 16 : i32
      %mul3A_635 = arith.muli %scan3A_632, %mul3A_634 : i32
      %get3A = arith.constant 0 : i32
      %get3A_636 = arith.constant 3 : i32
      %get3A_637 = arith.index_cast %get3A : i32 to index
      %get3A_638 = arith.index_cast %get3A_636 : i32 to index
      %get3A_639 = arith.index_cast %mul3A_635 : i32 to index
      %get3A_640 = tpu.vector_load %arg7[%get3A_637, %get3A_638, %get3A_639] {strides = array<i32>} : memref<6x4x128xf32, #tpu.memory_space<vmem>>, vector<1x1x16xf32>,
      %get3A_641 = vector.shape_cast %get3A_640 : vector<1x1x16xf32> to vector<16xf32>
      %get3A_642 = arith.constant 1 : i32
      %get3A_643 = arith.constant 3 : i32
      %get3A_644 = arith.index_cast %get3A_642 : i32 to index
      %get3A_645 = arith.index_cast %get3A_643 : i32 to index
      %get3A_646 = arith.index_cast %mul3A_635 : i32 to index
      %get3A_647 = tpu.vector_load %arg7[%get3A_644, %get3A_645, %get3A_646] {strides = array<i32>} : memref<6x4x128xf32, #tpu.memory_space<vmem>>, vector<1x1x16xf32>,
      %get3A_648 = vector.shape_cast %get3A_647 : vector<1x1x16xf32> to vector<16xf32>
      %get3A_649 = arith.constant 2 : i32
      %get3A_650 = arith.constant 3 : i32
      %get3A_651 = arith.index_cast %get3A_649 : i32 to index
      %get3A_652 = arith.index_cast %get3A_650 : i32 to index
      %get3A_653 = arith.index_cast %mul3A_635 : i32 to index
      %get3A_654 = tpu.vector_load %arg7[%get3A_651, %get3A_652, %get3A_653] {strides = array<i32>} : memref<6x4x128xf32, #tpu.memory_space<vmem>>, vector<1x1x16xf32>,
      %get3A_655 = vector.shape_cast %get3A_654 : vector<1x1x16xf32> to vector<16xf32>
      %get3A_656 = arith.constant 3 : i32
      %get3A_657 = arith.constant 3 : i32
      %get3A_658 = arith.index_cast %get3A_656 : i32 to index
      %get3A_659 = arith.index_cast %get3A_657 : i32 to index
      %get3A_660 = arith.index_cast %mul3A_635 : i32 to index
      %get3A_661 = tpu.vector_load %arg7[%get3A_658, %get3A_659, %get3A_660] {strides = array<i32>} : memref<6x4x128xf32, #tpu.memory_space<vmem>>, vector<1x1x16xf32>,
      %get3A_662 = vector.shape_cast %get3A_661 : vector<1x1x16xf32> to vector<16xf32>
      %get3A_663 = arith.constant 4 : i32
      %get3A_664 = arith.constant 3 : i32
      %get3A_665 = arith.index_cast %get3A_663 : i32 to index
      %get3A_666 = arith.index_cast %get3A_664 : i32 to index
      %get3A_667 = arith.index_cast %mul3A_635 : i32 to index
      %get3A_668 = tpu.vector_load %arg7[%get3A_665, %get3A_666, %get3A_667] {strides = array<i32>} : memref<6x4x128xf32, #tpu.memory_space<vmem>>, vector<1x1x16xf32>,
      %get3A_669 = vector.shape_cast %get3A_668 : vector<1x1x16xf32> to vector<16xf32>
      %get3A_670 = arith.constant 5 : i32
      %get3A_671 = arith.constant 3 : i32
      %get3A_672 = arith.index_cast %get3A_670 : i32 to index
      %get3A_673 = arith.index_cast %get3A_671 : i32 to index
      %get3A_674 = arith.index_cast %mul3A_635 : i32 to index
      %get3A_675 = tpu.vector_load %arg7[%get3A_672, %get3A_673, %get3A_674] {strides = array<i32>} : memref<6x4x128xf32, #tpu.memory_space<vmem>>, vector<1x1x16xf32>,
      %get3A_676 = vector.shape_cast %get3A_675 : vector<1x1x16xf32> to vector<16xf32>
      %mul3A_677 = arith.constant 16 : i32
      %mul3A_678 = arith.muli %scan3A_632, %mul3A_677 : i32
      %add3A_679 = arith.constant 384 : i32
      %add3A_680 = arith.addi %add3A_679, %mul3A_678 : i32
      %mul3A_681 = arith.constant 2.000000e+00 : f32
      %mul3A_682 = vector.broadcast %mul3A_681 : f32 to vector<16xf32>
      %mul3A_683 = arith.mulf %get3A_641, %mul3A_682 : vector<16xf32>
      %mul3A_684 = arith.mulf %mul3A_683, %get3A_655 : vector<16xf32>
      %div3A = arith.divf %mul3A_684, %get3A_662 : vector<16xf32>
      %swap3A = arith.constant 0 : i32
      %swap3A_685 = arith.index_cast %swap3A : i32 to index
      %swap3A_686 = arith.index_cast %add3A_680 : i32 to index
      %swap3A_687 = tpu.vector_load %arg8[%swap3A_685, %swap3A_686] {strides = array<i32>} : memref<2x512xf32, #tpu.memory_space<vmem>>, vector<1x16xf32>,
      %swap3A_688 = vector.shape_cast %swap3A_687 : vector<1x16xf32> to vector<16xf32>
      %swap3A_689 = vector.shape_cast %div3A : vector<16xf32> to vector<1x16xf32>
      tpu.vector_store %arg8[%swap3A_685, %swap3A_686], %swap3A_689 {strides = array<i32>} : memref<2x512xf32, #tpu.memory_space<vmem>>, vector<1x16xf32>,
      %div3A_690 = arith.constant 3.000000e+00 : f32
      %div3A_691 = vector.broadcast %div3A_690 : f32 to vector<16xf32>
      %div3A_692 = arith.divf %get3A_648, %div3A_691 : vector<16xf32>
      %div3A_693 = arith.divf %div3A_692, %get3A_669 : vector<16xf32>
      %mul3A_694 = arith.mulf %div3A_693, %get3A_676 : vector<16xf32>
      %swap3A_695 = arith.constant 1 : i32
      %swap3A_696 = arith.index_cast %swap3A_695 : i32 to index
      %swap3A_697 = arith.index_cast %add3A_680 : i32 to index
      %swap3A_698 = tpu.vector_load %arg8[%swap3A_696, %swap3A_697] {strides = array<i32>} : memref<2x512xf32, #tpu.memory_space<vmem>>, vector<1x16xf32>,
      %swap3A_699 = vector.shape_cast %swap3A_698 : vector<1x16xf32> to vector<16xf32>
      %swap3A_700 = vector.shape_cast %mul3A_694 : vector<16xf32> to vector<1x16xf32>
      tpu.vector_store %arg8[%swap3A_696, %swap3A_697], %swap3A_700 {strides = array<i32>} : memref<2x512xf32, #tpu.memory_space<vmem>>, vector<1x16xf32>,
      %scan3A_701 = arith.constant 0 : i32
      scf.yield %scan3A_701 : i32
    }
    %scan3A_631 = arith.constant 8 : i32
    "tpu.region"() ({
      %run_scoped3A = tpu.sem_alloc : memref<!tpu.dma_semaphore, #tpu.memory_space<semaphore_mem>>
      %dma_start3A_632 = arith.constant 0 : i32
      %dma_start3A_633 = tpu.memref_slice %arg4[%dma_start3A_632, %mul3A_2] : memref<2x16384xf32, #tpu.memory_space<hbm>> -> memref<2x512xf32, #tpu.memory_space<hbm>>
      %dma_start3A_634 = arith.constant 0 : i32
      %dma_start3A_635 = tpu.memref_slice %arg4[%dma_start3A_634, %mul3A_2] : memref<2x16384xf32, #tpu.memory_space<hbm>> -> memref<2x512xf32, #tpu.memory_space<hbm>>
      tpu.enqueue_dma source(%arg8 : memref<2x512xf32, #tpu.memory_space<vmem>>) target(%dma_start3A_635 : memref<2x512xf32, #tpu.memory_space<hbm>>) target_semaphore(%run_scoped3A : memref<!tpu.dma_semaphore, #tpu.memory_space<semaphore_mem>>)
      %dma_wait3A_636 = arith.constant 0 : i32
      %dma_wait3A_637 = tpu.memref_slice %arg4[%dma_wait3A_636, %mul3A_2] : memref<2x16384xf32, #tpu.memory_space<hbm>> -> memref<2x512xf32, #tpu.memory_space<hbm>>
      %dma_wait3A_638 = arith.constant 0 : i32
      %dma_wait3A_639 = tpu.memref_slice %arg4[%dma_wait3A_638, %mul3A_2] : memref<2x16384xf32, #tpu.memory_space<hbm>> -> memref<2x512xf32, #tpu.memory_space<hbm>>
      tpu.wait_dma2 semaphore(%run_scoped3A : memref<!tpu.dma_semaphore, #tpu.memory_space<semaphore_mem>>) src(%arg8 : memref<2x512xf32, #tpu.memory_space<vmem>>) dst(%dma_wait3A_639 : memref<2x512xf32, #tpu.memory_space<hbm>>)
      tpu.yield
    }) : () -> ()
    return
  }
}

</mosaic_0001>

<sc_bundles>
// kernel: kernel.3.cloned.1.call-start
scs
__scs_entry_jumppad:
0x0: {  	(pc) =	sbr.rel $0x88, $3  }
0x1: {  	(tag) =	ssettag $0x0;
	lr =	simm.s32 $0x1  }
0x2: {  	[smem:$0x3F9F] =	sst lr;
	_ =	strace $0xD0000000  }
0x3: {  	_ = 	snop  }
0x4: {  	_ = 	snop  }
0x5: {  	_ = 	snop  }
0x6: {  	_ = 	snop  }
0x7: {  	_ = 	snop  }
__scs_overlays_trampoline_lowered:
0x8: {  	[smem:$0x3FAE] =	sst s0  }
0x9: {  	[smem:$0x3FAF] =	sst s1  }
0xa: {  	[smem:$0x3FB0] =	sst s2  }
0xb: {  	[smem:$0x3FB1] =	sst s3  }
0xc: {  	[smem:$0x3FB2] =	sst s4  }
0xd: {  	[smem:$0x3FB3] =	sst s5  }
0xe: {  	[smem:$0x3FB4] =	sst s6  }
0xf: {  	[smem:$0x3FB5] =	sst s7  }
0x10: {  	[smem:$0x3FB6] =	sst s8  }
0x11: {  	[smem:$0x3FB7] =	sst s9;
	s0 =	simm.s32 @!p0 $0x0  }
0x12: {  	s1 =	sld [smem:$0x3F9D];
	s0 =	simm.s32 @p0 $0x1  }
0x13: {  	[smem:$0x3FB8] =	sst s0;
	s0 =	simm.s32 @!p1 $0x0  }
0x14: {  	s2 =	sld [smem:$0x3F9C];
	s0 =	simm.s32 @p1 $0x1  }
0x15: {  	[smem:$0x3FB9] =	sst s0;
	s0 =	simm.s32 @!p2 $0x0  }
0x16: {  	s3 =	sld [smem:$0x3FDB];
	s0 =	simm.s32 @p2 $0x1  }
0x17: {  	s4 =	simm.s32 $0x1BF5;
	[smem:$0x3FBB] =	sst s0  }
0x18: {  	s0 =	sld [smem:$0x3F9E];
	_ =	swait.ge [sflag:s4], $0x0  }
0x19: {  	s7 =	sld [smem:$0x3F9F]  }
0x1a: {  	s8 =	sadd.s32 $0xFFFFE003, lr  }
0x1b: {  	s9 =	sadd.s32 $0xFFFFFEF7, lr;
	s5 =	simm.s32 $0xFFFFFFFF;
	p2 =	slt.u32 s8, $0xFFFFF086  }
0x1c: {  	p1 =	slt.u32 s9, $0xF7A;
	s5 =	simm.s32 @!p2 $0x0  }
0x1d: {  	s5 =	simm.s32 @p1 $0x1;
	p0 =	seq.s32 s7, s2  }
0x1e: {  	s7 =	smul.u32 @!p0 $0xF7A, s2;
	p2 =	seq.s32 @!p0 s5, $0x0  }
0x1f: {  	s9 =	smul.u32 $0xF7A, s1;
	s8 =	simm.s32 @!p0 $0x1BF5;
	p2 =	por !p2, p0  }
0x20: {  	[sflag:s8] =	ssyncset.s32 @!p0 $0xFFFFF086;
	s6 =	sadd.s32 @!p0 s3, s7;
	s7 =	simm.s32 @!p0 $0x108  }
0x21: {  	s3 =	sadd.s32 s3, s9;
	s6 =	sadd.s32 @!p0 $0x88, s6;
	s7 =	simm.s32 @p2 $0x1082  }
0x22: {  	[simem:s7], [sflag:s8] =	dma.local @!p0 [hbm:s6], $0xF7A  }
0x23: {  	s9 =	sor.u32 $0xD0000000, s2;
	s6 =	simm.s32 $0x108;
	_ =	swait.ge @!p0 [sflag:s8], $0x0  }
0x24: {  	s3 =	sadd.s32 $0x88, s3;
	s6 =	simm.s32 @!p1 $0x1082;
	[sflag:s4] =	ssyncset.s32 $0xFFFFF086  }
0x25: {  	[simem:s6], [sflag:s4] =	dma.local [hbm:s3], $0xF7A  }
0x26: {  	[smem:$0x3F9F] =	sst s1;
	(tag) =	ssettag s2;
	_ =	strace s9  }
0x27: {  	s1 =	sld [smem:$0x3FAF]  }
0x28: {  	s2 =	sld [smem:$0x3FB0]  }
0x29: {  	s4 =	sld [smem:$0x3FB2]  }
0x2a: {  	p0 =	seq.s32 s5, $0x0;
	s5 =	sld [smem:$0x3FB3]  }
0x2b: {  	s6 =	sld [smem:$0x3FB4]  }
0x2c: {  	s7 =	sld [smem:$0x3FB5]  }
0x2d: {  	s3 =	simm.s32 $0x108;
	s8 =	sld [smem:$0x3FB6]  }
0x2e: {  	s3 =	simm.s32 @!p0 $0x1082;
	s9 =	sld [smem:$0x3FB7]  }
0x2f: {  	lr =	sadd.s32 s0, s3;
	s0 =	sld [smem:$0x3FAE]  }
0x30: {  	s3 =	sld [smem:$0x3FB1]  }
0x31: {  	[smem:$0x3FBA] =	sst s10  }
0x32: {  	s10 =	sld [smem:$0x3FB8];
	_ =	sdelay $0x3  }
0x33: {  	p0 =	seq.s32 s10, $0x1;
	s10 =	sld [smem:$0x3FBA];
	_ =	sdelay $0x3  }
0x34: {  	[smem:$0x3FBA] =	sst s10  }
0x35: {  	s10 =	sld [smem:$0x3FB9];
	_ =	sdelay $0x3  }
0x36: {  	p1 =	seq.s32 s10, $0x1;
	s10 =	sld [smem:$0x3FBA];
	_ =	sdelay $0x3  }
0x37: {  	[smem:$0x3FBA] =	sst s10  }
0x38: {  	s10 =	sld [smem:$0x3FBB]  }
0x39: {  	_ = 	snop;
	(pc) =	sbr.ind lr, $3  }
0x3a: {  	_ = 	snop  }
0x3b: {  	_ = 	snop  }
0x3c: {  	p2 =	seq.s32 s10, $0x1;
	s10 =	sld [smem:$0x3FBA]  }
0x3d: {  	_ =	shalt  }
0x3e: {  	_ =	shalt  }
0x3f: {  	_ =	shalt  }
0x40: {  	_ =	shalt  }
0x41: {  	_ =	shalt  }
0x42: {  	_ =	shalt  }
0x43: {  	_ =	shalt  }
0x44: {  	_ =	shalt  }
0x45: {  	_ =	shalt  }
0x46: {  	_ =	shalt  }
0x47: {  	_ =	shalt  }
0x48: {  	_ =	shalt  }
0x49: {  	_ =	shalt  }
0x4a: {  	_ =	shalt  }
0x4b: {  	_ =	shalt  }
0x4c: {  	_ =	shalt  }
0x4d: {  	_ =	shalt  }
0x4e: {  	_ =	shalt  }
0x4f: {  	_ =	shalt  }
0x50: {  	_ =	shalt  }
0x51: {  	_ =	shalt  }
0x52: {  	_ =	shalt  }
0x53: {  	_ =	shalt  }
0x54: {  	_ =	shalt  }
0x55: {  	_ =	shalt  }
0x56: {  	_ =	shalt  }
0x57: {  	_ =	shalt  }
0x58: {  	_ =	shalt  }
0x59: {  	_ =	shalt  }
0x5a: {  	_ =	shalt  }
0x5b: {  	_ =	shalt  }
0x5c: {  	_ =	shalt  }
0x5d: {  	_ =	shalt  }
0x5e: {  	_ =	shalt  }
0x5f: {  	_ =	shalt  }
0x60: {  	_ =	shalt  }
0x61: {  	_ =	shalt  }
0x62: {  	_ =	shalt  }
0x63: {  	_ =	shalt  }
0x64: {  	_ =	shalt  }
0x65: {  	_ =	shalt  }
0x66: {  	_ =	shalt  }
0x67: {  	_ =	shalt  }
0x68: {  	_ =	shalt  }
0x69: {  	_ =	shalt  }
0x6a: {  	_ =	shalt  }
0x6b: {  	_ =	shalt  }
0x6c: {  	_ =	shalt  }
0x6d: {  	_ =	shalt  }
0x6e: {  	_ =	shalt  }
0x6f: {  	_ =	shalt  }
0x70: {  	_ =	shalt  }
0x71: {  	_ =	shalt  }
0x72: {  	_ =	shalt  }
0x73: {  	_ =	shalt  }
0x74: {  	_ =	shalt  }
0x75: {  	_ =	shalt  }
0x76: {  	_ =	shalt  }
0x77: {  	_ =	shalt  }
0x78: {  	_ =	shalt  }
0x79: {  	_ =	shalt  }
0x7a: {  	_ =	shalt  }
0x7b: {  	_ =	shalt  }
0x7c: {  	_ =	shalt  }
0x7d: {  	_ =	shalt  }
0x7e: {  	_ =	shalt  }
0x7f: {  	_ =	shalt  }
0x80: {  	_ =	shalt  }
0x81: {  	_ =	shalt  }
0x82: {  	_ =	shalt  }
0x83: {  	_ =	shalt  }
0x84: {  	_ =	shalt  }
0x85: {  	_ =	shalt  }
0x86: {  	_ =	shalt  }
0x87: {  	_ =	shalt  }
.Lfunc_end0:
.L_simem_size_0:
called_computation_lowered:
.L_overlay_start_0:
0x88: {  	s2 =	sld [smem:$0x3FD9]  }
0x89: {  	s3 =	sld [smem:$0x3FFE];
	_ =	sdelay $0x1  }
0x8a: {  	s1 =	srdreg.scid  }
0x8b: {  	s0 =	sand.u32 $0x1, s1  }
0x8c: {  	s17 =	sshll.u32 s0, $0xA;
	s2 =	sadd.s32 s3, s2  }
0x8d: {  	s2 =	sadd.s32 s2, s17  }
0x8e: {  	[smem:$0x3FC6] =	sst s2  }
0x8f: {  	_ = 	snop  }
0x90: {  	s2 =	sld [smem:$0x3FC9]  }
0x91: {  	s18 =	sld [smem:$0x3FD0];
	(tm) =	ssettm $0x1  }
0x92: {  	s4 =	sld [smem:$0x3FFB];
	_ =	sdelay $0x3  }
0x93: {  	_ =	strace s4  }
0x94: {  	s4 =	sld [smem:$0x3FFC];
	_ =	sdelay $0x3  }
0x95: {  	_ =	strace s4  }
0x96: {  	s4 =	sld [smem:$0x3FFD];
	_ =	sdelay $0x3  }
0x97: {  	_ =	strace s4  }
0x98: {  	_ =	strace $0x8FFFFFFF  }
0x99: {  	s19 =	sld [smem:$0x3FDB];
	_ =	sdelay $0x1  }
0x9a: {  	s5 =	simm.s32 $_scs_section_size  }
0x9b: {  	s6 =	simm.s32 $_size__tile_overlayer_lowered;
	s7 =	simm.s32 $_tile_overlayer_lowered  }
0x9c: {  	s22 =	simm.s32 $0x1BFF;
	s21 =	sshll.u32 s7, $0x1;
	s4 =	sadd.s32 s5, s19  }
0x9d: {  	s8 =	simm.s32 $0x0;
	s20 =	sshll.u32 s6, $0x1;
	s6 =	sadd.s32 s21, s4  }
0x9e: {  	[timem:s8], [sflag:s22] =	dma.local [hbm:s6], s20  }
0x9f: {  	_ =	swait.ge [sflag:s22], s20  }
0xa0: {  	s5 =	ssub.s32 $0x0, s20;
	[sflag:s22] =	ssyncset.done $0x0  }
0xa1: {  	[sflag:s22] =	ssyncadd.s32 s5;
	_ =	sdelay $0x1  }
0xa2: {  	s23 =	simm.s32 $0x1B8B  }
0xa3: {  	_ =	swait.ge [sflag:s23], $0x1  }
0xa4: {  	[sflag:s23] =	ssyncset.done $0x0  }
0xa5: {  	s25 =	simm.s32 $0x1B8E;
	s24 =	sld [smem:$0x3FFE];
	[sflag:s23] =	ssyncadd.s32 $0xFFFFFFFF  }
0xa6: {  	s26 =	simm.s32 $execute0_lowered;
	[smem:$0x3FD2] =	sst s25  }
0xa7: {  	s6 =	sshll.u32 s26, $0x1;
	_ =	strace $0x80000046;
	[dreg:$0x1] =	wrdreg $0xFFFFFFFF  }
0xa8: {  	s28 =	simm.s32 $_size_execute0_lowered;
	s4 =	sadd.s32 s4, s6;
	[dreg:$0x0] =	wrdreg $0x0  }
0xa9: {  	s6 =	sshll.u32 s28, $0x1;
	[dreg:$0x2] =	wrdreg s4  }
0xaa: {  	[dreg:$0x3] =	wrdreg s6  }
0xab: {  	[dreg:$0x4] =	wrdreg $0xC0  }
0xac: {  	_ =	task [dreg:s8], $0x5FFFF  }
0xad: {  	[dreg:$0x1] =	wrdreg $0xFFFFFFFF  }
0xae: {  	[dreg:$0x0] =	wrdreg $0x60  }
0xaf: {  	[dreg:$0x2] =	wrdreg s2  }
0xb0: {  	[dreg:$0x3] =	wrdreg s24  }
0xb1: {  	[dreg:$0x4] =	wrdreg s18  }
0xb2: {  	[dreg:$0x5] =	wrdreg $0x9  }
0xb3: {  	_ =	task.clear_ibuf [dreg:s8], $0x6FFFF;
	_ =	strace $0x90000046  }
0xb4: {  	s29 =	simm.s32 $0x9;
	_ =	strace $0x80000048  }
0xb5: {  	_ =	swait.ge [sflag:s29], $0x1  }
0xb6: {  	[sflag:s29] =	ssyncadd.s32 $0xFFFFFFFF  }
0xb7: {  	_ =	strace $0x90000048  }
0xb8: {  	_ =	sfence  }
0xb9: {  	s30 =	sld [smem:$0x0];
	_ =	sdelay $0x2  }
0xba: {  	s31 =	sshll.u32 s1, $0xD;
	s1 =	sshrl.u32 s1, $0x2  }
0xbb: {  	s3 =	sand.u32 $0x4000, s31;
	s1 =	sadd.s32 s1, s30  }
0xbc: {  	s0 =	sor.u32 s3, s0;
	s1 =	sshll.u32 s1, $0x11  }
0xbd: {  	s0 =	sor.u32 s1, s0  }
0xbe: {  	s0 =	sadd.s32 $0x8F2B, s0  }
0xbf: {  	[sflag:s0] =	ssyncadd.remote.s32 $0x1  }
0xc0: {  	_ =	sfence.sel $0xFFFF  }
0xc1: {  	[dreg:$0x0] =	wrdreg $0xFFFFFFFF;
	(pc) =	sbr.abs _section_cstart, $3  }
0xc2: {  	[dreg:$0x1] =	wrdreg $0xFFFFFFFF  }
0xc3: {  	_ =	task.clear_ibuf [dreg:s8], $0x2FFFF;
	_ =	strace $0x9FFFFFFF  }
0xc4: {  	(tm) =	ssettm $0x7FFFFFFF  }
0xc5: {  	_ =	shalt  }
tec
execute0_lowered:
.L_overlay_start_1:
0x0: {  	(tag) =	ssettag $0x1  }
0x1: {  	s0 =	rddreg [dreg:$0x0]  }
0x2: {  	s1 =	rddreg [dreg:$0x1]  }
0x3: {  	s5 =	rddreg [dreg:$0x2];
	s2 =	simm.s32 $0x0  }
0x4: {  	s3 =	srdreg.scid;
	s6 =	stileid.u32;
	s9 =	simm.s32 $0x5  }
0x5: {  	s10 =	simm.s32 $0x80;
	s20 =	simm.s32 $0x4500;
	[smem:$0x7FF] =	sst s2  }
0x6: {  	v0 =	vimm.f32 $3.000000000e+00;
	s21 =	simm.s32 $0x3B00;
	s22 =	simm.s32 $0x4700;
	_ =	strace $0x80000047  }
0x7: {  	s23 =	simm.s32 $0x3180;
	s24 =	simm.s32 $0x3D80;
	s28 =	simm.s32 $0x3580;
	(erf) = vrcp.f32 v0  }
0x8: {  	s29 =	simm.s32 $0x4180;
	s30 =	simm.s32 $0x3780;
	s31 =	simm.s32 $0x4380  }
0x9: {  	s8 =	simm.s32 $0x4780;
	s11 =	simm.s32 $0x1;
	s12 =	simm.s32 $0x2  }
0xa: {  	s13 =	simm.s32 $0x3;
	s14 =	simm.s32 $0x4;
	s15 =	simm.s32 $0x4800  }
0xb: {  	s16 =	simm.s32 $0x0;
	s3 =	sand.u32 $0x1, s3;
	s6 =	sshll.u32 s6, $0xA  }
0xc: {  	s4 =	ssub.s32 $0x2, s3;
	s7 =	sshll.u32 s3, $0x9;
	s3 =	sadd.s32 $0x600, s1  }
0xd: {  	s25 =	sshrl.u32 s4, $0x1;
	s6 =	sor.u32 s7, s6;
	s7 =	simm.s32 $0x3B80  }
0xe: {  	s1 =	ssub.s32 s4, s25;
	s4 =	sadd.s32 s0, s6;
	s26 =	sshrl.u32 s6, $0x2  }
0xf: {  	s25 =	simm.s32 $0x3380;
	s0 =	simm.s32 $0x3980;
	s5 =	sadd.s32 s5, s26  }
0x10: {  	s6 =	smax.u32 s1, $0x1;
	s26 =	simm.s32 $0x3F80;
	s1 =	simm.s32 $0x4580;
	v0 =	vpop (erf)  }
.LBB2_1:
0x11: {  	s17 =	simm.s32 $0x1000;
	s18 =	simm.s32 $0x20000  }
0x12: {  	[tilespmem:s2], [sflag:$0x5] =	stream.strided.gather [hbm4b:s4+s17], $0x3000, s18, s17, $0x38;
	[tilespmem:$0x4C00] =	vst v63  }
0x13: {  	_ =	swait.ge [sflag:s9], $0x3000  }
0x14: {  	[sflag:s9] =	ssyncset.done $0x0  }
0x15: {  	s17 =	simm.s32 $0x0;
	[sflag:s9] =	ssyncadd.s32 $0xFFFFD000  }
0x16: {  	v2 =	vld [tilespmem:s17+$0x1380]  }
0x17: {  	v1 =	vld [tilespmem:s17+$0x1180]  }
0x18: {  	v3 =	vld [tilespmem:s17+$0x380]  }
0x19: {  	v4 =	vld [tilespmem:s17+$0x100]  }
0x1a: {  	v5 =	vld [tilespmem:s17+$0x0]  }
0x1b: {  	v6 =	vld [tilespmem:s17+$0x80]  }
0x1c: {  	v7 =	vld [tilespmem:s17+$0x180]  }
0x1d: {  	v8 =	vld [tilespmem:s17+$0x200]  }
0x1e: {  	v9 =	vld [tilespmem:s17+$0x280]  }
0x1f: {  	v10 =	vld [tilespmem:s17+$0x300]  }
0x20: {  	v11 =	vld [tilespmem:s17+$0x1000];
	v5 =	vshll.u32 v5, $0x2;
	v6 =	vshll.u32 v6, $0x1  }
0x21: {  	v5 =	vadd.s32 v5, v6;
	v6 =	vld [tilespmem:s17+$0x1080]  }
0x22: {  	v4 =	vadd.s32 v4, v5;
	v5 =	vshll.u32 v7, $0x3;
	v7 =	vshll.u32 v8, $0x2;
	v8 =	vld [tilespmem:s17+$0x1100]  }
0x23: {  	v58 =	vld [tilespmem:s17+$0x1200];
	v4 =	vshll.u32 v4, $0x4;
	v5 =	vadd.s32 v7, v5;
	v7 =	vshll.u32 v9, $0x1  }
0x24: {  	v4 =	vadd.s32 v5, v4;
	v5 =	vadd.s32 v7, v10;
	v7 =	vld [tilespmem:s17+$0x1280]  }
0x25: {  	v59 =	vld [tilespmem:s17+$0x1300];
	v3 =	vshll.u32 v3, $0x3;
	v4 =	vadd.s32 v4, v5;
	v5 =	vshll.u32 v11, $0x2  }
0x26: {  	v60 =	vld [tilespmem:s17+$0x2000];
	v4 =	vshll.u32 v4, $0x4;
	v3 =	vadd.s32 v5, v3;
	v5 =	vshll.u32 v6, $0x1  }
0x27: {  	v3 =	vadd.s32 v3, v4;
	v4 =	vadd.s32 v5, v8;
	v5 =	vld [tilespmem:s17+$0x2080]  }
0x28: {  	v1 =	vshll.u32 v1, $0x3;
	v8 =	vld [tilespmem:s17+$0x2100];
	v3 =	vadd.s32 v3, v4;
	v4 =	vshll.u32 v58, $0x2  }
0x29: {  	s18 =	simm.s32 $0x10;
	v6 =	vld [tilespmem:s17+$0x2180];
	v61 =	vshll.u32 v3, $0x4;
	v1 =	vadd.s32 v4, v1;
	v4 =	vshll.u32 v7, $0x1  }
0x2a: {  	v3 =	vld [tilespmem:s18+$0x1380];
	v7 =	vadd.s32 v1, v61;
	v4 =	vadd.s32 v4, v59  }
0x2b: {  	v62 =	vshll.u32 v60, $0x2;
	v1 =	vld [tilespmem:s18+$0x1180];
	v4 =	vadd.s32 v7, v4;
	v7 =	vshll.u32 v2, $0x3  }
0x2c: {  	v2 =	vld [tilespmem:s18+$0x380];
	v63 =	vshll.u32 v4, $0x4;
	v7 =	vadd.s32 v62, v7;
	v5 =	vshll.u32 v5, $0x1  }
0x2d: {  	v4 =	vld [tilespmem:s18+$0x100];
	v7 =	vadd.s32 v7, v63;
	v8 =	vadd.s32 v5, v8  }
0x2e: {  	s19 =	simm.s32 $0x80;
	v5 =	vld [tilespmem:s18+$0x0];
	v7 =	vadd.s32 v7, v8  }
.LBB2_2:
0x2f: {  	p0 =	sne.s32 s19, $0x1C0;
	v8 =	vld [tilespmem:s18+$0x80];
	v7 =	vshll.u32 v7, $0x1;
	v9 =	vmov v3  }
0x30: {  	v3 =	vld [tilespmem:s18+$0x180];
	v6 =	vadd.s32 v6, v7  }
0x31: {  	v7 =	vld [tilespmem:s18+$0x200];
	[tilespmem:s17+$0x3000] =	vst v6;
	v10 =	vadd.s32 $0x3, v6;
	v11 =	vmul.u32 $0x5, v6;
	v12 =	vadd.s32 $0xFFFFFFFF, v6  }
0x32: {  	v14 =	vadd.s32 $0x100000, v6;
	v13 =	vld [tilespmem:s18+$0x280];
	v10 =	vand.u32 $0xFFFFF, v10;
	v12 =	vand.u32 $0xFFFFF, v12  }
0x33: {  	v6 =	vshra.s32 v6, $0x1;
	v15 =	vld [tilespmem:s18+$0x300];
	v10 =	vor.u32 $0x100000, v10;
	v11 =	vand.u32 $0xFFFFF, v11;
	[tilespmem:s17+$0x3A00] =	vst v12  }
0x34: {  	v5 =	vshll.u32 v5, $0x2;
	v8 =	vshll.u32 v8, $0x1;
	v12 =	vld [tilespmem:s18+$0x1000];
	[tilespmem:s17+$0x3400] =	vst v10;
	v10 =	vor.u32 $0x100000, v11  }
0x35: {  	v5 =	vadd.s32 v5, v8;
	v8 =	vld [tilespmem:s18+$0x1080];
	[tilespmem:s17+$0x3800] =	vst v10  }
0x36: {  	v3 =	vshll.u32 v3, $0x3;
	v4 =	vadd.s32 v4, v5;
	v5 =	vshll.u32 v7, $0x2;
	v7 =	vld [tilespmem:s18+$0x1100];
	[tilespmem:s17+$0x3200] =	vst v14  }
0x37: {  	v4 =	vshll.u32 v4, $0x4;
	v3 =	vadd.s32 v5, v3;
	v5 =	vshll.u32 v13, $0x1;
	v10 =	vld [tilespmem:s18+$0x1200];
	[tilespmem:s17+$0x3600] =	vst v6;
	s17 =	smov.u32 s18  }
0x38: {  	v3 =	vadd.s32 v3, v4;
	v4 =	vadd.s32 v5, v15;
	v5 =	vld [tilespmem:s17+$0x1280]  }
0x39: {  	v2 =	vshll.u32 v2, $0x3;
	v3 =	vadd.s32 v3, v4;
	v4 =	vshll.u32 v12, $0x2;
	v11 =	vld [tilespmem:s17+$0x1300]  }
0x3a: {  	v3 =	vshll.u32 v3, $0x4;
	v2 =	vadd.s32 v4, v2;
	v4 =	vshll.u32 v8, $0x1;
	v8 =	vld [tilespmem:s17+$0x2000]  }
0x3b: {  	v2 =	vadd.s32 v2, v3;
	v3 =	vadd.s32 v4, v7;
	v4 =	vld [tilespmem:s17+$0x2080]  }
0x3c: {  	v1 =	vshll.u32 v1, $0x3;
	v2 =	vadd.s32 v2, v3;
	v3 =	vshll.u32 v10, $0x2;
	v7 =	vld [tilespmem:s17+$0x2100]  }
0x3d: {  	s18 =	sshra.s32 s19, $0x2;
	v2 =	vshll.u32 v2, $0x4;
	v1 =	vadd.s32 v3, v1;
	v5 =	vshll.u32 v5, $0x1;
	v6 =	vld [tilespmem:s17+$0x2180]  }
.Ltmp0:
0x3e: {  	v3 =	vld [tilespmem:s18+$0x1380];
	v2 =	vadd.s32 v1, v2;
	v5 =	vadd.s32 v5, v11;
	(pc) =	sbr.rel @p0 .LBB2_2-.Ltmp0, $4  }
0x3f: {  	v9 =	vshll.u32 v9, $0x3;
	v1 =	vld [tilespmem:s18+$0x1180];
	v5 =	vadd.s32 v2, v5;
	v8 =	vshll.u32 v8, $0x2  }
0x40: {  	v2 =	vld [tilespmem:s18+$0x380];
	v5 =	vshll.u32 v5, $0x4;
	v8 =	vadd.s32 v8, v9;
	v9 =	vshll.u32 v4, $0x1  }
0x41: {  	v4 =	vld [tilespmem:s18+$0x100];
	v8 =	vadd.s32 v8, v5;
	v7 =	vadd.s32 v9, v7  }
0x42: {  	s19 =	sadd.s32 $0x40, s19;
	v5 =	vld [tilespmem:s18+$0x0];
	v7 =	vadd.s32 v8, v7  }
0x43: {  	v8 =	vld [tilespmem:s18+$0x80];
	v7 =	vshll.u32 v7, $0x1  }
0x44: {  	v9 =	vld [tilespmem:s18+$0x180];
	v6 =	vadd.s32 v6, v7  }
0x45: {  	v7 =	vld [tilespmem:s18+$0x200];
	[tilespmem:s17+$0x3000] =	vst v6;
	v10 =	vadd.s32 $0xFFFFFFFF, v6;
	v12 =	vadd.s32 $0x3, v6;
	v14 =	vmul.u32 $0x5, v6  }
0x46: {  	v11 =	vld [tilespmem:s18+$0x280];
	v10 =	vand.u32 $0xFFFFF, v10;
	v12 =	vand.u32 $0xFFFFF, v12  }
0x47: {  	v13 =	vld [tilespmem:s18+$0x300];
	[tilespmem:s17+$0x3A00] =	vst v10;
	v50 =	vor.u32 $0x100000, v12;
	v14 =	vand.u32 $0xFFFFF, v14  }
0x48: {  	v5 =	vshll.u32 v5, $0x2;
	v51 =	vld [tilespmem:s18+$0x1000];
	[tilespmem:s17+$0x3400] =	vst v50;
	v52 =	vor.u32 $0x100000, v14;
	v8 =	vshll.u32 v8, $0x1  }
0x49: {  	v54 =	vadd.s32 $0x100000, v6;
	v6 =	vshra.s32 v6, $0x1;
	v53 =	vld [tilespmem:s18+$0x1080];
	[tilespmem:s17+$0x3800] =	vst v52;
	v5 =	vadd.s32 v5, v8  }
0x4a: {  	v7 =	vshll.u32 v7, $0x2;
	v15 =	vld [tilespmem:s18+$0x1100];
	[tilespmem:s17+$0x3200] =	vst v54;
	v4 =	vadd.s32 v4, v5;
	v5 =	vshll.u32 v9, $0x3  }
0x4b: {  	v8 =	vld [tilespmem:s18+$0x1200];
	v4 =	vshll.u32 v4, $0x4;
	v5 =	vadd.s32 v7, v5;
	v7 =	vshll.u32 v11, $0x1;
	[tilespmem:s17+$0x3600] =	vst v6  }
0x4c: {  	v4 =	vadd.s32 v5, v4;
	v5 =	vadd.s32 v7, v13;
	v6 =	vld [tilespmem:s18+$0x1280]  }
0x4d: {  	v2 =	vshll.u32 v2, $0x3;
	v7 =	vld [tilespmem:s18+$0x1300];
	v4 =	vadd.s32 v4, v5;
	v5 =	vshll.u32 v51, $0x2  }
0x4e: {  	v55 =	vld [tilespmem:s18+$0x2000];
	v4 =	vshll.u32 v4, $0x4;
	v2 =	vadd.s32 v5, v2;
	v5 =	vshll.u32 v53, $0x1  }
0x4f: {  	v2 =	vadd.s32 v2, v4;
	v4 =	vadd.s32 v5, v15;
	v5 =	vld [tilespmem:s18+$0x2080]  }
0x50: {  	v1 =	vshll.u32 v1, $0x3;
	v2 =	vadd.s32 v2, v4;
	v4 =	vshll.u32 v8, $0x2;
	v8 =	vld [tilespmem:s18+$0x2100]  }
0x51: {  	v2 =	vshll.u32 v2, $0x4;
	v1 =	vadd.s32 v4, v1;
	v4 =	vshll.u32 v6, $0x1  }
0x52: {  	v1 =	vadd.s32 v1, v2;
	v2 =	vadd.s32 v4, v7  }
0x53: {  	v4 =	vld [tilespmem:s18+$0x2180];
	v1 =	vadd.s32 v1, v2;
	v2 =	vshll.u32 v3, $0x3;
	v3 =	vshll.u32 v55, $0x2  }
0x54: {  	v1 =	vshll.u32 v1, $0x4;
	v2 =	vadd.s32 v3, v2;
	v3 =	vshll.u32 v5, $0x1  }
0x55: {  	v1 =	vadd.s32 v2, v1;
	v2 =	vadd.s32 v3, v8  }
0x56: {  	v1 =	vadd.s32 v1, v2  }
0x57: {  	v1 =	vshll.u32 v1, $0x1  }
0x58: {  	v1 =	vadd.s32 v4, v1  }
0x59: {  	v2 =	vadd.s32 $0x3, v1;
	v3 =	vmul.u32 $0x5, v1;
	v4 =	vadd.s32 $0xFFFFFFFF, v1  }
0x5a: {  	[tilespmem:s18+$0x3000] =	vst v1;
	v2 =	vand.u32 $0xFFFFF, v2;
	v4 =	vand.u32 $0xFFFFF, v4  }
0x5b: {  	v2 =	vor.u32 $0x100000, v2;
	v3 =	vand.u32 $0xFFFFF, v3;
	[tilespmem:s18+$0x3A00] =	vst v4  }
0x5c: {  	[tilespmem:s18+$0x3400] =	vst v2;
	v2 =	vor.u32 $0x100000, v3  }
0x5d: {  	v3 =	vadd.s32 $0x100000, v1;
	[tilespmem:s18+$0x3800] =	vst v2  }
0x5e: {  	v1 =	vshra.s32 v1, $0x1;
	[tilespmem:s18+$0x3200] =	vst v3  }
0x5f: {  	s19 =	simm.s32 $0x3C00;
	[tilespmem:s18+$0x3600] =	vst v1;
	s18 =	simm.s32 $0x3000  }
0x60: {  	[tilespmem:s19], [sflag:$0x1] =	stream.indirect.gather [hbm4b:s3+s10], $0x1, s18, s10, $0xb8;
	[tilespmem:$0x4C00] =	vst v63  }
0x61: {  	s18 =	simm.s32 $0x3200;
	s19 =	simm.s32 $0x3E00  }
0x62: {  	[tilespmem:s19], [sflag:$0x1] =	stream.indirect.gather [hbm4b:s3+s10], $0x1, s18, s10, $0xb8;
	[tilespmem:$0x4C00] =	vst v63  }
0x63: {  	s18 =	simm.s32 $0x3400;
	s19 =	simm.s32 $0x4000  }
0x64: {  	[tilespmem:s19], [sflag:$0x1] =	stream.indirect.gather [hbm4b:s3+s10], $0x1, s18, s10, $0xb8;
	[tilespmem:$0x4C00] =	vst v63  }
0x65: {  	s18 =	simm.s32 $0x3600;
	s19 =	simm.s32 $0x4200  }
0x66: {  	[tilespmem:s19], [sflag:$0x1] =	stream.indirect.gather [hbm4b:s3+s10], $0x1, s18, s10, $0xb8;
	[tilespmem:$0x4C00] =	vst v63  }
0x67: {  	s18 =	simm.s32 $0x3800;
	s19 =	simm.s32 $0x4400  }
0x68: {  	[tilespmem:s19], [sflag:$0x1] =	stream.indirect.gather [hbm4b:s3+s10], $0x1, s18, s10, $0xb8;
	[tilespmem:$0x4C00] =	vst v63  }
0x69: {  	s17 =	simm.s32 $0x0;
	s18 =	simm.s32 $0x3A00;
	s19 =	simm.s32 $0x4600  }
0x6a: {  	[tilespmem:s19], [sflag:$0x1] =	stream.indirect.gather [hbm4b:s3+s10], $0x1, s18, s10, $0xb8;
	[tilespmem:$0x4C00] =	vst v63  }
0x6b: {  	v2 =	vld [tilespmem:s17+$0x1780]  }
0x6c: {  	v1 =	vld [tilespmem:s17+$0x1580]  }
0x6d: {  	v3 =	vld [tilespmem:s17+$0x780]  }
0x6e: {  	v4 =	vld [tilespmem:s17+$0x500]  }
0x6f: {  	v5 =	vld [tilespmem:s17+$0x400]  }
0x70: {  	v6 =	vld [tilespmem:s17+$0x480]  }
0x71: {  	v7 =	vld [tilespmem:s17+$0x580]  }
0x72: {  	v8 =	vld [tilespmem:s17+$0x600]  }
0x73: {  	v56 =	vld [tilespmem:s17+$0x680]  }
0x74: {  	v10 =	vld [tilespmem:s17+$0x700]  }
0x75: {  	v57 =	vld [tilespmem:s17+$0x1400];
	v5 =	vshll.u32 v5, $0x2;
	v6 =	vshll.u32 v6, $0x1  }
0x76: {  	v5 =	vadd.s32 v5, v6;
	v6 =	vld [tilespmem:s17+$0x1480]  }
0x77: {  	v4 =	vadd.s32 v4, v5;
	v5 =	vshll.u32 v7, $0x3;
	v7 =	vshll.u32 v8, $0x2;
	v8 =	vld [tilespmem:s17+$0x1500]  }
0x78: {  	v58 =	vld [tilespmem:s17+$0x1600];
	v4 =	vshll.u32 v4, $0x4;
	v5 =	vadd.s32 v7, v5;
	v7 =	vshll.u32 v56, $0x1  }
0x79: {  	v4 =	vadd.s32 v5, v4;
	v5 =	vadd.s32 v7, v10;
	v7 =	vld [tilespmem:s17+$0x1680]  }
0x7a: {  	v59 =	vld [tilespmem:s17+$0x1700];
	v3 =	vshll.u32 v3, $0x3;
	v4 =	vadd.s32 v4, v5;
	v5 =	vshll.u32 v57, $0x2  }
0x7b: {  	v60 =	vld [tilespmem:s17+$0x2400];
	v4 =	vshll.u32 v4, $0x4;
	v3 =	vadd.s32 v5, v3;
	v5 =	vshll.u32 v6, $0x1  }
0x7c: {  	v3 =	vadd.s32 v3, v4;
	v4 =	vadd.s32 v5, v8;
	v5 =	vld [tilespmem:s17+$0x2480]  }
0x7d: {  	v1 =	vshll.u32 v1, $0x3;
	v8 =	vld [tilespmem:s17+$0x2500];
	v3 =	vadd.s32 v3, v4;
	v4 =	vshll.u32 v58, $0x2  }
0x7e: {  	s18 =	simm.s32 $0x10;
	v6 =	vld [tilespmem:s17+$0x2580];
	v61 =	vshll.u32 v3, $0x4;
	v1 =	vadd.s32 v4, v1;
	v4 =	vshll.u32 v7, $0x1  }
0x7f: {  	v3 =	vld [tilespmem:s18+$0x1780];
	v7 =	vadd.s32 v1, v61;
	v4 =	vadd.s32 v4, v59  }
0x80: {  	v62 =	vshll.u32 v60, $0x2;
	v1 =	vld [tilespmem:s18+$0x1580];
	v4 =	vadd.s32 v7, v4;
	v7 =	vshll.u32 v2, $0x3  }
0x81: {  	v2 =	vld [tilespmem:s18+$0x780];
	v63 =	vshll.u32 v4, $0x4;
	v7 =	vadd.s32 v62, v7;
	v5 =	vshll.u32 v5, $0x1  }
0x82: {  	v4 =	vld [tilespmem:s18+$0x500];
	v7 =	vadd.s32 v7, v63;
	v8 =	vadd.s32 v5, v8  }
0x83: {  	s19 =	simm.s32 $0x80;
	v5 =	vld [tilespmem:s18+$0x400];
	v7 =	vadd.s32 v7, v8  }
.LBB2_4:
0x84: {  	p0 =	sne.s32 s19, $0x1C0;
	v8 =	vld [tilespmem:s18+$0x480];
	v7 =	vshll.u32 v7, $0x1;
	v9 =	vmov v3  }
0x85: {  	v3 =	vld [tilespmem:s18+$0x580];
	v6 =	vadd.s32 v6, v7  }
0x86: {  	v7 =	vld [tilespmem:s18+$0x600];
	[tilespmem:s17+$0x3080] =	vst v6;
	v10 =	vadd.s32 $0x3, v6;
	v11 =	vmul.u32 $0x5, v6;
	v12 =	vadd.s32 $0xFFFFFFFF, v6  }
0x87: {  	v14 =	vadd.s32 $0x100000, v6;
	v13 =	vld [tilespmem:s18+$0x680];
	v10 =	vand.u32 $0xFFFFF, v10;
	v12 =	vand.u32 $0xFFFFF, v12  }
0x88: {  	v6 =	vshra.s32 v6, $0x1;
	v15 =	vld [tilespmem:s18+$0x700];
	v10 =	vor.u32 $0x100000, v10;
	v11 =	vand.u32 $0xFFFFF, v11;
	[tilespmem:s17+$0x3A80] =	vst v12  }
0x89: {  	v5 =	vshll.u32 v5, $0x2;
	v8 =	vshll.u32 v8, $0x1;
	v12 =	vld [tilespmem:s18+$0x1400];
	[tilespmem:s17+$0x3480] =	vst v10;
	v10 =	vor.u32 $0x100000, v11  }
0x8a: {  	v5 =	vadd.s32 v5, v8;
	v8 =	vld [tilespmem:s18+$0x1480];
	[tilespmem:s17+$0x3880] =	vst v10  }
0x8b: {  	v3 =	vshll.u32 v3, $0x3;
	v4 =	vadd.s32 v4, v5;
	v5 =	vshll.u32 v7, $0x2;
	v7 =	vld [tilespmem:s18+$0x1500];
	[tilespmem:s17+$0x3280] =	vst v14  }
0x8c: {  	v4 =	vshll.u32 v4, $0x4;
	v3 =	vadd.s32 v5, v3;
	v5 =	vshll.u32 v13, $0x1;
	v10 =	vld [tilespmem:s18+$0x1600];
	[tilespmem:s17+$0x3680] =	vst v6;
	s17 =	smov.u32 s18  }
0x8d: {  	v3 =	vadd.s32 v3, v4;
	v4 =	vadd.s32 v5, v15;
	v5 =	vld [tilespmem:s17+$0x1680]  }
0x8e: {  	v2 =	vshll.u32 v2, $0x3;
	v3 =	vadd.s32 v3, v4;
	v4 =	vshll.u32 v12, $0x2;
	v11 =	vld [tilespmem:s17+$0x1700]  }
0x8f: {  	v3 =	vshll.u32 v3, $0x4;
	v2 =	vadd.s32 v4, v2;
	v4 =	vshll.u32 v8, $0x1;
	v8 =	vld [tilespmem:s17+$0x2400]  }
0x90: {  	v2 =	vadd.s32 v2, v3;
	v3 =	vadd.s32 v4, v7;
	v4 =	vld [tilespmem:s17+$0x2480]  }
0x91: {  	v1 =	vshll.u32 v1, $0x3;
	v2 =	vadd.s32 v2, v3;
	v3 =	vshll.u32 v10, $0x2;
	v7 =	vld [tilespmem:s17+$0x2500]  }
0x92: {  	s18 =	sshra.s32 s19, $0x2;
	v2 =	vshll.u32 v2, $0x4;
	v1 =	vadd.s32 v3, v1;
	v5 =	vshll.u32 v5, $0x1;
	v6 =	vld [tilespmem:s17+$0x2580]  }
.Ltmp1:
0x93: {  	v3 =	vld [tilespmem:s18+$0x1780];
	v2 =	vadd.s32 v1, v2;
	v5 =	vadd.s32 v5, v11;
	(pc) =	sbr.rel @p0 .LBB2_4-.Ltmp1, $4  }
0x94: {  	v9 =	vshll.u32 v9, $0x3;
	v1 =	vld [tilespmem:s18+$0x1580];
	v5 =	vadd.s32 v2, v5;
	v8 =	vshll.u32 v8, $0x2  }
0x95: {  	v2 =	vld [tilespmem:s18+$0x780];
	v5 =	vshll.u32 v5, $0x4;
	v8 =	vadd.s32 v8, v9;
	v9 =	vshll.u32 v4, $0x1  }
0x96: {  	v4 =	vld [tilespmem:s18+$0x500];
	v8 =	vadd.s32 v8, v5;
	v7 =	vadd.s32 v9, v7  }
0x97: {  	s19 =	sadd.s32 $0x40, s19;
	v5 =	vld [tilespmem:s18+$0x400];
	v7 =	vadd.s32 v8, v7  }
0x98: {  	v8 =	vld [tilespmem:s18+$0x480];
	v7 =	vshll.u32 v7, $0x1  }
0x99: {  	v9 =	vld [tilespmem:s18+$0x580];
	v6 =	vadd.s32 v6, v7  }
0x9a: {  	v7 =	vld [tilespmem:s18+$0x600];
	[tilespmem:s17+$0x3080] =	vst v6;
	v10 =	vadd.s32 $0xFFFFFFFF, v6;
	v12 =	vadd.s32 $0x3, v6;
	v14 =	vmul.u32 $0x5, v6  }
0x9b: {  	v11 =	vld [tilespmem:s18+$0x680];
	v10 =	vand.u32 $0xFFFFF, v10;
	v12 =	vand.u32 $0xFFFFF, v12  }
0x9c: {  	v13 =	vld [tilespmem:s18+$0x700];
	[tilespmem:s17+$0x3A80] =	vst v10;
	v50 =	vor.u32 $0x100000, v12;
	v14 =	vand.u32 $0xFFFFF, v14  }
0x9d: {  	v5 =	vshll.u32 v5, $0x2;
	v51 =	vld [tilespmem:s18+$0x1400];
	[tilespmem:s17+$0x3480] =	vst v50;
	v52 =	vor.u32 $0x100000, v14;
	v8 =	vshll.u32 v8, $0x1  }
0x9e: {  	v54 =	vadd.s32 $0x100000, v6;
	v6 =	vshra.s32 v6, $0x1;
	v53 =	vld [tilespmem:s18+$0x1480];
	[tilespmem:s17+$0x3880] =	vst v52;
	v5 =	vadd.s32 v5, v8  }
0x9f: {  	v7 =	vshll.u32 v7, $0x2;
	v15 =	vld [tilespmem:s18+$0x1500];
	[tilespmem:s17+$0x3280] =	vst v54;
	v4 =	vadd.s32 v4, v5;
	v5 =	vshll.u32 v9, $0x3  }
0xa0: {  	v8 =	vld [tilespmem:s18+$0x1600];
	v4 =	vshll.u32 v4, $0x4;
	v5 =	vadd.s32 v7, v5;
	v7 =	vshll.u32 v11, $0x1;
	[tilespmem:s17+$0x3680] =	vst v6  }
0xa1: {  	v4 =	vadd.s32 v5, v4;
	v5 =	vadd.s32 v7, v13;
	v6 =	vld [tilespmem:s18+$0x1680]  }
0xa2: {  	v2 =	vshll.u32 v2, $0x3;
	v7 =	vld [tilespmem:s18+$0x1700];
	v4 =	vadd.s32 v4, v5;
	v5 =	vshll.u32 v51, $0x2  }
0xa3: {  	v55 =	vld [tilespmem:s18+$0x2400];
	v4 =	vshll.u32 v4, $0x4;
	v2 =	vadd.s32 v5, v2;
	v5 =	vshll.u32 v53, $0x1  }
0xa4: {  	v2 =	vadd.s32 v2, v4;
	v4 =	vadd.s32 v5, v15;
	v5 =	vld [tilespmem:s18+$0x2480]  }
0xa5: {  	v1 =	vshll.u32 v1, $0x3;
	v2 =	vadd.s32 v2, v4;
	v4 =	vshll.u32 v8, $0x2;
	v8 =	vld [tilespmem:s18+$0x2500]  }
0xa6: {  	v2 =	vshll.u32 v2, $0x4;
	v1 =	vadd.s32 v4, v1;
	v4 =	vshll.u32 v6, $0x1  }
0xa7: {  	v1 =	vadd.s32 v1, v2;
	v2 =	vadd.s32 v4, v7  }
0xa8: {  	v4 =	vld [tilespmem:s18+$0x2580];
	v1 =	vadd.s32 v1, v2;
	v2 =	vshll.u32 v3, $0x3;
	v3 =	vshll.u32 v55, $0x2  }
0xa9: {  	v1 =	vshll.u32 v1, $0x4;
	v2 =	vadd.s32 v3, v2;
	v3 =	vshll.u32 v5, $0x1  }
0xaa: {  	v1 =	vadd.s32 v2, v1;
	v2 =	vadd.s32 v3, v8  }
0xab: {  	v1 =	vadd.s32 v1, v2  }
0xac: {  	v1 =	vshll.u32 v1, $0x1  }
0xad: {  	v1 =	vadd.s32 v4, v1  }
0xae: {  	v2 =	vadd.s32 $0x3, v1;
	v3 =	vmul.u32 $0x5, v1;
	v4 =	vadd.s32 $0xFFFFFFFF, v1  }
0xaf: {  	[tilespmem:s18+$0x3080] =	vst v1;
	v2 =	vand.u32 $0xFFFFF, v2;
	v4 =	vand.u32 $0xFFFFF, v4  }
0xb0: {  	v2 =	vor.u32 $0x100000, v2;
	v3 =	vand.u32 $0xFFFFF, v3;
	[tilespmem:s18+$0x3A80] =	vst v4  }
0xb1: {  	[tilespmem:s18+$0x3480] =	vst v2;
	v2 =	vor.u32 $0x100000, v3  }
0xb2: {  	v3 =	vadd.s32 $0x100000, v1;
	[tilespmem:s18+$0x3880] =	vst v2  }
0xb3: {  	v1 =	vshra.s32 v1, $0x1;
	[tilespmem:s18+$0x3280] =	vst v3  }
0xb4: {  	s19 =	simm.s32 $0x3C80;
	[tilespmem:s18+$0x3680] =	vst v1;
	s18 =	simm.s32 $0x3080  }
0xb5: {  	[tilespmem:s19], [sflag:$0x2] =	stream.indirect.gather [hbm4b:s3+s10], $0x1, s18, s10, $0xb8;
	[tilespmem:$0x4C00] =	vst v63  }
0xb6: {  	s18 =	simm.s32 $0x3280;
	s19 =	simm.s32 $0x3E80  }
0xb7: {  	[tilespmem:s19], [sflag:$0x2] =	stream.indirect.gather [hbm4b:s3+s10], $0x1, s18, s10, $0xb8;
	[tilespmem:$0x4C00] =	vst v63  }
0xb8: {  	s18 =	simm.s32 $0x3480;
	s19 =	simm.s32 $0x4080  }
0xb9: {  	[tilespmem:s19], [sflag:$0x2] =	stream.indirect.gather [hbm4b:s3+s10], $0x1, s18, s10, $0xb8;
	[tilespmem:$0x4C00] =	vst v63  }
0xba: {  	s18 =	simm.s32 $0x3680;
	s19 =	simm.s32 $0x4280  }
0xbb: {  	[tilespmem:s19], [sflag:$0x2] =	stream.indirect.gather [hbm4b:s3+s10], $0x1, s18, s10, $0xb8;
	[tilespmem:$0x4C00] =	vst v63  }
0xbc: {  	s18 =	simm.s32 $0x3880;
	s19 =	simm.s32 $0x4480  }
0xbd: {  	[tilespmem:s19], [sflag:$0x2] =	stream.indirect.gather [hbm4b:s3+s10], $0x1, s18, s10, $0xb8;
	[tilespmem:$0x4C00] =	vst v63  }
0xbe: {  	s17 =	simm.s32 $0x0;
	s18 =	simm.s32 $0x3A80;
	s19 =	simm.s32 $0x4680  }
0xbf: {  	[tilespmem:s19], [sflag:$0x2] =	stream.indirect.gather [hbm4b:s3+s10], $0x1, s18, s10, $0xb8;
	[tilespmem:$0x4C00] =	vst v63  }
0xc0: {  	v2 =	vld [tilespmem:s17+$0x1B80]  }
0xc1: {  	v1 =	vld [tilespmem:s17+$0x1980]  }
0xc2: {  	v3 =	vld [tilespmem:s17+$0xB80]  }
0xc3: {  	v4 =	vld [tilespmem:s17+$0x900]  }
0xc4: {  	v5 =	vld [tilespmem:s17+$0x800]  }
0xc5: {  	v6 =	vld [tilespmem:s17+$0x880]  }
0xc6: {  	v7 =	vld [tilespmem:s17+$0x980]  }
0xc7: {  	v8 =	vld [tilespmem:s17+$0xA00]  }
0xc8: {  	v56 =	vld [tilespmem:s17+$0xA80]  }
0xc9: {  	v10 =	vld [tilespmem:s17+$0xB00]  }
0xca: {  	v57 =	vld [tilespmem:s17+$0x1800];
	v5 =	vshll.u32 v5, $0x2;
	v6 =	vshll.u32 v6, $0x1  }
0xcb: {  	v5 =	vadd.s32 v5, v6;
	v6 =	vld [tilespmem:s17+$0x1880]  }
0xcc: {  	v4 =	vadd.s32 v4, v5;
	v5 =	vshll.u32 v7, $0x3;
	v7 =	vshll.u32 v8, $0x2;
	v8 =	vld [tilespmem:s17+$0x1900]  }
0xcd: {  	v58 =	vld [tilespmem:s17+$0x1A00];
	v4 =	vshll.u32 v4, $0x4;
	v5 =	vadd.s32 v7, v5;
	v7 =	vshll.u32 v56, $0x1  }
0xce: {  	v4 =	vadd.s32 v5, v4;
	v5 =	vadd.s32 v7, v10;
	v7 =	vld [tilespmem:s17+$0x1A80]  }
0xcf: {  	v59 =	vld [tilespmem:s17+$0x1B00];
	v3 =	vshll.u32 v3, $0x3;
	v4 =	vadd.s32 v4, v5;
	v5 =	vshll.u32 v57, $0x2  }
0xd0: {  	v60 =	vld [tilespmem:s17+$0x2800];
	v4 =	vshll.u32 v4, $0x4;
	v3 =	vadd.s32 v5, v3;
	v5 =	vshll.u32 v6, $0x1  }
0xd1: {  	v3 =	vadd.s32 v3, v4;
	v4 =	vadd.s32 v5, v8;
	v5 =	vld [tilespmem:s17+$0x2880]  }
0xd2: {  	v1 =	vshll.u32 v1, $0x3;
	v8 =	vld [tilespmem:s17+$0x2900];
	v3 =	vadd.s32 v3, v4;
	v4 =	vshll.u32 v58, $0x2  }
0xd3: {  	s18 =	simm.s32 $0x10;
	v6 =	vld [tilespmem:s17+$0x2980];
	v61 =	vshll.u32 v3, $0x4;
	v1 =	vadd.s32 v4, v1;
	v4 =	vshll.u32 v7, $0x1  }
0xd4: {  	v3 =	vld [tilespmem:s18+$0x1B80];
	v7 =	vadd.s32 v1, v61;
	v4 =	vadd.s32 v4, v59  }
0xd5: {  	v62 =	vshll.u32 v60, $0x2;
	v1 =	vld [tilespmem:s18+$0x1980];
	v4 =	vadd.s32 v7, v4;
	v7 =	vshll.u32 v2, $0x3  }
0xd6: {  	v2 =	vld [tilespmem:s18+$0xB80];
	v63 =	vshll.u32 v4, $0x4;
	v7 =	vadd.s32 v62, v7;
	v5 =	vshll.u32 v5, $0x1  }
0xd7: {  	v4 =	vld [tilespmem:s18+$0x900];
	v7 =	vadd.s32 v7, v63;
	v8 =	vadd.s32 v5, v8  }
0xd8: {  	s19 =	simm.s32 $0x80;
	v5 =	vld [tilespmem:s18+$0x800];
	v7 =	vadd.s32 v7, v8  }
.LBB2_6:
0xd9: {  	p0 =	sne.s32 s19, $0x1C0;
	v8 =	vld [tilespmem:s18+$0x880];
	v7 =	vshll.u32 v7, $0x1;
	v9 =	vmov v3  }
0xda: {  	v3 =	vld [tilespmem:s18+$0x980];
	v6 =	vadd.s32 v6, v7  }
0xdb: {  	v7 =	vld [tilespmem:s18+$0xA00];
	[tilespmem:s17+$0x3100] =	vst v6;
	v10 =	vadd.s32 $0x3, v6;
	v11 =	vmul.u32 $0x5, v6;
	v12 =	vadd.s32 $0xFFFFFFFF, v6  }
0xdc: {  	v14 =	vadd.s32 $0x100000, v6;
	v13 =	vld [tilespmem:s18+$0xA80];
	v10 =	vand.u32 $0xFFFFF, v10;
	v12 =	vand.u32 $0xFFFFF, v12  }
0xdd: {  	v6 =	vshra.s32 v6, $0x1;
	v15 =	vld [tilespmem:s18+$0xB00];
	v10 =	vor.u32 $0x100000, v10;
	v11 =	vand.u32 $0xFFFFF, v11;
	[tilespmem:s17+$0x3B00] =	vst v12  }
0xde: {  	v5 =	vshll.u32 v5, $0x2;
	v8 =	vshll.u32 v8, $0x1;
	v12 =	vld [tilespmem:s18+$0x1800];
	[tilespmem:s17+$0x3500] =	vst v10;
	v10 =	vor.u32 $0x100000, v11  }
0xdf: {  	v5 =	vadd.s32 v5, v8;
	v8 =	vld [tilespmem:s18+$0x1880];
	[tilespmem:s17+$0x3900] =	vst v10  }
0xe0: {  	v3 =	vshll.u32 v3, $0x3;
	v4 =	vadd.s32 v4, v5;
	v5 =	vshll.u32 v7, $0x2;
	v7 =	vld [tilespmem:s18+$0x1900];
	[tilespmem:s17+$0x3300] =	vst v14  }
0xe1: {  	v4 =	vshll.u32 v4, $0x4;
	v3 =	vadd.s32 v5, v3;
	v5 =	vshll.u32 v13, $0x1;
	v10 =	vld [tilespmem:s18+$0x1A00];
	[tilespmem:s17+$0x3700] =	vst v6;
	s17 =	smov.u32 s18  }
0xe2: {  	v3 =	vadd.s32 v3, v4;
	v4 =	vadd.s32 v5, v15;
	v5 =	vld [tilespmem:s17+$0x1A80]  }
0xe3: {  	v2 =	vshll.u32 v2, $0x3;
	v3 =	vadd.s32 v3, v4;
	v4 =	vshll.u32 v12, $0x2;
	v11 =	vld [tilespmem:s17+$0x1B00]  }
0xe4: {  	v3 =	vshll.u32 v3, $0x4;
	v2 =	vadd.s32 v4, v2;
	v4 =	vshll.u32 v8, $0x1;
	v8 =	vld [tilespmem:s17+$0x2800]  }
0xe5: {  	v2 =	vadd.s32 v2, v3;
	v3 =	vadd.s32 v4, v7;
	v4 =	vld [tilespmem:s17+$0x2880]  }
0xe6: {  	v1 =	vshll.u32 v1, $0x3;
	v2 =	vadd.s32 v2, v3;
	v3 =	vshll.u32 v10, $0x2;
	v7 =	vld [tilespmem:s17+$0x2900]  }
0xe7: {  	s18 =	sshra.s32 s19, $0x2;
	v2 =	vshll.u32 v2, $0x4;
	v1 =	vadd.s32 v3, v1;
	v5 =	vshll.u32 v5, $0x1;
	v6 =	vld [tilespmem:s17+$0x2980]  }
.Ltmp2:
0xe8: {  	v3 =	vld [tilespmem:s18+$0x1B80];
	v2 =	vadd.s32 v1, v2;
	v5 =	vadd.s32 v5, v11;
	(pc) =	sbr.rel @p0 .LBB2_6-.Ltmp2, $4  }
0xe9: {  	v9 =	vshll.u32 v9, $0x3;
	v1 =	vld [tilespmem:s18+$0x1980];
	v5 =	vadd.s32 v2, v5;
	v8 =	vshll.u32 v8, $0x2  }
0xea: {  	v2 =	vld [tilespmem:s18+$0xB80];
	v5 =	vshll.u32 v5, $0x4;
	v8 =	vadd.s32 v8, v9;
	v9 =	vshll.u32 v4, $0x1  }
0xeb: {  	v4 =	vld [tilespmem:s18+$0x900];
	v8 =	vadd.s32 v8, v5;
	v7 =	vadd.s32 v9, v7  }
0xec: {  	s19 =	sadd.s32 $0x40, s19;
	v5 =	vld [tilespmem:s18+$0x800];
	v7 =	vadd.s32 v8, v7  }
0xed: {  	v8 =	vld [tilespmem:s18+$0x880];
	v7 =	vshll.u32 v7, $0x1  }
0xee: {  	v9 =	vld [tilespmem:s18+$0x980];
	v6 =	vadd.s32 v6, v7  }
0xef: {  	v7 =	vld [tilespmem:s18+$0xA00];
	[tilespmem:s17+$0x3100] =	vst v6;
	v10 =	vadd.s32 $0xFFFFFFFF, v6;
	v12 =	vadd.s32 $0x3, v6;
	v14 =	vmul.u32 $0x5, v6  }
0xf0: {  	v11 =	vld [tilespmem:s18+$0xA80];
	v10 =	vand.u32 $0xFFFFF, v10;
	v12 =	vand.u32 $0xFFFFF, v12  }
0xf1: {  	v13 =	vld [tilespmem:s18+$0xB00];
	[tilespmem:s17+$0x3B00] =	vst v10;
	v50 =	vor.u32 $0x100000, v12;
	v14 =	vand.u32 $0xFFFFF, v14  }
0xf2: {  	v5 =	vshll.u32 v5, $0x2;
	v51 =	vld [tilespmem:s18+$0x1800];
	[tilespmem:s17+$0x3500] =	vst v50;
	v52 =	vor.u32 $0x100000, v14;
	v8 =	vshll.u32 v8, $0x1  }
0xf3: {  	v54 =	vadd.s32 $0x100000, v6;
	v6 =	vshra.s32 v6, $0x1;
	v53 =	vld [tilespmem:s18+$0x1880];
	[tilespmem:s17+$0x3900] =	vst v52;
	v5 =	vadd.s32 v5, v8  }
0xf4: {  	v7 =	vshll.u32 v7, $0x2;
	v15 =	vld [tilespmem:s18+$0x1900];
	[tilespmem:s17+$0x3300] =	vst v54;
	v4 =	vadd.s32 v4, v5;
	v5 =	vshll.u32 v9, $0x3  }
0xf5: {  	v8 =	vld [tilespmem:s18+$0x1A00];
	v4 =	vshll.u32 v4, $0x4;
	v5 =	vadd.s32 v7, v5;
	v7 =	vshll.u32 v11, $0x1;
	[tilespmem:s17+$0x3700] =	vst v6  }
0xf6: {  	v4 =	vadd.s32 v5, v4;
	v5 =	vadd.s32 v7, v13;
	v6 =	vld [tilespmem:s18+$0x1A80]  }
0xf7: {  	v2 =	vshll.u32 v2, $0x3;
	v7 =	vld [tilespmem:s18+$0x1B00];
	v4 =	vadd.s32 v4, v5;
	v5 =	vshll.u32 v51, $0x2  }
0xf8: {  	v55 =	vld [tilespmem:s18+$0x2800];
	v4 =	vshll.u32 v4, $0x4;
	v2 =	vadd.s32 v5, v2;
	v5 =	vshll.u32 v53, $0x1  }
0xf9: {  	v2 =	vadd.s32 v2, v4;
	v4 =	vadd.s32 v5, v15;
	v5 =	vld [tilespmem:s18+$0x2880]  }
0xfa: {  	v1 =	vshll.u32 v1, $0x3;
	v2 =	vadd.s32 v2, v4;
	v4 =	vshll.u32 v8, $0x2;
	v8 =	vld [tilespmem:s18+$0x2900]  }
0xfb: {  	v2 =	vshll.u32 v2, $0x4;
	v1 =	vadd.s32 v4, v1;
	v4 =	vshll.u32 v6, $0x1  }
0xfc: {  	v1 =	vadd.s32 v1, v2;
	v2 =	vadd.s32 v4, v7  }
0xfd: {  	v4 =	vld [tilespmem:s18+$0x2980];
	v1 =	vadd.s32 v1, v2;
	v2 =	vshll.u32 v3, $0x3;
	v3 =	vshll.u32 v55, $0x2  }
0xfe: {  	v1 =	vshll.u32 v1, $0x4;
	v2 =	vadd.s32 v3, v2;
	v3 =	vshll.u32 v5, $0x1  }
0xff: {  	v1 =	vadd.s32 v2, v1;
	v2 =	vadd.s32 v3, v8  }
0x100: {  	v1 =	vadd.s32 v1, v2  }
0x101: {  	v1 =	vshll.u32 v1, $0x1  }
0x102: {  	v1 =	vadd.s32 v4, v1  }
0x103: {  	v2 =	vadd.s32 $0x3, v1;
	v3 =	vmul.u32 $0x5, v1;
	v4 =	vadd.s32 $0xFFFFFFFF, v1  }
0x104: {  	[tilespmem:s18+$0x3100] =	vst v1;
	v2 =	vand.u32 $0xFFFFF, v2;
	v4 =	vand.u32 $0xFFFFF, v4  }
0x105: {  	v2 =	vor.u32 $0x100000, v2;
	v3 =	vand.u32 $0xFFFFF, v3;
	[tilespmem:s18+$0x3B00] =	vst v4  }
0x106: {  	[tilespmem:s18+$0x3500] =	vst v2;
	v2 =	vor.u32 $0x100000, v3  }
0x107: {  	v3 =	vadd.s32 $0x100000, v1;
	[tilespmem:s18+$0x3900] =	vst v2  }
0x108: {  	v1 =	vshra.s32 v1, $0x1;
	[tilespmem:s18+$0x3300] =	vst v3  }
0x109: {  	s19 =	simm.s32 $0x3D00;
	[tilespmem:s18+$0x3700] =	vst v1;
	s18 =	simm.s32 $0x3100  }
0x10a: {  	[tilespmem:s19], [sflag:$0x3] =	stream.indirect.gather [hbm4b:s3+s10], $0x1, s18, s10, $0xb8;
	[tilespmem:$0x4C00] =	vst v63  }
0x10b: {  	s18 =	simm.s32 $0x3300;
	s19 =	simm.s32 $0x3F00  }
0x10c: {  	[tilespmem:s19], [sflag:$0x3] =	stream.indirect.gather [hbm4b:s3+s10], $0x1, s18, s10, $0xb8;
	[tilespmem:$0x4C00] =	vst v63  }
0x10d: {  	s18 =	simm.s32 $0x3500;
	s19 =	simm.s32 $0x4100  }
0x10e: {  	[tilespmem:s19], [sflag:$0x3] =	stream.indirect.gather [hbm4b:s3+s10], $0x1, s18, s10, $0xb8;
	[tilespmem:$0x4C00] =	vst v63  }
0x10f: {  	s18 =	simm.s32 $0x3700;
	s19 =	simm.s32 $0x4300  }
0x110: {  	[tilespmem:s19], [sflag:$0x3] =	stream.indirect.gather [hbm4b:s3+s10], $0x1, s18, s10, $0xb8;
	[tilespmem:$0x4C00] =	vst v63  }
0x111: {  	s19 =	simm.s32 $0x3900  }
0x112: {  	[tilespmem:s20], [sflag:$0x3] =	stream.indirect.gather [hbm4b:s3+s10], $0x1, s19, s10, $0xb8;
	[tilespmem:$0x4C00] =	vst v63  }
0x113: {  	s17 =	simm.s32 $0x0  }
0x114: {  	[tilespmem:s22], [sflag:$0x3] =	stream.indirect.gather [hbm4b:s3+s10], $0x1, s21, s10, $0xb8;
	[tilespmem:$0x4C00] =	vst v63  }
0x115: {  	v2 =	vld [tilespmem:s17+$0x1F80]  }
0x116: {  	v1 =	vld [tilespmem:s17+$0x1D80]  }
0x117: {  	v3 =	vld [tilespmem:s17+$0xF80]  }
0x118: {  	v4 =	vld [tilespmem:s17+$0xD00]  }
0x119: {  	v5 =	vld [tilespmem:s17+$0xC00]  }
0x11a: {  	v6 =	vld [tilespmem:s17+$0xC80]  }
0x11b: {  	v7 =	vld [tilespmem:s17+$0xD80]  }
0x11c: {  	v8 =	vld [tilespmem:s17+$0xE00]  }
0x11d: {  	v56 =	vld [tilespmem:s17+$0xE80]  }
0x11e: {  	v10 =	vld [tilespmem:s17+$0xF00]  }
0x11f: {  	v57 =	vld [tilespmem:s17+$0x1C00];
	v5 =	vshll.u32 v5, $0x2;
	v6 =	vshll.u32 v6, $0x1  }
0x120: {  	v5 =	vadd.s32 v5, v6;
	v6 =	vld [tilespmem:s17+$0x1C80]  }
0x121: {  	v4 =	vadd.s32 v4, v5;
	v5 =	vshll.u32 v7, $0x3;
	v7 =	vshll.u32 v8, $0x2;
	v8 =	vld [tilespmem:s17+$0x1D00]  }
0x122: {  	v58 =	vld [tilespmem:s17+$0x1E00];
	v4 =	vshll.u32 v4, $0x4;
	v5 =	vadd.s32 v7, v5;
	v7 =	vshll.u32 v56, $0x1  }
0x123: {  	v4 =	vadd.s32 v5, v4;
	v5 =	vadd.s32 v7, v10;
	v7 =	vld [tilespmem:s17+$0x1E80]  }
0x124: {  	v59 =	vld [tilespmem:s17+$0x1F00];
	v3 =	vshll.u32 v3, $0x3;
	v4 =	vadd.s32 v4, v5;
	v5 =	vshll.u32 v57, $0x2  }
0x125: {  	v60 =	vld [tilespmem:s17+$0x2C00];
	v4 =	vshll.u32 v4, $0x4;
	v3 =	vadd.s32 v5, v3;
	v5 =	vshll.u32 v6, $0x1  }
0x126: {  	v3 =	vadd.s32 v3, v4;
	v4 =	vadd.s32 v5, v8;
	v5 =	vld [tilespmem:s17+$0x2C80]  }
0x127: {  	v1 =	vshll.u32 v1, $0x3;
	v8 =	vld [tilespmem:s17+$0x2D00];
	v3 =	vadd.s32 v3, v4;
	v4 =	vshll.u32 v58, $0x2  }
0x128: {  	s18 =	simm.s32 $0x10;
	v6 =	vld [tilespmem:s17+$0x2D80];
	v61 =	vshll.u32 v3, $0x4;
	v1 =	vadd.s32 v4, v1;
	v4 =	vshll.u32 v7, $0x1  }
0x129: {  	v3 =	vld [tilespmem:s18+$0x1F80];
	v7 =	vadd.s32 v1, v61;
	v4 =	vadd.s32 v4, v59  }
0x12a: {  	v62 =	vshll.u32 v60, $0x2;
	v1 =	vld [tilespmem:s18+$0x1D80];
	v4 =	vadd.s32 v7, v4;
	v7 =	vshll.u32 v2, $0x3  }
0x12b: {  	v2 =	vld [tilespmem:s18+$0xF80];
	v63 =	vshll.u32 v4, $0x4;
	v7 =	vadd.s32 v62, v7;
	v5 =	vshll.u32 v5, $0x1  }
0x12c: {  	v4 =	vld [tilespmem:s18+$0xD00];
	v7 =	vadd.s32 v7, v63;
	v8 =	vadd.s32 v5, v8  }
0x12d: {  	s19 =	simm.s32 $0x80;
	v5 =	vld [tilespmem:s18+$0xC00];
	v7 =	vadd.s32 v7, v8  }
.LBB2_8:
0x12e: {  	p0 =	sne.s32 s19, $0x1C0;
	v8 =	vld [tilespmem:s18+$0xC80];
	v7 =	vshll.u32 v7, $0x1;
	v9 =	vmov v3  }
0x12f: {  	v3 =	vld [tilespmem:s18+$0xD80];
	v6 =	vadd.s32 v6, v7  }
0x130: {  	v7 =	vld [tilespmem:s18+$0xE00];
	[tilespmem:s17+$0x3180] =	vst v6;
	v10 =	vadd.s32 $0x3, v6;
	v11 =	vmul.u32 $0x5, v6;
	v12 =	vadd.s32 $0xFFFFFFFF, v6  }
0x131: {  	v14 =	vadd.s32 $0x100000, v6;
	v13 =	vld [tilespmem:s18+$0xE80];
	v10 =	vand.u32 $0xFFFFF, v10;
	v12 =	vand.u32 $0xFFFFF, v12  }
0x132: {  	v6 =	vshra.s32 v6, $0x1;
	v15 =	vld [tilespmem:s18+$0xF00];
	v10 =	vor.u32 $0x100000, v10;
	v11 =	vand.u32 $0xFFFFF, v11;
	[tilespmem:s17+$0x3B80] =	vst v12  }
0x133: {  	v5 =	vshll.u32 v5, $0x2;
	v8 =	vshll.u32 v8, $0x1;
	v12 =	vld [tilespmem:s18+$0x1C00];
	[tilespmem:s17+$0x3580] =	vst v10;
	v10 =	vor.u32 $0x100000, v11  }
0x134: {  	v5 =	vadd.s32 v5, v8;
	v8 =	vld [tilespmem:s18+$0x1C80];
	[tilespmem:s17+$0x3980] =	vst v10  }
0x135: {  	v3 =	vshll.u32 v3, $0x3;
	v4 =	vadd.s32 v4, v5;
	v5 =	vshll.u32 v7, $0x2;
	v7 =	vld [tilespmem:s18+$0x1D00];
	[tilespmem:s17+$0x3380] =	vst v14  }
0x136: {  	v4 =	vshll.u32 v4, $0x4;
	v3 =	vadd.s32 v5, v3;
	v5 =	vshll.u32 v13, $0x1;
	v10 =	vld [tilespmem:s18+$0x1E00];
	[tilespmem:s17+$0x3780] =	vst v6;
	s17 =	smov.u32 s18  }
0x137: {  	v3 =	vadd.s32 v3, v4;
	v4 =	vadd.s32 v5, v15;
	v5 =	vld [tilespmem:s17+$0x1E80]  }
0x138: {  	v2 =	vshll.u32 v2, $0x3;
	v3 =	vadd.s32 v3, v4;
	v4 =	vshll.u32 v12, $0x2;
	v11 =	vld [tilespmem:s17+$0x1F00]  }
0x139: {  	v3 =	vshll.u32 v3, $0x4;
	v2 =	vadd.s32 v4, v2;
	v4 =	vshll.u32 v8, $0x1;
	v8 =	vld [tilespmem:s17+$0x2C00]  }
0x13a: {  	v2 =	vadd.s32 v2, v3;
	v3 =	vadd.s32 v4, v7;
	v4 =	vld [tilespmem:s17+$0x2C80]  }
0x13b: {  	v1 =	vshll.u32 v1, $0x3;
	v2 =	vadd.s32 v2, v3;
	v3 =	vshll.u32 v10, $0x2;
	v7 =	vld [tilespmem:s17+$0x2D00]  }
0x13c: {  	s18 =	sshra.s32 s19, $0x2;
	v2 =	vshll.u32 v2, $0x4;
	v1 =	vadd.s32 v3, v1;
	v5 =	vshll.u32 v5, $0x1;
	v6 =	vld [tilespmem:s17+$0x2D80]  }
.Ltmp3:
0x13d: {  	v3 =	vld [tilespmem:s18+$0x1F80];
	v2 =	vadd.s32 v1, v2;
	v5 =	vadd.s32 v5, v11;
	(pc) =	sbr.rel @p0 .LBB2_8-.Ltmp3, $4  }
0x13e: {  	v9 =	vshll.u32 v9, $0x3;
	v1 =	vld [tilespmem:s18+$0x1D80];
	v5 =	vadd.s32 v2, v5;
	v8 =	vshll.u32 v8, $0x2  }
0x13f: {  	v2 =	vld [tilespmem:s18+$0xF80];
	v5 =	vshll.u32 v5, $0x4;
	v8 =	vadd.s32 v8, v9;
	v9 =	vshll.u32 v4, $0x1  }
0x140: {  	v4 =	vld [tilespmem:s18+$0xD00];
	v8 =	vadd.s32 v8, v5;
	v7 =	vadd.s32 v9, v7  }
0x141: {  	s19 =	sadd.s32 $0x40, s19;
	v5 =	vld [tilespmem:s18+$0xC00];
	v7 =	vadd.s32 v8, v7  }
0x142: {  	v8 =	vld [tilespmem:s18+$0xC80];
	v7 =	vshll.u32 v7, $0x1  }
0x143: {  	v9 =	vld [tilespmem:s18+$0xD80];
	v6 =	vadd.s32 v6, v7  }
0x144: {  	v58 =	vld [tilespmem:s18+$0xE00];
	[tilespmem:s17+$0x3180] =	vst v6;
	v10 =	vadd.s32 $0xFFFFFFFF, v6;
	v12 =	vadd.s32 $0x3, v6;
	v14 =	vmul.u32 $0x5, v6  }
0x145: {  	v11 =	vld [tilespmem:s18+$0xE80];
	v10 =	vand.u32 $0xFFFFF, v10;
	v12 =	vand.u32 $0xFFFFF, v12  }
0x146: {  	v13 =	vld [tilespmem:s18+$0xF00];
	[tilespmem:s17+$0x3B80] =	vst v10;
	v59 =	vor.u32 $0x100000, v12;
	v14 =	vand.u32 $0xFFFFF, v14  }
0x147: {  	v5 =	vshll.u32 v5, $0x2;
	v60 =	vld [tilespmem:s18+$0x1C00];
	[tilespmem:s17+$0x3580] =	vst v59;
	v61 =	vor.u32 $0x100000, v14;
	v8 =	vshll.u32 v8, $0x1  }
0x148: {  	v63 =	vadd.s32 $0x100000, v6;
	v6 =	vshra.s32 v6, $0x1;
	v62 =	vld [tilespmem:s18+$0x1C80];
	[tilespmem:s17+$0x3980] =	vst v61;
	v5 =	vadd.s32 v5, v8  }
0x149: {  	v18 =	vshll.u32 v9, $0x3;
	v7 =	vshll.u32 v58, $0x2;
	v15 =	vld [tilespmem:s18+$0x1D00];
	[tilespmem:s17+$0x3380] =	vst v63;
	v4 =	vadd.s32 v4, v5  }
0x14a: {  	v5 =	vadd.s32 v7, v18;
	v19 =	vld [tilespmem:s18+$0x1E00];
	v4 =	vshll.u32 v4, $0x4;
	v20 =	vshll.u32 v11, $0x1;
	[tilespmem:s17+$0x3780] =	vst v6  }
0x14b: {  	v4 =	vadd.s32 v5, v4;
	v21 =	vadd.s32 v20, v13;
	v6 =	vld [tilespmem:s18+$0x1E80]  }
0x14c: {  	v2 =	vshll.u32 v2, $0x3;
	v23 =	vld [tilespmem:s18+$0x1F00];
	v4 =	vadd.s32 v4, v21;
	v22 =	vshll.u32 v60, $0x2  }
0x14d: {  	v25 =	vld [tilespmem:s18+$0x2C00];
	v4 =	vshll.u32 v4, $0x4;
	v2 =	vadd.s32 v22, v2;
	v24 =	vshll.u32 v62, $0x1  }
0x14e: {  	v27 =	vld [tilespmem:s18+$0x2C80];
	v2 =	vadd.s32 v2, v4;
	v26 =	vadd.s32 v24, v15  }
0x14f: {  	v1 =	vshll.u32 v1, $0x3;
	v29 =	vld [tilespmem:s18+$0x2D00];
	v2 =	vadd.s32 v2, v26;
	v28 =	vshll.u32 v19, $0x2  }
0x150: {  	v2 =	vshll.u32 v2, $0x4;
	v1 =	vadd.s32 v28, v1;
	v30 =	vshll.u32 v6, $0x1  }
0x151: {  	v1 =	vadd.s32 v1, v2;
	v2 =	vadd.s32 v30, v23  }
0x152: {  	v31 =	vld [tilespmem:s18+$0x2D80];
	v1 =	vadd.s32 v1, v2;
	v2 =	vshll.u32 v3, $0x3;
	v3 =	vshll.u32 v25, $0x2  }
0x153: {  	v1 =	vshll.u32 v1, $0x4;
	v2 =	vadd.s32 v3, v2;
	v3 =	vshll.u32 v27, $0x1  }
0x154: {  	v1 =	vadd.s32 v2, v1;
	v2 =	vadd.s32 v3, v29  }
0x155: {  	v1 =	vadd.s32 v1, v2  }
0x156: {  	v1 =	vshll.u32 v1, $0x1  }
0x157: {  	v1 =	vadd.s32 v31, v1  }
0x158: {  	v2 =	vadd.s32 $0x3, v1;
	v3 =	vmul.u32 $0x5, v1;
	v4 =	vadd.s32 $0xFFFFFFFF, v1  }
0x159: {  	[tilespmem:s18+$0x3180] =	vst v1;
	v2 =	vand.u32 $0xFFFFF, v2;
	v4 =	vand.u32 $0xFFFFF, v4  }
0x15a: {  	v2 =	vor.u32 $0x100000, v2;
	v3 =	vand.u32 $0xFFFFF, v3;
	[tilespmem:s18+$0x3B80] =	vst v4  }
0x15b: {  	[tilespmem:s18+$0x3580] =	vst v2;
	v2 =	vor.u32 $0x100000, v3  }
0x15c: {  	v3 =	vadd.s32 $0x100000, v1;
	[tilespmem:s18+$0x3980] =	vst v2  }
0x15d: {  	v1 =	vshra.s32 v1, $0x1;
	[tilespmem:s18+$0x3380] =	vst v3  }
0x15e: {  	[tilespmem:s18+$0x3780] =	vst v1  }
0x15f: {  	[tilespmem:s24], [sflag:$0x4] =	stream.indirect.gather [hbm4b:s3+s10], $0x1, s23, s10, $0xb8;
	[tilespmem:$0x4C00] =	vst v63  }
0x160: {  	_ = 	snop  }
0x161: {  	[tilespmem:s26], [sflag:$0x4] =	stream.indirect.gather [hbm4b:s3+s10], $0x1, s25, s10, $0xb8;
	[tilespmem:$0x4C00] =	vst v63  }
0x162: {  	_ = 	snop  }
0x163: {  	[tilespmem:s29], [sflag:$0x4] =	stream.indirect.gather [hbm4b:s3+s10], $0x1, s28, s10, $0xb8;
	[tilespmem:$0x4C00] =	vst v63  }
0x164: {  	_ = 	snop  }
0x165: {  	[tilespmem:s31], [sflag:$0x4] =	stream.indirect.gather [hbm4b:s3+s10], $0x1, s30, s10, $0xb8;
	[tilespmem:$0x4C00] =	vst v63  }
0x166: {  	_ = 	snop  }
0x167: {  	[tilespmem:s1], [sflag:$0x4] =	stream.indirect.gather [hbm4b:s3+s10], $0x1, s0, s10, $0xb8;
	[tilespmem:$0x4C00] =	vst v63  }
0x168: {  	_ = 	snop  }
0x169: {  	[tilespmem:s8], [sflag:$0x4] =	stream.indirect.gather [hbm4b:s3+s10], $0x1, s7, s10, $0xb8;
	[tilespmem:$0x4C00] =	vst v63  }
0x16a: {  	_ =	swait.ge [sflag:s11], $0x80  }
0x16b: {  	[sflag:s11] =	ssyncset.done $0x0  }
0x16c: {  	[sflag:s11] =	ssyncadd.s32 $0xFFFFFF80  }
0x16d: {  	_ =	swait.ge [sflag:s11], $0x80  }
0x16e: {  	[sflag:s11] =	ssyncset.done $0x0  }
0x16f: {  	[sflag:s11] =	ssyncadd.s32 $0xFFFFFF80  }
0x170: {  	_ =	swait.ge [sflag:s11], $0x80  }
0x171: {  	[sflag:s11] =	ssyncset.done $0x0  }
0x172: {  	[sflag:s11] =	ssyncadd.s32 $0xFFFFFF80  }
0x173: {  	_ =	swait.ge [sflag:s11], $0x80  }
0x174: {  	[sflag:s11] =	ssyncset.done $0x0  }
0x175: {  	[sflag:s11] =	ssyncadd.s32 $0xFFFFFF80  }
0x176: {  	_ =	swait.ge [sflag:s11], $0x80  }
0x177: {  	[sflag:s11] =	ssyncset.done $0x0  }
0x178: {  	[sflag:s11] =	ssyncadd.s32 $0xFFFFFF80  }
0x179: {  	_ =	swait.ge [sflag:s11], $0x80  }
0x17a: {  	[sflag:s11] =	ssyncset.done $0x0  }
0x17b: {  	[sflag:s11] =	ssyncadd.s32 $0xFFFFFF80  }
0x17c: {  	v1 =	vld [tilespmem:$0x3C00]  }
0x17d: {  	v2 =	vld [tilespmem:$0x3E00]  }
0x17e: {  	v3 =	vld [tilespmem:$0x4000]  }
0x17f: {  	v32 =	vld [tilespmem:$0x4200]  }
0x180: {  	v33 =	vld [tilespmem:$0x4400]  }
0x181: {  	v34 =	vld [tilespmem:$0x4600]  }
0x182: {  	v35 =	vld [tilespmem:$0x3C10]  }
0x183: {  	v36 =	vld [tilespmem:$0x3E10]  }
0x184: {  	v37 =	vld [tilespmem:$0x4010]  }
0x185: {  	v38 =	vld [tilespmem:$0x4210]  }
0x186: {  	v39 =	vld [tilespmem:$0x4410]  }
0x187: {  	v40 =	vld [tilespmem:$0x4610]  }
0x188: {  	v41 =	vld [tilespmem:$0x3C20]  }
0x189: {  	v42 =	vld [tilespmem:$0x3E20]  }
0x18a: {  	v43 =	vld [tilespmem:$0x4020]  }
0x18b: {  	v16 =	vld [tilespmem:$0x4220]  }
0x18c: {  	v17 =	vld [tilespmem:$0x4420]  }
0x18d: {  	v18 =	vld [tilespmem:$0x4620]  }
0x18e: {  	v44 =	vld [tilespmem:$0x3C30]  }
0x18f: {  	v45 =	vld [tilespmem:$0x3E30]  }
0x190: {  	v19 =	vld [tilespmem:$0x4030]  }
0x191: {  	v20 =	vld [tilespmem:$0x4230];
	(erf) = vrcp.f32 v32  }
0x192: {  	v46 =	vld [tilespmem:$0x4430];
	(erf) = vrcp.f32 v33  }
0x193: {  	v47 =	vld [tilespmem:$0x4630]  }
0x194: {  	v21 =	vld [tilespmem:$0x3C40];
	(erf) = vrcp.f32 v38  }
0x195: {  	v48 =	vld [tilespmem:$0x3E40]  }
0x196: {  	v49 =	vld [tilespmem:$0x4040];
	(erf) = vrcp.f32 v39  }
0x197: {  	v63 =	vld [tilespmem:$0x3E50];
	v2 =	vmul.f32 v2, v0;
	(erf) = vrcp.f32 v16  }
0x198: {  	v22 =	vld [tilespmem:$0x4240];
	v1 =	vadd.f32 v1, v1;
	v8 =	vmul.f32 v36, v0;
	(erf) = vrcp.f32 v17  }
0x199: {  	v24 =	vld [tilespmem:$0x4440];
	v7 =	vadd.f32 v35, v35;
	v14 =	vmul.f32 v42, v0;
	v5 =	vmul.f32 v45, v0  }
0x19a: {  	v50 =	vld [tilespmem:$0x4250];
	v31 =	vmul.f32 v48, v0;
	v1 =	vmul.f32 v3, v1;
	v3 =	vpop (erf)  }
0x19b: {  	v52 =	vld [tilespmem:$0x4450];
	v7 =	vmul.f32 v37, v7;
	v23 =	vpop (erf);
	(erf) = vrcp.f32 v20  }
0x19c: {  	v55 =	vld [tilespmem:$0x3C50];
	v37 =	vmul.f32 v63, v0;
	(erf) = vrcp.f32 v46  }
0x19d: {  	v57 =	vld [tilespmem:$0x4260];
	v4 =	vadd.f32 v44, v44;
	v1 =	vmul.f32 v3, v1;
	v2 =	vmul.f32 v23, v2;
	v51 =	vpop (erf)  }
0x19e: {  	v59 =	vld [tilespmem:$0x4460];
	v28 =	vadd.f32 v21, v21;
	v53 =	vmul.f32 v51, v7;
	(erf) = vrcp.f32 v22  }
0x19f: {  	v61 =	vld [tilespmem:$0x4270];
	v54 =	vpop (erf);
	[tilespmem:$0x4800] =	vst v1;
	v1 =	vmul.f32 v19, v4;
	(erf) = vrcp.f32 v24  }
0x1a0: {  	v62 =	vld [tilespmem:$0x4470];
	v4 =	vmul.f32 v49, v28;
	v58 =	vpop (erf);
	(erf) = vrcp.f32 v50  }
0x1a1: {  	v56 =	vadd.f32 v41, v41;
	v38 =	vld [tilespmem:$0x3E70];
	v2 =	vmul.f32 v2, v34;
	v60 =	vpop (erf);
	(erf) = vrcp.f32 v52  }
0x1a2: {  	v22 =	vld [tilespmem:$0x4050];
	v7 =	vmul.f32 v54, v8;
	(erf) = vrcp.f32 v57  }
0x1a3: {  	v27 =	vld [tilespmem:$0x3C60];
	v8 =	vmul.f32 v43, v56;
	(erf) = vrcp.f32 v59  }
0x1a4: {  	v29 =	vld [tilespmem:$0x3E60];
	v14 =	vmul.f32 v60, v14;
	v24 =	vpop (erf);
	(erf) = vrcp.f32 v61  }
0x1a5: {  	v32 =	vld [tilespmem:$0x4060];
	v34 =	vadd.f32 v55, v55;
	[tilespmem:$0x4810] =	vst v53;
	v7 =	vmul.f32 v7, v40;
	v26 =	vpop (erf);
	(erf) = vrcp.f32 v62  }
0x1a6: {  	v3 =	vld [tilespmem:$0x4640];
	v50 =	vmul.f32 v38, v0;
	v8 =	vmul.f32 v58, v8;
	[tilespmem:$0x4880] =	vst v2  }
0x1a7: {  	v35 =	vld [tilespmem:$0x3C70];
	v14 =	vmul.f32 v14, v18;
	[tilespmem:$0x4890] =	vst v7;
	v39 =	vmul.f32 v22, v34;
	v30 =	vpop (erf)  }
0x1a8: {  	v25 =	vld [tilespmem:$0x4650];
	[tilespmem:$0x4820] =	vst v8;
	v1 =	vmul.f32 v24, v1;
	v2 =	vmul.f32 v26, v5;
	v33 =	vpop (erf)  }
0x1a9: {  	v41 =	vld [tilespmem:$0x4070];
	[tilespmem:$0x48A0] =	vst v14;
	v4 =	vmul.f32 v30, v4;
	v7 =	vmul.f32 v33, v31;
	v36 =	vpop (erf)  }
0x1aa: {  	v42 =	vld [tilespmem:$0x4660];
	v43 =	vadd.f32 v27, v27;
	v5 =	vmul.f32 v29, v0;
	[tilespmem:$0x4830] =	vst v1;
	v2 =	vmul.f32 v2, v47;
	v40 =	vpop (erf)  }
0x1ab: {  	[tilespmem:$0x4840] =	vst v4;
	v1 =	vmul.f32 v7, v3;
	v3 =	vmul.f32 v40, v37;
	v44 =	vpop (erf)  }
0x1ac: {  	v48 =	vadd.f32 v35, v35;
	v45 =	vmul.f32 v32, v43;
	v47 =	vld [tilespmem:$0x4670];
	[tilespmem:$0x48B0] =	vst v2;
	v2 =	vmul.f32 v36, v39;
	v46 =	vpop (erf)  }
0x1ad: {  	v3 =	vmul.f32 v3, v25;
	[tilespmem:$0x48C0] =	vst v1;
	v1 =	vmul.f32 v46, v5;
	v49 =	vpop (erf)  }
0x1ae: {  	v51 =	vmul.f32 v41, v48;
	[tilespmem:$0x4850] =	vst v2;
	v2 =	vmul.f32 v44, v45;
	v52 =	vpop (erf)  }
0x1af: {  	[tilespmem:$0x48D0] =	vst v3;
	v1 =	vmul.f32 v1, v42;
	v3 =	vmul.f32 v52, v50  }
0x1b0: {  	[tilespmem:$0x4860] =	vst v2;
	v2 =	vmul.f32 v49, v51  }
0x1b1: {  	[tilespmem:$0x48E0] =	vst v1;
	v1 =	vmul.f32 v3, v47  }
0x1b2: {  	[tilespmem:$0x4870] =	vst v2  }
0x1b3: {  	[tilespmem:$0x48F0] =	vst v1  }
0x1b4: {  	_ =	swait.ge [sflag:s12], $0x80  }
0x1b5: {  	[sflag:s12] =	ssyncset.done $0x0  }
0x1b6: {  	[sflag:s12] =	ssyncadd.s32 $0xFFFFFF80  }
0x1b7: {  	_ =	swait.ge [sflag:s12], $0x80  }
0x1b8: {  	[sflag:s12] =	ssyncset.done $0x0  }
0x1b9: {  	[sflag:s12] =	ssyncadd.s32 $0xFFFFFF80  }
0x1ba: {  	_ =	swait.ge [sflag:s12], $0x80  }
0x1bb: {  	[sflag:s12] =	ssyncset.done $0x0  }
0x1bc: {  	[sflag:s12] =	ssyncadd.s32 $0xFFFFFF80  }
0x1bd: {  	_ =	swait.ge [sflag:s12], $0x80  }
0x1be: {  	[sflag:s12] =	ssyncset.done $0x0  }
0x1bf: {  	[sflag:s12] =	ssyncadd.s32 $0xFFFFFF80  }
0x1c0: {  	_ =	swait.ge [sflag:s12], $0x80  }
0x1c1: {  	[sflag:s12] =	ssyncset.done $0x0  }
0x1c2: {  	[sflag:s12] =	ssyncadd.s32 $0xFFFFFF80  }
0x1c3: {  	_ =	swait.ge [sflag:s12], $0x80  }
0x1c4: {  	[sflag:s12] =	ssyncset.done $0x0  }
0x1c5: {  	[sflag:s12] =	ssyncadd.s32 $0xFFFFFF80  }
0x1c6: {  	v1 =	vld [tilespmem:$0x3C80]  }
0x1c7: {  	v2 =	vld [tilespmem:$0x3E80]  }
0x1c8: {  	v3 =	vld [tilespmem:$0x4080]  }
0x1c9: {  	v53 =	vld [tilespmem:$0x4280]  }
0x1ca: {  	v54 =	vld [tilespmem:$0x4480]  }
0x1cb: {  	v55 =	vld [tilespmem:$0x4680]  }
0x1cc: {  	v56 =	vld [tilespmem:$0x3C90]  }
0x1cd: {  	v57 =	vld [tilespmem:$0x3E90]  }
0x1ce: {  	v58 =	vld [tilespmem:$0x4090]  }
0x1cf: {  	v59 =	vld [tilespmem:$0x4290]  }
0x1d0: {  	v60 =	vld [tilespmem:$0x4490]  }
0x1d1: {  	v61 =	vld [tilespmem:$0x4690]  }
0x1d2: {  	v62 =	vld [tilespmem:$0x3CA0]  }
0x1d3: {  	v63 =	vld [tilespmem:$0x3EA0]  }
0x1d4: {  	v28 =	vld [tilespmem:$0x40A0]  }
0x1d5: {  	v29 =	vld [tilespmem:$0x42A0]  }
0x1d6: {  	v30 =	vld [tilespmem:$0x44A0]  }
0x1d7: {  	v31 =	vld [tilespmem:$0x46A0]  }
0x1d8: {  	v32 =	vld [tilespmem:$0x3CB0]  }
0x1d9: {  	v33 =	vld [tilespmem:$0x3EB0]  }
0x1da: {  	v34 =	vld [tilespmem:$0x40B0]  }
0x1db: {  	v35 =	vld [tilespmem:$0x42B0]  }
0x1dc: {  	v36 =	vld [tilespmem:$0x44B0];
	(erf) = vrcp.f32 v53  }
0x1dd: {  	v37 =	vld [tilespmem:$0x46B0];
	(erf) = vrcp.f32 v54  }
0x1de: {  	v38 =	vld [tilespmem:$0x3CC0]  }
0x1df: {  	v39 =	vld [tilespmem:$0x3EC0]  }
0x1e0: {  	v41 =	vld [tilespmem:$0x42C0];
	v2 =	vmul.f32 v2, v0;
	(erf) = vrcp.f32 v59  }
0x1e1: {  	v8 =	vmul.f32 v57, v0;
	v57 =	vld [tilespmem:$0x3ED0];
	(erf) = vrcp.f32 v60  }
0x1e2: {  	v43 =	vld [tilespmem:$0x44C0];
	v1 =	vadd.f32 v1, v1;
	v14 =	vmul.f32 v63, v0;
	(erf) = vrcp.f32 v29  }
0x1e3: {  	v7 =	vadd.f32 v56, v56;
	v5 =	vmul.f32 v33, v0;
	(erf) = vrcp.f32 v30;
	v30 =	vld [tilespmem:$0x3EF0]  }
0x1e4: {  	v44 =	vld [tilespmem:$0x42D0];
	v23 =	vmul.f32 v39, v0;
	v1 =	vmul.f32 v3, v1  }
0x1e5: {  	v46 =	vld [tilespmem:$0x44D0];
	v7 =	vmul.f32 v58, v7;
	v3 =	vpop (erf);
	(erf) = vrcp.f32 v35  }
0x1e6: {  	v49 =	vld [tilespmem:$0x3CD0];
	v29 =	vmul.f32 v57, v0;
	v42 =	vpop (erf);
	(erf) = vrcp.f32 v36  }
0x1e7: {  	v51 =	vld [tilespmem:$0x42E0];
	v1 =	vmul.f32 v3, v1;
	v2 =	vmul.f32 v42, v2  }
0x1e8: {  	v53 =	vld [tilespmem:$0x44E0];
	(erf) = vrcp.f32 v41;
	v42 =	vmul.f32 v30, v0  }
0x1e9: {  	v4 =	vadd.f32 v32, v32;
	v45 =	vpop (erf);
	(erf) = vrcp.f32 v43;
	v2 =	vmul.f32 v2, v55;
	v55 =	vld [tilespmem:$0x42F0]  }
0x1ea: {  	v56 =	vld [tilespmem:$0x44F0];
	v47 =	vmul.f32 v45, v7;
	v48 =	vpop (erf);
	(erf) = vrcp.f32 v44  }
0x1eb: {  	v40 =	vld [tilespmem:$0x40C0];
	v50 =	vadd.f32 v62, v62;
	[tilespmem:$0x4900] =	vst v1;
	v1 =	vmul.f32 v34, v4;
	v52 =	vpop (erf);
	(erf) = vrcp.f32 v46  }
0x1ec: {  	v58 =	vld [tilespmem:$0x40D0];
	v7 =	vmul.f32 v48, v8;
	v54 =	vpop (erf);
	(erf) = vrcp.f32 v51  }
0x1ed: {  	v21 =	vld [tilespmem:$0x3EE0];
	v8 =	vmul.f32 v28, v50;
	(erf) = vrcp.f32 v53  }
0x1ee: {  	v24 =	vld [tilespmem:$0x40E0];
	v63 =	vadd.f32 v38, v38;
	v14 =	vmul.f32 v54, v14;
	v59 =	vpop (erf);
	(erf) = vrcp.f32 v55  }
0x1ef: {  	v62 =	vld [tilespmem:$0x3CE0];
	v26 =	vadd.f32 v49, v49;
	[tilespmem:$0x4910] =	vst v47;
	v7 =	vmul.f32 v7, v61;
	v61 =	vpop (erf);
	(erf) = vrcp.f32 v56  }
0x1f0: {  	v3 =	vld [tilespmem:$0x46C0];
	v4 =	vmul.f32 v40, v63;
	v8 =	vmul.f32 v52, v8;
	[tilespmem:$0x4980] =	vst v2  }
0x1f1: {  	v27 =	vld [tilespmem:$0x3CF0];
	v14 =	vmul.f32 v14, v31;
	[tilespmem:$0x4990] =	vst v7;
	v31 =	vmul.f32 v58, v26;
	v22 =	vpop (erf)  }
0x1f2: {  	v60 =	vld [tilespmem:$0x46D0];
	[tilespmem:$0x4920] =	vst v8;
	v1 =	vmul.f32 v59, v1;
	v2 =	vmul.f32 v61, v5;
	v25 =	vpop (erf)  }
0x1f3: {  	v33 =	vld [tilespmem:$0x40F0];
	[tilespmem:$0x49A0] =	vst v14;
	v4 =	vmul.f32 v22, v4;
	v7 =	vmul.f32 v25, v23;
	v28 =	vpop (erf)  }
0x1f4: {  	v35 =	vadd.f32 v62, v62;
	v34 =	vld [tilespmem:$0x46E0];
	v5 =	vmul.f32 v21, v0;
	[tilespmem:$0x4930] =	vst v1;
	v2 =	vmul.f32 v2, v37;
	v32 =	vpop (erf)  }
0x1f5: {  	[tilespmem:$0x4940] =	vst v4;
	v1 =	vmul.f32 v7, v3;
	v3 =	vmul.f32 v32, v29;
	v36 =	vpop (erf)  }
0x1f6: {  	v39 =	vld [tilespmem:$0x46F0];
	v40 =	vadd.f32 v27, v27;
	v37 =	vmul.f32 v24, v35;
	[tilespmem:$0x49B0] =	vst v2;
	v2 =	vmul.f32 v28, v31;
	v38 =	vpop (erf)  }
0x1f7: {  	v3 =	vmul.f32 v3, v60;
	[tilespmem:$0x49C0] =	vst v1;
	v1 =	vmul.f32 v38, v5;
	v41 =	vpop (erf)  }
0x1f8: {  	v43 =	vmul.f32 v33, v40;
	[tilespmem:$0x4950] =	vst v2;
	v2 =	vmul.f32 v36, v37;
	v44 =	vpop (erf)  }
0x1f9: {  	[tilespmem:$0x49D0] =	vst v3;
	v1 =	vmul.f32 v1, v34;
	v3 =	vmul.f32 v44, v42  }
0x1fa: {  	[tilespmem:$0x4960] =	vst v2;
	v2 =	vmul.f32 v41, v43  }
0x1fb: {  	[tilespmem:$0x49E0] =	vst v1;
	v1 =	vmul.f32 v3, v39  }
0x1fc: {  	[tilespmem:$0x4970] =	vst v2  }
0x1fd: {  	[tilespmem:$0x49F0] =	vst v1  }
0x1fe: {  	_ =	swait.ge [sflag:s13], $0x80  }
0x1ff: {  	[sflag:s13] =	ssyncset.done $0x0  }
0x200: {  	[sflag:s13] =	ssyncadd.s32 $0xFFFFFF80  }
0x201: {  	_ =	swait.ge [sflag:s13], $0x80  }
0x202: {  	[sflag:s13] =	ssyncset.done $0x0  }
0x203: {  	[sflag:s13] =	ssyncadd.s32 $0xFFFFFF80  }
0x204: {  	_ =	swait.ge [sflag:s13], $0x80  }
0x205: {  	[sflag:s13] =	ssyncset.done $0x0  }
0x206: {  	[sflag:s13] =	ssyncadd.s32 $0xFFFFFF80  }
0x207: {  	_ =	swait.ge [sflag:s13], $0x80  }
0x208: {  	[sflag:s13] =	ssyncset.done $0x0  }
0x209: {  	[sflag:s13] =	ssyncadd.s32 $0xFFFFFF80  }
0x20a: {  	_ =	swait.ge [sflag:s13], $0x80  }
0x20b: {  	[sflag:s13] =	ssyncset.done $0x0  }
0x20c: {  	[sflag:s13] =	ssyncadd.s32 $0xFFFFFF80  }
0x20d: {  	_ =	swait.ge [sflag:s13], $0x80  }
0x20e: {  	[sflag:s13] =	ssyncset.done $0x0  }
0x20f: {  	[sflag:s13] =	ssyncadd.s32 $0xFFFFFF80  }
0x210: {  	v1 =	vld [tilespmem:$0x3D00]  }
0x211: {  	v2 =	vld [tilespmem:$0x3F00]  }
0x212: {  	v3 =	vld [tilespmem:$0x4100]  }
0x213: {  	v45 =	vld [tilespmem:$0x4300]  }
0x214: {  	v46 =	vld [tilespmem:$0x4500]  }
0x215: {  	v47 =	vld [tilespmem:$0x4700]  }
0x216: {  	v48 =	vld [tilespmem:$0x3D10]  }
0x217: {  	v49 =	vld [tilespmem:$0x3F10]  }
0x218: {  	v50 =	vld [tilespmem:$0x4110]  }
0x219: {  	v51 =	vld [tilespmem:$0x4310]  }
0x21a: {  	v52 =	vld [tilespmem:$0x4510]  }
0x21b: {  	v53 =	vld [tilespmem:$0x4710]  }
0x21c: {  	v54 =	vld [tilespmem:$0x3D20]  }
0x21d: {  	v55 =	vld [tilespmem:$0x3F20]  }
0x21e: {  	v56 =	vld [tilespmem:$0x4120]  }
0x21f: {  	v57 =	vld [tilespmem:$0x4320]  }
0x220: {  	v58 =	vld [tilespmem:$0x4520]  }
0x221: {  	v59 =	vld [tilespmem:$0x4720]  }
0x222: {  	v60 =	vld [tilespmem:$0x3D30]  }
0x223: {  	v61 =	vld [tilespmem:$0x3F30]  }
0x224: {  	v62 =	vld [tilespmem:$0x4130]  }
0x225: {  	v63 =	vld [tilespmem:$0x4330]  }
0x226: {  	v28 =	vld [tilespmem:$0x4530];
	(erf) = vrcp.f32 v45  }
0x227: {  	v30 =	vld [tilespmem:$0x3D40];
	(erf) = vrcp.f32 v46  }
0x228: {  	v31 =	vld [tilespmem:$0x3F40]  }
0x229: {  	v33 =	vld [tilespmem:$0x4340]  }
0x22a: {  	v41 =	vld [tilespmem:$0x3D50];
	v2 =	vmul.f32 v2, v0;
	(erf) = vrcp.f32 v51  }
0x22b: {  	v7 =	vadd.f32 v48, v48;
	v8 =	vmul.f32 v49, v0;
	v49 =	vld [tilespmem:$0x3F50];
	(erf) = vrcp.f32 v52  }
0x22c: {  	v17 =	vld [tilespmem:$0x3F70];
	v1 =	vadd.f32 v1, v1;
	v14 =	vmul.f32 v55, v0;
	(erf) = vrcp.f32 v57  }
0x22d: {  	v7 =	vmul.f32 v50, v7;
	v50 =	vld [tilespmem:$0x4150];
	(erf) = vrcp.f32 v58  }
0x22e: {  	v35 =	vld [tilespmem:$0x4540];
	v5 =	vmul.f32 v61, v0;
	v1 =	vmul.f32 v3, v1  }
0x22f: {  	v36 =	vld [tilespmem:$0x4350];
	v58 =	vmul.f32 v31, v0;
	v3 =	vpop (erf);
	(erf) = vrcp.f32 v63  }
0x230: {  	v38 =	vld [tilespmem:$0x4550];
	v61 =	vadd.f32 v41, v41;
	v16 =	vmul.f32 v49, v0;
	v34 =	vpop (erf);
	(erf) = vrcp.f32 v28  }
0x231: {  	v43 =	vld [tilespmem:$0x4360];
	v31 =	vmul.f32 v17, v0;
	v2 =	vmul.f32 v34, v2  }
0x232: {  	v45 =	vld [tilespmem:$0x4560];
	v20 =	vmul.f32 v50, v61;
	(erf) = vrcp.f32 v33  }
0x233: {  	v37 =	vpop (erf);
	(erf) = vrcp.f32 v35;
	v2 =	vmul.f32 v2, v47;
	v47 =	vld [tilespmem:$0x4370]  }
0x234: {  	v48 =	vld [tilespmem:$0x4570];
	v1 =	vmul.f32 v3, v1;
	v40 =	vpop (erf);
	(erf) = vrcp.f32 v36  }
0x235: {  	v29 =	vld [tilespmem:$0x4730];
	v42 =	vadd.f32 v54, v54;
	v39 =	vmul.f32 v37, v7;
	v44 =	vpop (erf);
	(erf) = vrcp.f32 v38  }
0x236: {  	v32 =	vld [tilespmem:$0x4140];
	v7 =	vmul.f32 v40, v8;
	v46 =	vpop (erf);
	(erf) = vrcp.f32 v43  }
0x237: {  	v54 =	vld [tilespmem:$0x3D60];
	v8 =	vmul.f32 v56, v42;
	(erf) = vrcp.f32 v45  }
0x238: {  	v4 =	vadd.f32 v60, v60;
	v3 =	vld [tilespmem:$0x4740];
	[tilespmem:$0x4A00] =	vst v1;
	v14 =	vmul.f32 v46, v14;
	v51 =	vpop (erf);
	(erf) = vrcp.f32 v47  }
0x239: {  	v55 =	vadd.f32 v30, v30;
	v56 =	vld [tilespmem:$0x3F60];
	[tilespmem:$0x4A10] =	vst v39;
	v7 =	vmul.f32 v7, v53;
	v53 =	vpop (erf);
	(erf) = vrcp.f32 v48  }
0x23a: {  	v1 =	vmul.f32 v62, v4;
	v62 =	vld [tilespmem:$0x3D70];
	v8 =	vmul.f32 v44, v8;
	[tilespmem:$0x4A80] =	vst v2  }
0x23b: {  	v4 =	vmul.f32 v32, v55;
	v14 =	vmul.f32 v14, v59;
	v59 =	vld [tilespmem:$0x4160];
	[tilespmem:$0x4A90] =	vst v7;
	v57 =	vpop (erf)  }
0x23c: {  	v52 =	vld [tilespmem:$0x4750];
	[tilespmem:$0x4A20] =	vst v8;
	v1 =	vmul.f32 v51, v1;
	v2 =	vmul.f32 v53, v5;
	v60 =	vpop (erf)  }
0x23d: {  	v22 =	vld [tilespmem:$0x4170];
	[tilespmem:$0x4AA0] =	vst v14;
	v4 =	vmul.f32 v57, v4;
	v7 =	vmul.f32 v60, v58;
	v63 =	vpop (erf)  }
0x23e: {  	v23 =	vld [tilespmem:$0x4760];
	v24 =	vadd.f32 v54, v54;
	v5 =	vmul.f32 v56, v0;
	[tilespmem:$0x4A30] =	vst v1;
	v2 =	vmul.f32 v2, v29;
	v21 =	vpop (erf)  }
0x23f: {  	[tilespmem:$0x4A40] =	vst v4;
	v1 =	vmul.f32 v7, v3;
	v3 =	vmul.f32 v21, v16;
	v25 =	vpop (erf)  }
0x240: {  	v28 =	vld [tilespmem:$0x4770];
	v26 =	vmul.f32 v59, v24;
	v29 =	vadd.f32 v62, v62;
	[tilespmem:$0x4AB0] =	vst v2;
	v2 =	vmul.f32 v63, v20;
	v27 =	vpop (erf)  }
0x241: {  	v3 =	vmul.f32 v3, v52;
	[tilespmem:$0x4AC0] =	vst v1;
	v1 =	vmul.f32 v27, v5;
	v30 =	vpop (erf)  }
0x242: {  	v32 =	vmul.f32 v22, v29;
	[tilespmem:$0x4A50] =	vst v2;
	v2 =	vmul.f32 v25, v26;
	v33 =	vpop (erf)  }
0x243: {  	[tilespmem:$0x4AD0] =	vst v3;
	v1 =	vmul.f32 v1, v23;
	v3 =	vmul.f32 v33, v31  }
0x244: {  	[tilespmem:$0x4A60] =	vst v2;
	v2 =	vmul.f32 v30, v32  }
0x245: {  	[tilespmem:$0x4AE0] =	vst v1;
	v1 =	vmul.f32 v3, v28  }
0x246: {  	[tilespmem:$0x4A70] =	vst v2  }
0x247: {  	[tilespmem:$0x4AF0] =	vst v1  }
0x248: {  	_ =	swait.ge [sflag:s14], $0x80  }
0x249: {  	[sflag:s14] =	ssyncset.done $0x0  }
0x24a: {  	[sflag:s14] =	ssyncadd.s32 $0xFFFFFF80  }
0x24b: {  	_ =	swait.ge [sflag:s14], $0x80  }
0x24c: {  	[sflag:s14] =	ssyncset.done $0x0  }
0x24d: {  	[sflag:s14] =	ssyncadd.s32 $0xFFFFFF80  }
0x24e: {  	_ =	swait.ge [sflag:s14], $0x80  }
0x24f: {  	[sflag:s14] =	ssyncset.done $0x0  }
0x250: {  	[sflag:s14] =	ssyncadd.s32 $0xFFFFFF80  }
0x251: {  	_ =	swait.ge [sflag:s14], $0x80  }
0x252: {  	[sflag:s14] =	ssyncset.done $0x0  }
0x253: {  	[sflag:s14] =	ssyncadd.s32 $0xFFFFFF80  }
0x254: {  	_ =	swait.ge [sflag:s14], $0x80  }
0x255: {  	[sflag:s14] =	ssyncset.done $0x0  }
0x256: {  	[sflag:s14] =	ssyncadd.s32 $0xFFFFFF80  }
0x257: {  	_ =	swait.ge [sflag:s14], $0x80  }
0x258: {  	[sflag:s14] =	ssyncset.done $0x0  }
0x259: {  	[sflag:s14] =	ssyncadd.s32 $0xFFFFFF80  }
0x25a: {  	v1 =	vld [tilespmem:$0x3D80]  }
0x25b: {  	v2 =	vld [tilespmem:$0x3F80]  }
0x25c: {  	v3 =	vld [tilespmem:$0x4180]  }
0x25d: {  	v34 =	vld [tilespmem:$0x4380]  }
0x25e: {  	v35 =	vld [tilespmem:$0x4580]  }
0x25f: {  	v36 =	vld [tilespmem:$0x4780]  }
0x260: {  	v37 =	vld [tilespmem:$0x3D90]  }
0x261: {  	v38 =	vld [tilespmem:$0x3F90]  }
0x262: {  	v39 =	vld [tilespmem:$0x4190]  }
0x263: {  	v40 =	vld [tilespmem:$0x4390]  }
0x264: {  	v41 =	vld [tilespmem:$0x4590]  }
0x265: {  	v42 =	vld [tilespmem:$0x4790]  }
0x266: {  	v43 =	vld [tilespmem:$0x3DA0]  }
0x267: {  	v44 =	vld [tilespmem:$0x3FA0]  }
0x268: {  	v45 =	vld [tilespmem:$0x41A0]  }
0x269: {  	v46 =	vld [tilespmem:$0x43A0]  }
0x26a: {  	v47 =	vld [tilespmem:$0x45A0]  }
0x26b: {  	v48 =	vld [tilespmem:$0x47A0]  }
0x26c: {  	v49 =	vld [tilespmem:$0x3DB0]  }
0x26d: {  	v50 =	vld [tilespmem:$0x3FB0]  }
0x26e: {  	v51 =	vld [tilespmem:$0x41B0]  }
0x26f: {  	v52 =	vld [tilespmem:$0x43B0]  }
0x270: {  	v53 =	vld [tilespmem:$0x45B0];
	(erf) = vrcp.f32 v34  }
0x271: {  	v54 =	vld [tilespmem:$0x47B0];
	(erf) = vrcp.f32 v35  }
0x272: {  	v55 =	vld [tilespmem:$0x3DC0];
	(erf) = vrcp.f32 v40  }
0x273: {  	v56 =	vld [tilespmem:$0x3FC0]  }
0x274: {  	v57 =	vld [tilespmem:$0x41C0];
	v2 =	vmul.f32 v2, v0  }
0x275: {  	v8 =	vmul.f32 v38, v0;
	v35 =	vld [tilespmem:$0x3FD0];
	(erf) = vrcp.f32 v41  }
0x276: {  	v58 =	vld [tilespmem:$0x43C0];
	v1 =	vadd.f32 v1, v1;
	v14 =	vmul.f32 v44, v0;
	(erf) = vrcp.f32 v46  }
0x277: {  	v60 =	vld [tilespmem:$0x45C0];
	v7 =	vadd.f32 v37, v37;
	v5 =	vmul.f32 v50, v0;
	(erf) = vrcp.f32 v47  }
0x278: {  	v61 =	vld [tilespmem:$0x43D0];
	v44 =	vmul.f32 v56, v0;
	v1 =	vmul.f32 v3, v1  }
0x279: {  	v63 =	vld [tilespmem:$0x45D0];
	v7 =	vmul.f32 v39, v7;
	v3 =	vpop (erf);
	(erf) = vrcp.f32 v52  }
0x27a: {  	v27 =	vld [tilespmem:$0x3DD0];
	v50 =	vmul.f32 v35, v0;
	v59 =	vpop (erf);
	(erf) = vrcp.f32 v53  }
0x27b: {  	v29 =	vld [tilespmem:$0x43E0];
	v4 =	vadd.f32 v49, v49;
	v1 =	vmul.f32 v3, v1;
	v2 =	vmul.f32 v59, v2;
	v62 =	vpop (erf)  }
0x27c: {  	v31 =	vld [tilespmem:$0x45E0];
	v41 =	vadd.f32 v55, v55;
	(erf) = vrcp.f32 v58;
	v25 =	vmul.f32 v62, v7  }
0x27d: {  	v33 =	vld [tilespmem:$0x43F0];
	(erf) = vrcp.f32 v60;
	[tilespmem:$0x4B00] =	vst v1;
	v1 =	vmul.f32 v51, v4  }
0x27e: {  	v34 =	vld [tilespmem:$0x45F0];
	v26 =	vpop (erf);
	v4 =	vmul.f32 v57, v41;
	(erf) = vrcp.f32 v61  }
0x27f: {  	v28 =	vadd.f32 v43, v43;
	v51 =	vld [tilespmem:$0x3FF0];
	v2 =	vmul.f32 v2, v36;
	v30 =	vpop (erf);
	(erf) = vrcp.f32 v63  }
0x280: {  	v7 =	vmul.f32 v26, v8;
	v36 =	vld [tilespmem:$0x41D0];
	v32 =	vpop (erf);
	(erf) = vrcp.f32 v29  }
0x281: {  	v40 =	vld [tilespmem:$0x3DE0];
	v8 =	vmul.f32 v45, v28;
	(erf) = vrcp.f32 v31  }
0x282: {  	v3 =	vld [tilespmem:$0x47C0];
	v14 =	vmul.f32 v32, v14;
	v37 =	vpop (erf);
	(erf) = vrcp.f32 v33  }
0x283: {  	v47 =	vadd.f32 v27, v27;
	[tilespmem:$0x4B10] =	vst v25;
	v7 =	vmul.f32 v7, v42;
	v42 =	vld [tilespmem:$0x3FE0];
	v39 =	vpop (erf);
	(erf) = vrcp.f32 v34  }
0x284: {  	v45 =	vld [tilespmem:$0x41E0];
	v8 =	vmul.f32 v30, v8;
	[tilespmem:$0x4B80] =	vst v2;
	v14 =	vmul.f32 v14, v48  }
0x285: {  	[tilespmem:$0x4B90] =	vst v7;
	v48 =	vld [tilespmem:$0x3DF0];
	v61 =	vmul.f32 v51, v0;
	v7 =	vmul.f32 v36, v47;
	v43 =	vpop (erf)  }
0x286: {  	v38 =	vld [tilespmem:$0x47D0];
	[tilespmem:$0x4B20] =	vst v8;
	v1 =	vmul.f32 v37, v1;
	v2 =	vmul.f32 v39, v5;
	v46 =	vpop (erf)  }
0x287: {  	v53 =	vld [tilespmem:$0x41F0];
	[tilespmem:$0x4BA0] =	vst v14;
	v4 =	vmul.f32 v43, v4;
	v49 =	vpop (erf);
	v6 =	vmul.f32 v46, v44  }
0x288: {  	v55 =	vadd.f32 v40, v40;
	v5 =	vmul.f32 v42, v0;
	[tilespmem:$0x4B30] =	vst v1;
	v2 =	vmul.f32 v2, v54;
	v54 =	vld [tilespmem:$0x47E0];
	v52 =	vpop (erf)  }
0x289: {  	[tilespmem:$0x4B40] =	vst v4;
	v1 =	vmul.f32 v6, v3;
	v3 =	vmul.f32 v52, v50;
	v56 =	vpop (erf)  }
0x28a: {  	v59 =	vld [tilespmem:$0x47F0];
	v58 =	vmul.f32 v45, v55;
	v11 =	vadd.f32 v48, v48;
	[tilespmem:$0x4BB0] =	vst v2;
	v2 =	vmul.f32 v49, v7;
	v57 =	vpop (erf)  }
0x28b: {  	v3 =	vmul.f32 v3, v38;
	[tilespmem:$0x4BC0] =	vst v1;
	v1 =	vmul.f32 v57, v5;
	v60 =	vpop (erf)  }
0x28c: {  	v62 =	vmul.f32 v53, v11;
	[tilespmem:$0x4B50] =	vst v2;
	v2 =	vmul.f32 v56, v58;
	v63 =	vpop (erf)  }
0x28d: {  	[tilespmem:$0x4BD0] =	vst v3;
	v1 =	vmul.f32 v1, v54;
	v3 =	vmul.f32 v63, v61  }
0x28e: {  	[tilespmem:$0x4B60] =	vst v2;
	v2 =	vmul.f32 v60, v62  }
0x28f: {  	s16 =	sadd.s32 $0x1, s16;
	[tilespmem:$0x4BE0] =	vst v1;
	v1 =	vmul.f32 v3, v59  }
0x290: {  	p0 =	sne.s32 s16, s6;
	[tilespmem:$0x4B70] =	vst v2  }
.Ltmp4:
0x291: {  	[tilespmem:$0x4BF0] =	vst v1;
	(pc) =	sbr.rel @p0 .LBB2_1-.Ltmp4, $4  }
0x292: {  	[hbm4b:s5+s2] =	stream.linear.scatter [tilespmem:s15], [sflag:$0x5], $0x400, $0x38;
	[tilespmem:$0x4C00] =	vst v63  }
0x293: {  	_ =	swait.ge [sflag:s9], $0x400  }
0x294: {  	[sflag:s9] =	ssyncset.done $0x0  }
0x295: {  	[sflag:s9] =	ssyncadd.s32 $0xFFFFFC00  }
0x296: {  	_ =	sfence.sel $0x180000  }
0x297: {  	[bflag:$0x0] =	sbarrier.arrive $0xFFFF  }
0x298: {  	_ =	strace $0x90000047  }
0x299: {  	s0 =	stileid.u32;
	[bflag:$0x2] =	sbarrier.arrive $0xFFFF  }
0x29a: {  	p0 =	sne.s32 s0, $0x0;
	s0 =	rddreg [dreg:$0x3]  }
0x29b: {  	s0 =	sadd.s32 @!p0 $0x100000, s0  }
0x29c: {  	[sflag:s0] =	ssyncadd.tile.s32 @!p0 $0x1;
	_ =	shalt  }
.Lfunc_end2:
_tile_overlayer_lowered:
.L_overlay_start_2:
0x29d: {  	(tag) =	ssettag $0x2  }
0x29e: {  	s0 =	rddreg [dreg:$0x0];
	s2 =	stileid.u32  }
0x29f: {  	s1 =	rddreg [dreg:$0x1];
	p0 =	sne.s32 s2, $0x0  }
0x2a0: {  	s3 =	rddreg [dreg:$0x2];
	[bflag:$0x3] =	sbarrier.arrive $0xFFFF;
	s2 =	simm.s32 @!p0 $0x1C05  }
0x2a1: {  	[timem:s3], [sflag:s2] =	dma.local @!p0 [hbm:s0], s1  }
0x2a2: {  	s0 =	simm.s32 @!p0 $0x5  }
0x2a3: {  	_ =	swait.ge @!p0 [sflag:s0], s1  }
0x2a4: {  	s1 =	ssub.s32 @!p0 $0x0, s1;
	[sflag:s0] =	ssyncset.done @!p0 $0x0  }
0x2a5: {  	[sflag:s0] =	ssyncadd.s32 @!p0 s1  }
0x2a6: {  	[bflag:$0x3] =	sbarrier.arrive $0xFFFF  }
0x2a7: {  	_ =	shalt  }

</sc_bundles>
